<compile_context>
chip_gen: v7x
topology: tpu7x:2x2x1
jax: 0.10.2.dev20260603
libtpu: 0.0.44.dev20260713+nightly
codegen_flags: <defaults>
</compile_context>

<pallas_src>
import functools

import jax
import jax.numpy as jnp
from jax import lax
from jax.experimental import pallas as pl
from jax.experimental.pallas import tpu as pltpu
from jax.experimental.pallas import tpu_sc as plsc

VOCAB = 1000000
EMBED_DIM = 64
BATCH = 16384
HIST = 50

_NC, _NS = 2, 16
_NW = _NC * _NS
_BW = BATCH // _NW
_CH = 128
_CPW = _BW // _CH
_NU = HIST * _CPW
_TP = _CH + 8

_mesh = plsc.VectorSubcoreMesh(core_axis_name="c", subcore_axis_name="s")


@functools.partial(
    pl.kernel,
    out_type=jax.ShapeDtypeStruct((HIST, 8, BATCH // _CH, 8, _CH), jnp.float32),
    mesh=_mesh,
    scratch_types=[
        pltpu.VMEM((HIST, _BW), jnp.int32),
        pltpu.VMEM((_CH, EMBED_DIM), jnp.float32),
        pltpu.VMEM((_CH, EMBED_DIM), jnp.float32),
        pltpu.VMEM((8, 8, _TP), jnp.float32),
        pltpu.VMEM((8, 8, _TP), jnp.float32),
        pltpu.SemaphoreType.DMA,
        pltpu.SemaphoreType.DMA,
        pltpu.SemaphoreType.DMA,
        pltpu.SemaphoreType.DMA,
    ],
    compiler_params=pltpu.CompilerParams(
        use_tc_tiling_on_sc=False, needs_layout_passes=False
    ),
)
def _gather_kernel(xt_hbm, table_hbm, out_hbm, idxb, g0, g1, t0, t1,
                   sg0, sg1, ss0, ss1):
    wid = lax.axis_index("s") * _NC + lax.axis_index("c")
    b0 = wid * _BW
    g = (g0, g1)
    t = (t0, t1)
    sg = (sg0, sg1)
    ss = (ss0, ss1)

    pltpu.sync_copy(xt_hbm.at[:, pl.ds(pl.multiple_of(b0, _BW), _BW)], idxb)

    jv16 = lax.iota(jnp.int32, 16)
    jvs = [jv16 + (jg * 16) for jg in range(_CH // 16)]

    def unit_hc(u):
        return u // _CPW, wid * _CPW + lax.rem(u, _CPW)

    def fire_gather(u, b):
        h, _ = unit_hc(u)
        c4 = lax.rem(u, _CPW)
        pltpu.async_copy(
            table_hbm.at[idxb.at[h, pl.ds(c4 * _CH, _CH)]], g[b], sg[b]
        )

    def drain_gather(b):
        pltpu.make_async_copy(table_hbm.at[pl.ds(0, _CH)], g[b], sg[b]).wait()

    def out_slice(u):
        h, c = unit_hc(u)
        return out_hbm.at[h, :, c, :, :]

    def t_src(b):
        return t[b].at[:, :, pl.ds(0, _CH)]

    def wait_store(u, b):
        pltpu.make_async_copy(t_src(b), out_slice(u), ss[b]).wait()

    dskew = jv16 * 9

    def transpose(b):
        @plsc.parallel_loop(0, EMBED_DIM, 1, unroll=4)
        def _(d0):
            dv = lax.bitwise_and(dskew + d0, jnp.int32(EMBED_DIM - 1))
            rv8 = lax.shift_right_logical(dv, 3)
            rv = lax.bitwise_and(dv, jnp.int32(7))
            for jg in range(_CH // 16):
                vec = plsc.load_gather(g[b], [jvs[jg], dv])
                plsc.store_scatter(t[b], [rv8, rv, jvs[jg]], vec)

    fire_gather(0, 0)
    fire_gather(1, 1)

    def body(u, b, fire_next, first):
        drain_gather(b)
        if not first:
            wait_store(u - 2, b)
        transpose(b)
        if fire_next:
            fire_gather(u + 2, b)
        pltpu.async_copy(t_src(b), out_slice(u), ss[b])

    body(0, 0, True, True)
    body(1, 1, True, True)

    def outer(i, carry):
        for b in range(2):
            body(2 * i + b, b, True, False)
        return carry

    lax.fori_loop(1, _NU // 2 - 1, outer, 0)

    body(_NU - 2, 0, False, False)
    body(_NU - 1, 1, False, False)
    wait_store(_NU - 2, 0)
    wait_store(_NU - 1, 1)


def kernel(x, embedding):
    xt = jnp.transpose(x).astype(jnp.int32)
    out5 = _gather_kernel(xt, embedding)
    out = out5.transpose(2, 4, 0, 1, 3).reshape(BATCH, HIST, EMBED_DIM)
    return out

# --- scband reference (transcript-rebuilt; emitter-appended) ---
"""Pipeline reference for scband-sparse-embedding-1898375545039 (READ-ONLY COPY).

The authoritative reference and input builder live on the scoring server;
editing this copy changes nothing except your own understanding.
"""

import jax, jax.numpy as jnp
import numpy as np

VOCAB = 1000000
EMBED_DIM = 64
BATCH = 16384
HIST = 50

def setup_inputs(seed: int = 0) -> dict:
    key = jax.random.key(seed)
    k1, k2 = jax.random.split(key)
    embedding = jax.random.normal(k1, (VOCAB, EMBED_DIM), dtype=jnp.float32)
    x = jax.random.randint(k2, (BATCH, HIST), 0, VOCAB, dtype=jnp.int64)
    return {"x": x, "embedding": embedding}

def reference(x, embedding):
    # Faithful translation of SparseEmbedding.forward (dense, non-cpu path):
    # return self.embedding[x, :]
    return jnp.take(embedding, x, axis=0)

if __name__ == "__main__":
    import jax
    _d = setup_inputs()
    print(jax.jit(kernel)(*tuple(_d.values())))

</pallas_src>

<mosaic_0001>
#map = affine_map<(d0, d1) -> (0, 0)>
#map1 = affine_map<(d0, d1) -> (0, 0, 0, 0, 0)>
module attributes {stable_mosaic.version = 14 : i64} {
  func.func @_gather_kernel(%arg0: i32, %arg1: i32, %arg2: memref<50x16384xi32, #tpu.memory_space<hbm>>, %arg3: memref<1000000x64xf32, #tpu.memory_space<hbm>>, %arg4: memref<50x8x128x8x128xf32, #tpu.memory_space<hbm>>, %arg5: memref<50x512xi32, #tpu.memory_space<vmem>>, %arg6: memref<128x64xf32, #tpu.memory_space<vmem>>, %arg7: memref<128x64xf32, #tpu.memory_space<vmem>>, %arg8: memref<8x8x136xf32, #tpu.memory_space<vmem>>, %arg9: memref<8x8x136xf32, #tpu.memory_space<vmem>>, %arg10: memref<!tpu.dma_semaphore, #tpu.memory_space<semaphore_mem>>, %arg11: memref<!tpu.dma_semaphore, #tpu.memory_space<semaphore_mem>>, %arg12: memref<!tpu.dma_semaphore, #tpu.memory_space<semaphore_mem>>, %arg13: memref<!tpu.dma_semaphore, #tpu.memory_space<semaphore_mem>>) attributes {dimension_semantics = [#tpu.dimension_semantics<core_parallel>, #tpu.dimension_semantics<subcore_parallel>], iteration_bounds = array<i64: 2, 16>, scalar_prefetch = 0 : i64, scratch_operands = 9 : i64, tpu.core_type = #tpu.core_type<sc_vector_subcore>, window_params = [{transform_indices = #map}, {transform_indices = #map}, {transform_indices = #map1}]} {
    %mul3A = arith.constant 2 : i32
    %mul3A_0 = arith.muli %arg1, %mul3A : i32
    %add3A = arith.addi %mul3A_0, %arg0 : i32
    %mul3A_1 = arith.constant 512 : i32
    %mul3A_2 = arith.muli %add3A, %mul3A_1 : i32
    %multiple_of3A = tpu.assume_multiple %mul3A_2, 512 : i32
    "tpu.region"() ({
      %run_scoped3A = tpu.sem_alloc : memref<!tpu.dma_semaphore, #tpu.memory_space<semaphore_mem>>
      %dma_start3A_335 = arith.constant 0 : i32
      %dma_start3A_336 = tpu.memref_slice %arg2[%dma_start3A_335, %multiple_of3A] : memref<50x16384xi32, #tpu.memory_space<hbm>> -> memref<50x512xi32, #tpu.memory_space<hbm>>
      %dma_start3A_337 = arith.constant 0 : i32
      %dma_start3A_338 = tpu.memref_slice %arg2[%dma_start3A_337, %multiple_of3A] : memref<50x16384xi32, #tpu.memory_space<hbm>> -> memref<50x512xi32, #tpu.memory_space<hbm>>
      tpu.enqueue_dma source(%dma_start3A_338 : memref<50x512xi32, #tpu.memory_space<hbm>>) target(%arg5 : memref<50x512xi32, #tpu.memory_space<vmem>>) target_semaphore(%run_scoped3A : memref<!tpu.dma_semaphore, #tpu.memory_space<semaphore_mem>>)
      %dma_wait3A_339 = arith.constant 0 : i32
      %dma_wait3A_340 = tpu.memref_slice %arg2[%dma_wait3A_339, %multiple_of3A] : memref<50x16384xi32, #tpu.memory_space<hbm>> -> memref<50x512xi32, #tpu.memory_space<hbm>>
      %dma_wait3A_341 = arith.constant 0 : i32
      %dma_wait3A_342 = tpu.memref_slice %arg2[%dma_wait3A_341, %multiple_of3A] : memref<50x16384xi32, #tpu.memory_space<hbm>> -> memref<50x512xi32, #tpu.memory_space<hbm>>
      tpu.wait_dma2 semaphore(%run_scoped3A : memref<!tpu.dma_semaphore, #tpu.memory_space<semaphore_mem>>) src(%dma_wait3A_342 : memref<50x512xi32, #tpu.memory_space<hbm>>) dst(%arg5 : memref<50x512xi32, #tpu.memory_space<vmem>>)
      tpu.yield
    }) : () -> ()
    %iota3A = tpu.iota {dimensions = array<i32: 0>} : vector<16xi32>
    %add3A_3 = arith.constant 0 : i32
    %add3A_4 = vector.broadcast %add3A_3 : i32 to vector<16xi32>
    %add3A_5 = arith.addi %iota3A, %add3A_4 : vector<16xi32>
    %add3A_6 = arith.constant 16 : i32
    %add3A_7 = vector.broadcast %add3A_6 : i32 to vector<16xi32>
    %add3A_8 = arith.addi %iota3A, %add3A_7 : vector<16xi32>
    %add3A_9 = arith.constant 32 : i32
    %add3A_10 = vector.broadcast %add3A_9 : i32 to vector<16xi32>
    %add3A_11 = arith.addi %iota3A, %add3A_10 : vector<16xi32>
    %add3A_12 = arith.constant 48 : i32
    %add3A_13 = vector.broadcast %add3A_12 : i32 to vector<16xi32>
    %add3A_14 = arith.addi %iota3A, %add3A_13 : vector<16xi32>
    %add3A_15 = arith.constant 64 : i32
    %add3A_16 = vector.broadcast %add3A_15 : i32 to vector<16xi32>
    %add3A_17 = arith.addi %iota3A, %add3A_16 : vector<16xi32>
    %add3A_18 = arith.constant 80 : i32
    %add3A_19 = vector.broadcast %add3A_18 : i32 to vector<16xi32>
    %add3A_20 = arith.addi %iota3A, %add3A_19 : vector<16xi32>
    %add3A_21 = arith.constant 96 : i32
    %add3A_22 = vector.broadcast %add3A_21 : i32 to vector<16xi32>
    %add3A_23 = arith.addi %iota3A, %add3A_22 : vector<16xi32>
    %add3A_24 = arith.constant 112 : i32
    %add3A_25 = vector.broadcast %add3A_24 : i32 to vector<16xi32>
    %add3A_26 = arith.addi %iota3A, %add3A_25 : vector<16xi32>
    %mul3A_27 = arith.constant 9 : i32
    %mul3A_28 = vector.broadcast %mul3A_27 : i32 to vector<16xi32>
    %mul3A_29 = arith.muli %iota3A, %mul3A_28 : vector<16xi32>
    %mul3A_30 = arith.constant 4 : i32
    %mul3A_31 = arith.muli %add3A, %mul3A_30 : i32
    %rem3A = arith.constant 0 : i32
    %rem3A_32 = arith.constant 4 : i32
    %rem3A_33 = arith.remsi %rem3A, %rem3A_32 : i32
    %add3A_34 = arith.addi %mul3A_31, %rem3A_33 : i32
    %rem3A_35 = arith.constant 0 : i32
    %rem3A_36 = arith.constant 4 : i32
    %rem3A_37 = arith.remsi %rem3A_35, %rem3A_36 : i32
    %mul3A_38 = arith.constant 128 : i32
    %mul3A_39 = arith.muli %rem3A_37, %mul3A_38 : i32
    %dma_start3A = arith.constant 0 : i32
    %dma_start3A_40 = tpu.memref_slice %arg5[%dma_start3A, %mul3A_39] : memref<50x512xi32, #tpu.memory_space<vmem>> -> memref<1x128xi32, #tpu.memory_space<vmem>>
    %dma_start3A_41 = tpu.memref_squeeze %dma_start3A_40 : memref<1x128xi32, #tpu.memory_space<vmem>> -> memref<128xi32, #tpu.memory_space<vmem>>
    %dma_start3A_42 = arith.constant 0 : i32
    %dma_start3A_43 = arith.constant 0 : i32
    %dma_start3A_44 = tpu.memref_slice %arg3[%dma_start3A_42, %dma_start3A_43] : memref<1000000x64xf32, #tpu.memory_space<hbm>> -> memref<1000000x64xf32, #tpu.memory_space<hbm>>
    tpu.enqueue_indirect_dma source(%dma_start3A_44 : memref<1000000x64xf32, #tpu.memory_space<hbm>>) target(%arg6 : memref<128x64xf32, #tpu.memory_space<vmem>>) offsets(%dma_start3A_41 : memref<128xi32, #tpu.memory_space<vmem>>) semaphore(%arg10 : memref<!tpu.dma_semaphore, #tpu.memory_space<semaphore_mem>>)
    %mul3A_45 = arith.constant 4 : i32
    %mul3A_46 = arith.muli %add3A, %mul3A_45 : i32
    %rem3A_47 = arith.constant 1 : i32
    %rem3A_48 = arith.constant 4 : i32
    %rem3A_49 = arith.remsi %rem3A_47, %rem3A_48 : i32
    %add3A_50 = arith.addi %mul3A_46, %rem3A_49 : i32
    %rem3A_51 = arith.constant 1 : i32
    %rem3A_52 = arith.constant 4 : i32
    %rem3A_53 = arith.remsi %rem3A_51, %rem3A_52 : i32
    %mul3A_54 = arith.constant 128 : i32
    %mul3A_55 = arith.muli %rem3A_53, %mul3A_54 : i32
    %dma_start3A_56 = arith.constant 0 : i32
    %dma_start3A_57 = tpu.memref_slice %arg5[%dma_start3A_56, %mul3A_55] : memref<50x512xi32, #tpu.memory_space<vmem>> -> memref<1x128xi32, #tpu.memory_space<vmem>>
    %dma_start3A_58 = tpu.memref_squeeze %dma_start3A_57 : memref<1x128xi32, #tpu.memory_space<vmem>> -> memref<128xi32, #tpu.memory_space<vmem>>
    %dma_start3A_59 = arith.constant 0 : i32
    %dma_start3A_60 = arith.constant 0 : i32
    %dma_start3A_61 = tpu.memref_slice %arg3[%dma_start3A_59, %dma_start3A_60] : memref<1000000x64xf32, #tpu.memory_space<hbm>> -> memref<1000000x64xf32, #tpu.memory_space<hbm>>
    tpu.enqueue_indirect_dma source(%dma_start3A_61 : memref<1000000x64xf32, #tpu.memory_space<hbm>>) target(%arg7 : memref<128x64xf32, #tpu.memory_space<vmem>>) offsets(%dma_start3A_58 : memref<128xi32, #tpu.memory_space<vmem>>) semaphore(%arg11 : memref<!tpu.dma_semaphore, #tpu.memory_space<semaphore_mem>>)
    %dma_wait3A = arith.constant 0 : i32
    %dma_wait3A_62 = arith.constant 0 : i32
    %dma_wait3A_63 = tpu.memref_slice %arg3[%dma_wait3A, %dma_wait3A_62] : memref<1000000x64xf32, #tpu.memory_space<hbm>> -> memref<128x64xf32, #tpu.memory_space<hbm>>
    %dma_wait3A_64 = arith.constant 0 : i32
    %dma_wait3A_65 = arith.constant 0 : i32
    %dma_wait3A_66 = tpu.memref_slice %arg3[%dma_wait3A_64, %dma_wait3A_65] : memref<1000000x64xf32, #tpu.memory_space<hbm>> -> memref<128x64xf32, #tpu.memory_space<hbm>>
    tpu.wait_dma2 semaphore(%arg10 : memref<!tpu.dma_semaphore, #tpu.memory_space<semaphore_mem>>) src(%dma_wait3A_66 : memref<128x64xf32, #tpu.memory_space<hbm>>) dst(%arg6 : memref<128x64xf32, #tpu.memory_space<vmem>>)
    %parallel_loop3A = arith.constant 0 : i32
    %parallel_loop3A_67 = arith.constant 64 : i32
    %parallel_loop3A_68 = arith.constant 1 : i32
    scf.for %parallel_loop3A_335 = %parallel_loop3A to %parallel_loop3A_67 step %parallel_loop3A_68  : i32 {
      %parallel_loop3A_336 = vector.broadcast %parallel_loop3A_335 : i32 to vector<16xi32>
      %parallel_loop3A_337 = arith.addi %mul3A_29, %parallel_loop3A_336 : vector<16xi32>
      %parallel_loop3A_338 = arith.constant 63 : i32
      %parallel_loop3A_339 = vector.broadcast %parallel_loop3A_338 : i32 to vector<16xi32>
      %parallel_loop3A_340 = arith.andi %parallel_loop3A_337, %parallel_loop3A_339 : vector<16xi32>
      %parallel_loop3A_341 = arith.constant 3 : i32
      %parallel_loop3A_342 = vector.broadcast %parallel_loop3A_341 : i32 to vector<16xi32>
      %parallel_loop3A_343 = arith.shrui %parallel_loop3A_340, %parallel_loop3A_342 : vector<16xi32>
      %parallel_loop3A_344 = arith.constant 7 : i32
      %parallel_loop3A_345 = vector.broadcast %parallel_loop3A_344 : i32 to vector<16xi32>
      %parallel_loop3A_346 = arith.andi %parallel_loop3A_340, %parallel_loop3A_345 : vector<16xi32>
      %parallel_loop3A_347 = tpu.vector_load_idx %arg6[%add3A_5, %parallel_loop3A_340] : memref<128x64xf32, #tpu.memory_space<vmem>>[vector<16xi32>, vector<16xi32>], vector<16xf32>,
      tpu.vector_store_idx %arg8[%parallel_loop3A_343, %parallel_loop3A_346, %add3A_5], %parallel_loop3A_347 : memref<8x8x136xf32, #tpu.memory_space<vmem>>[vector<16xi32>, vector<16xi32>, vector<16xi32>], vector<16xf32>,
      %parallel_loop3A_348 = tpu.vector_load_idx %arg6[%add3A_8, %parallel_loop3A_340] : memref<128x64xf32, #tpu.memory_space<vmem>>[vector<16xi32>, vector<16xi32>], vector<16xf32>,
      tpu.vector_store_idx %arg8[%parallel_loop3A_343, %parallel_loop3A_346, %add3A_8], %parallel_loop3A_348 : memref<8x8x136xf32, #tpu.memory_space<vmem>>[vector<16xi32>, vector<16xi32>, vector<16xi32>], vector<16xf32>,
      %parallel_loop3A_349 = tpu.vector_load_idx %arg6[%add3A_11, %parallel_loop3A_340] : memref<128x64xf32, #tpu.memory_space<vmem>>[vector<16xi32>, vector<16xi32>], vector<16xf32>,
      tpu.vector_store_idx %arg8[%parallel_loop3A_343, %parallel_loop3A_346, %add3A_11], %parallel_loop3A_349 : memref<8x8x136xf32, #tpu.memory_space<vmem>>[vector<16xi32>, vector<16xi32>, vector<16xi32>], vector<16xf32>,
      %parallel_loop3A_350 = tpu.vector_load_idx %arg6[%add3A_14, %parallel_loop3A_340] : memref<128x64xf32, #tpu.memory_space<vmem>>[vector<16xi32>, vector<16xi32>], vector<16xf32>,
      tpu.vector_store_idx %arg8[%parallel_loop3A_343, %parallel_loop3A_346, %add3A_14], %parallel_loop3A_350 : memref<8x8x136xf32, #tpu.memory_space<vmem>>[vector<16xi32>, vector<16xi32>, vector<16xi32>], vector<16xf32>,
      %parallel_loop3A_351 = tpu.vector_load_idx %arg6[%add3A_17, %parallel_loop3A_340] : memref<128x64xf32, #tpu.memory_space<vmem>>[vector<16xi32>, vector<16xi32>], vector<16xf32>,
      tpu.vector_store_idx %arg8[%parallel_loop3A_343, %parallel_loop3A_346, %add3A_17], %parallel_loop3A_351 : memref<8x8x136xf32, #tpu.memory_space<vmem>>[vector<16xi32>, vector<16xi32>, vector<16xi32>], vector<16xf32>,
      %parallel_loop3A_352 = tpu.vector_load_idx %arg6[%add3A_20, %parallel_loop3A_340] : memref<128x64xf32, #tpu.memory_space<vmem>>[vector<16xi32>, vector<16xi32>], vector<16xf32>,
      tpu.vector_store_idx %arg8[%parallel_loop3A_343, %parallel_loop3A_346, %add3A_20], %parallel_loop3A_352 : memref<8x8x136xf32, #tpu.memory_space<vmem>>[vector<16xi32>, vector<16xi32>, vector<16xi32>], vector<16xf32>,
      %parallel_loop3A_353 = tpu.vector_load_idx %arg6[%add3A_23, %parallel_loop3A_340] : memref<128x64xf32, #tpu.memory_space<vmem>>[vector<16xi32>, vector<16xi32>], vector<16xf32>,
      tpu.vector_store_idx %arg8[%parallel_loop3A_343, %parallel_loop3A_346, %add3A_23], %parallel_loop3A_353 : memref<8x8x136xf32, #tpu.memory_space<vmem>>[vector<16xi32>, vector<16xi32>, vector<16xi32>], vector<16xf32>,
      %parallel_loop3A_354 = tpu.vector_load_idx %arg6[%add3A_26, %parallel_loop3A_340] : memref<128x64xf32, #tpu.memory_space<vmem>>[vector<16xi32>, vector<16xi32>], vector<16xf32>,
      tpu.vector_store_idx %arg8[%parallel_loop3A_343, %parallel_loop3A_346, %add3A_26], %parallel_loop3A_354 : memref<8x8x136xf32, #tpu.memory_space<vmem>>[vector<16xi32>, vector<16xi32>, vector<16xi32>], vector<16xf32>,
    } {sc.loop_unroll_factor = 4 : i64, sc.parallel_access}
    %mul3A_69 = arith.constant 4 : i32
    %mul3A_70 = arith.muli %add3A, %mul3A_69 : i32
    %rem3A_71 = arith.constant 2 : i32
    %rem3A_72 = arith.constant 4 : i32
    %rem3A_73 = arith.remsi %rem3A_71, %rem3A_72 : i32
    %add3A_74 = arith.addi %mul3A_70, %rem3A_73 : i32
    %rem3A_75 = arith.constant 2 : i32
    %rem3A_76 = arith.constant 4 : i32
    %rem3A_77 = arith.remsi %rem3A_75, %rem3A_76 : i32
    %mul3A_78 = arith.constant 128 : i32
    %mul3A_79 = arith.muli %rem3A_77, %mul3A_78 : i32
    %dma_start3A_80 = arith.constant 0 : i32
    %dma_start3A_81 = tpu.memref_slice %arg5[%dma_start3A_80, %mul3A_79] : memref<50x512xi32, #tpu.memory_space<vmem>> -> memref<1x128xi32, #tpu.memory_space<vmem>>
    %dma_start3A_82 = tpu.memref_squeeze %dma_start3A_81 : memref<1x128xi32, #tpu.memory_space<vmem>> -> memref<128xi32, #tpu.memory_space<vmem>>
    %dma_start3A_83 = arith.constant 0 : i32
    %dma_start3A_84 = arith.constant 0 : i32
    %dma_start3A_85 = tpu.memref_slice %arg3[%dma_start3A_83, %dma_start3A_84] : memref<1000000x64xf32, #tpu.memory_space<hbm>> -> memref<1000000x64xf32, #tpu.memory_space<hbm>>
    tpu.enqueue_indirect_dma source(%dma_start3A_85 : memref<1000000x64xf32, #tpu.memory_space<hbm>>) target(%arg6 : memref<128x64xf32, #tpu.memory_space<vmem>>) offsets(%dma_start3A_82 : memref<128xi32, #tpu.memory_space<vmem>>) semaphore(%arg10 : memref<!tpu.dma_semaphore, #tpu.memory_space<semaphore_mem>>)
    %mul3A_86 = arith.constant 4 : i32
    %mul3A_87 = arith.muli %add3A, %mul3A_86 : i32
    %rem3A_88 = arith.constant 0 : i32
    %rem3A_89 = arith.constant 4 : i32
    %rem3A_90 = arith.remsi %rem3A_88, %rem3A_89 : i32
    %add3A_91 = arith.addi %mul3A_87, %rem3A_90 : i32
    %dma_start3A_92 = arith.constant 0 : i32
    %dma_start3A_93 = arith.constant 0 : i32
    %dma_start3A_94 = arith.constant 0 : i32
    %dma_start3A_95 = arith.constant 0 : i32
    %dma_start3A_96 = tpu.memref_slice %arg8[%dma_start3A_93, %dma_start3A_94, %dma_start3A_95] : memref<8x8x136xf32, #tpu.memory_space<vmem>> -> memref<8x8x128xf32, #tpu.memory_space<vmem>>
    %dma_start3A_97 = arith.constant 0 : i32
    %dma_start3A_98 = arith.constant 0 : i32
    %dma_start3A_99 = arith.constant 0 : i32
    %dma_start3A_100 = tpu.memref_slice %arg4[%dma_start3A_92, %dma_start3A_97, %add3A_91, %dma_start3A_98, %dma_start3A_99] : memref<50x8x128x8x128xf32, #tpu.memory_space<hbm>> -> memref<1x8x1x8x128xf32, #tpu.memory_space<hbm>>
    %dma_start3A_101 = tpu.memref_squeeze %dma_start3A_100 : memref<1x8x1x8x128xf32, #tpu.memory_space<hbm>> -> memref<8x8x128xf32, #tpu.memory_space<hbm>>
    %dma_start3A_102 = arith.constant 0 : i32
    %dma_start3A_103 = arith.constant 0 : i32
    %dma_start3A_104 = arith.constant 0 : i32
    %dma_start3A_105 = tpu.memref_slice %arg4[%dma_start3A_92, %dma_start3A_102, %add3A_91, %dma_start3A_103, %dma_start3A_104] : memref<50x8x128x8x128xf32, #tpu.memory_space<hbm>> -> memref<1x8x1x8x128xf32, #tpu.memory_space<hbm>>
    %dma_start3A_106 = tpu.memref_squeeze %dma_start3A_105 : memref<1x8x1x8x128xf32, #tpu.memory_space<hbm>> -> memref<8x8x128xf32, #tpu.memory_space<hbm>>
    %dma_start3A_107 = arith.constant 0 : i32
    %dma_start3A_108 = arith.constant 0 : i32
    %dma_start3A_109 = arith.constant 0 : i32
    %dma_start3A_110 = tpu.memref_slice %arg8[%dma_start3A_107, %dma_start3A_108, %dma_start3A_109] : memref<8x8x136xf32, #tpu.memory_space<vmem>> -> memref<8x8x128xf32, #tpu.memory_space<vmem>>
    tpu.enqueue_dma source(%dma_start3A_110 : memref<8x8x128xf32, #tpu.memory_space<vmem>>) target(%dma_start3A_106 : memref<8x8x128xf32, #tpu.memory_space<hbm>>) target_semaphore(%arg12 : memref<!tpu.dma_semaphore, #tpu.memory_space<semaphore_mem>>)
    %dma_wait3A_111 = arith.constant 0 : i32
    %dma_wait3A_112 = arith.constant 0 : i32
    %dma_wait3A_113 = tpu.memref_slice %arg3[%dma_wait3A_111, %dma_wait3A_112] : memref<1000000x64xf32, #tpu.memory_space<hbm>> -> memref<128x64xf32, #tpu.memory_space<hbm>>
    %dma_wait3A_114 = arith.constant 0 : i32
    %dma_wait3A_115 = arith.constant 0 : i32
    %dma_wait3A_116 = tpu.memref_slice %arg3[%dma_wait3A_114, %dma_wait3A_115] : memref<1000000x64xf32, #tpu.memory_space<hbm>> -> memref<128x64xf32, #tpu.memory_space<hbm>>
    tpu.wait_dma2 semaphore(%arg11 : memref<!tpu.dma_semaphore, #tpu.memory_space<semaphore_mem>>) src(%dma_wait3A_116 : memref<128x64xf32, #tpu.memory_space<hbm>>) dst(%arg7 : memref<128x64xf32, #tpu.memory_space<vmem>>)
    %parallel_loop3A_117 = arith.constant 0 : i32
    %parallel_loop3A_118 = arith.constant 64 : i32
    %parallel_loop3A_119 = arith.constant 1 : i32
    scf.for %parallel_loop3A_335 = %parallel_loop3A_117 to %parallel_loop3A_118 step %parallel_loop3A_119  : i32 {
      %parallel_loop3A_336 = vector.broadcast %parallel_loop3A_335 : i32 to vector<16xi32>
      %parallel_loop3A_337 = arith.addi %mul3A_29, %parallel_loop3A_336 : vector<16xi32>
      %parallel_loop3A_338 = arith.constant 63 : i32
      %parallel_loop3A_339 = vector.broadcast %parallel_loop3A_338 : i32 to vector<16xi32>
      %parallel_loop3A_340 = arith.andi %parallel_loop3A_337, %parallel_loop3A_339 : vector<16xi32>
      %parallel_loop3A_341 = arith.constant 3 : i32
      %parallel_loop3A_342 = vector.broadcast %parallel_loop3A_341 : i32 to vector<16xi32>
      %parallel_loop3A_343 = arith.shrui %parallel_loop3A_340, %parallel_loop3A_342 : vector<16xi32>
      %parallel_loop3A_344 = arith.constant 7 : i32
      %parallel_loop3A_345 = vector.broadcast %parallel_loop3A_344 : i32 to vector<16xi32>
      %parallel_loop3A_346 = arith.andi %parallel_loop3A_340, %parallel_loop3A_345 : vector<16xi32>
      %parallel_loop3A_347 = tpu.vector_load_idx %arg7[%add3A_5, %parallel_loop3A_340] : memref<128x64xf32, #tpu.memory_space<vmem>>[vector<16xi32>, vector<16xi32>], vector<16xf32>,
      tpu.vector_store_idx %arg9[%parallel_loop3A_343, %parallel_loop3A_346, %add3A_5], %parallel_loop3A_347 : memref<8x8x136xf32, #tpu.memory_space<vmem>>[vector<16xi32>, vector<16xi32>, vector<16xi32>], vector<16xf32>,
      %parallel_loop3A_348 = tpu.vector_load_idx %arg7[%add3A_8, %parallel_loop3A_340] : memref<128x64xf32, #tpu.memory_space<vmem>>[vector<16xi32>, vector<16xi32>], vector<16xf32>,
      tpu.vector_store_idx %arg9[%parallel_loop3A_343, %parallel_loop3A_346, %add3A_8], %parallel_loop3A_348 : memref<8x8x136xf32, #tpu.memory_space<vmem>>[vector<16xi32>, vector<16xi32>, vector<16xi32>], vector<16xf32>,
      %parallel_loop3A_349 = tpu.vector_load_idx %arg7[%add3A_11, %parallel_loop3A_340] : memref<128x64xf32, #tpu.memory_space<vmem>>[vector<16xi32>, vector<16xi32>], vector<16xf32>,
      tpu.vector_store_idx %arg9[%parallel_loop3A_343, %parallel_loop3A_346, %add3A_11], %parallel_loop3A_349 : memref<8x8x136xf32, #tpu.memory_space<vmem>>[vector<16xi32>, vector<16xi32>, vector<16xi32>], vector<16xf32>,
      %parallel_loop3A_350 = tpu.vector_load_idx %arg7[%add3A_14, %parallel_loop3A_340] : memref<128x64xf32, #tpu.memory_space<vmem>>[vector<16xi32>, vector<16xi32>], vector<16xf32>,
      tpu.vector_store_idx %arg9[%parallel_loop3A_343, %parallel_loop3A_346, %add3A_14], %parallel_loop3A_350 : memref<8x8x136xf32, #tpu.memory_space<vmem>>[vector<16xi32>, vector<16xi32>, vector<16xi32>], vector<16xf32>,
      %parallel_loop3A_351 = tpu.vector_load_idx %arg7[%add3A_17, %parallel_loop3A_340] : memref<128x64xf32, #tpu.memory_space<vmem>>[vector<16xi32>, vector<16xi32>], vector<16xf32>,
      tpu.vector_store_idx %arg9[%parallel_loop3A_343, %parallel_loop3A_346, %add3A_17], %parallel_loop3A_351 : memref<8x8x136xf32, #tpu.memory_space<vmem>>[vector<16xi32>, vector<16xi32>, vector<16xi32>], vector<16xf32>,
      %parallel_loop3A_352 = tpu.vector_load_idx %arg7[%add3A_20, %parallel_loop3A_340] : memref<128x64xf32, #tpu.memory_space<vmem>>[vector<16xi32>, vector<16xi32>], vector<16xf32>,
      tpu.vector_store_idx %arg9[%parallel_loop3A_343, %parallel_loop3A_346, %add3A_20], %parallel_loop3A_352 : memref<8x8x136xf32, #tpu.memory_space<vmem>>[vector<16xi32>, vector<16xi32>, vector<16xi32>], vector<16xf32>,
      %parallel_loop3A_353 = tpu.vector_load_idx %arg7[%add3A_23, %parallel_loop3A_340] : memref<128x64xf32, #tpu.memory_space<vmem>>[vector<16xi32>, vector<16xi32>], vector<16xf32>,
      tpu.vector_store_idx %arg9[%parallel_loop3A_343, %parallel_loop3A_346, %add3A_23], %parallel_loop3A_353 : memref<8x8x136xf32, #tpu.memory_space<vmem>>[vector<16xi32>, vector<16xi32>, vector<16xi32>], vector<16xf32>,
      %parallel_loop3A_354 = tpu.vector_load_idx %arg7[%add3A_26, %parallel_loop3A_340] : memref<128x64xf32, #tpu.memory_space<vmem>>[vector<16xi32>, vector<16xi32>], vector<16xf32>,
      tpu.vector_store_idx %arg9[%parallel_loop3A_343, %parallel_loop3A_346, %add3A_26], %parallel_loop3A_354 : memref<8x8x136xf32, #tpu.memory_space<vmem>>[vector<16xi32>, vector<16xi32>, vector<16xi32>], vector<16xf32>,
    } {sc.loop_unroll_factor = 4 : i64, sc.parallel_access}
    %mul3A_120 = arith.constant 4 : i32
    %mul3A_121 = arith.muli %add3A, %mul3A_120 : i32
    %rem3A_122 = arith.constant 3 : i32
    %rem3A_123 = arith.constant 4 : i32
    %rem3A_124 = arith.remsi %rem3A_122, %rem3A_123 : i32
    %add3A_125 = arith.addi %mul3A_121, %rem3A_124 : i32
    %rem3A_126 = arith.constant 3 : i32
    %rem3A_127 = arith.constant 4 : i32
    %rem3A_128 = arith.remsi %rem3A_126, %rem3A_127 : i32
    %mul3A_129 = arith.constant 128 : i32
    %mul3A_130 = arith.muli %rem3A_128, %mul3A_129 : i32
    %dma_start3A_131 = arith.constant 0 : i32
    %dma_start3A_132 = tpu.memref_slice %arg5[%dma_start3A_131, %mul3A_130] : memref<50x512xi32, #tpu.memory_space<vmem>> -> memref<1x128xi32, #tpu.memory_space<vmem>>
    %dma_start3A_133 = tpu.memref_squeeze %dma_start3A_132 : memref<1x128xi32, #tpu.memory_space<vmem>> -> memref<128xi32, #tpu.memory_space<vmem>>
    %dma_start3A_134 = arith.constant 0 : i32
    %dma_start3A_135 = arith.constant 0 : i32
    %dma_start3A_136 = tpu.memref_slice %arg3[%dma_start3A_134, %dma_start3A_135] : memref<1000000x64xf32, #tpu.memory_space<hbm>> -> memref<1000000x64xf32, #tpu.memory_space<hbm>>
    tpu.enqueue_indirect_dma source(%dma_start3A_136 : memref<1000000x64xf32, #tpu.memory_space<hbm>>) target(%arg7 : memref<128x64xf32, #tpu.memory_space<vmem>>) offsets(%dma_start3A_133 : memref<128xi32, #tpu.memory_space<vmem>>) semaphore(%arg11 : memref<!tpu.dma_semaphore, #tpu.memory_space<semaphore_mem>>)
    %mul3A_137 = arith.constant 4 : i32
    %mul3A_138 = arith.muli %add3A, %mul3A_137 : i32
    %rem3A_139 = arith.constant 1 : i32
    %rem3A_140 = arith.constant 4 : i32
    %rem3A_141 = arith.remsi %rem3A_139, %rem3A_140 : i32
    %add3A_142 = arith.addi %mul3A_138, %rem3A_141 : i32
    %dma_start3A_143 = arith.constant 0 : i32
    %dma_start3A_144 = arith.constant 0 : i32
    %dma_start3A_145 = arith.constant 0 : i32
    %dma_start3A_146 = arith.constant 0 : i32
    %dma_start3A_147 = tpu.memref_slice %arg9[%dma_start3A_144, %dma_start3A_145, %dma_start3A_146] : memref<8x8x136xf32, #tpu.memory_space<vmem>> -> memref<8x8x128xf32, #tpu.memory_space<vmem>>
    %dma_start3A_148 = arith.constant 0 : i32
    %dma_start3A_149 = arith.constant 0 : i32
    %dma_start3A_150 = arith.constant 0 : i32
    %dma_start3A_151 = tpu.memref_slice %arg4[%dma_start3A_143, %dma_start3A_148, %add3A_142, %dma_start3A_149, %dma_start3A_150] : memref<50x8x128x8x128xf32, #tpu.memory_space<hbm>> -> memref<1x8x1x8x128xf32, #tpu.memory_space<hbm>>
    %dma_start3A_152 = tpu.memref_squeeze %dma_start3A_151 : memref<1x8x1x8x128xf32, #tpu.memory_space<hbm>> -> memref<8x8x128xf32, #tpu.memory_space<hbm>>
    %dma_start3A_153 = arith.constant 0 : i32
    %dma_start3A_154 = arith.constant 0 : i32
    %dma_start3A_155 = arith.constant 0 : i32
    %dma_start3A_156 = tpu.memref_slice %arg4[%dma_start3A_143, %dma_start3A_153, %add3A_142, %dma_start3A_154, %dma_start3A_155] : memref<50x8x128x8x128xf32, #tpu.memory_space<hbm>> -> memref<1x8x1x8x128xf32, #tpu.memory_space<hbm>>
    %dma_start3A_157 = tpu.memref_squeeze %dma_start3A_156 : memref<1x8x1x8x128xf32, #tpu.memory_space<hbm>> -> memref<8x8x128xf32, #tpu.memory_space<hbm>>
    %dma_start3A_158 = arith.constant 0 : i32
    %dma_start3A_159 = arith.constant 0 : i32
    %dma_start3A_160 = arith.constant 0 : i32
    %dma_start3A_161 = tpu.memref_slice %arg9[%dma_start3A_158, %dma_start3A_159, %dma_start3A_160] : memref<8x8x136xf32, #tpu.memory_space<vmem>> -> memref<8x8x128xf32, #tpu.memory_space<vmem>>
    tpu.enqueue_dma source(%dma_start3A_161 : memref<8x8x128xf32, #tpu.memory_space<vmem>>) target(%dma_start3A_157 : memref<8x8x128xf32, #tpu.memory_space<hbm>>) target_semaphore(%arg13 : memref<!tpu.dma_semaphore, #tpu.memory_space<semaphore_mem>>)
    %scan3A = arith.constant 0 : i32
    %scan3A_162 = arith.constant 1 : i32
    %scan3A_163 = arith.constant 98 : i32
    %scan3A_164 = arith.addi %scan3A_162, %scan3A_163 : i32
    %scan3A_165 = arith.constant 1 : i32
    scf.for %scan3A_335 = %scan3A_162 to %scan3A_164 step %scan3A_165  : i32 {
      %mul3A_336 = arith.constant 2 : i32
      %mul3A_337 = arith.muli %mul3A_336, %scan3A_335 : i32
      %add3A_338 = arith.constant 0 : i32
      %add3A_339 = arith.addi %mul3A_337, %add3A_338 : i32
      %dma_wait3A_340 = arith.constant 0 : i32
      %dma_wait3A_341 = arith.constant 0 : i32
      %dma_wait3A_342 = tpu.memref_slice %arg3[%dma_wait3A_340, %dma_wait3A_341] : memref<1000000x64xf32, #tpu.memory_space<hbm>> -> memref<128x64xf32, #tpu.memory_space<hbm>>
      %dma_wait3A_343 = arith.constant 0 : i32
      %dma_wait3A_344 = arith.constant 0 : i32
      %dma_wait3A_345 = tpu.memref_slice %arg3[%dma_wait3A_343, %dma_wait3A_344] : memref<1000000x64xf32, #tpu.memory_space<hbm>> -> memref<128x64xf32, #tpu.memory_space<hbm>>
      tpu.wait_dma2 semaphore(%arg10 : memref<!tpu.dma_semaphore, #tpu.memory_space<semaphore_mem>>) src(%dma_wait3A_345 : memref<128x64xf32, #tpu.memory_space<hbm>>) dst(%arg6 : memref<128x64xf32, #tpu.memory_space<vmem>>)
      %sub3A = arith.constant 2 : i32
      %sub3A_346 = arith.subi %add3A_339, %sub3A : i32
      %jit3A = arith.constant 4 : i32
      %div3A = arith.divsi %sub3A_346, %jit3A : i32
      %sign3A = arith.constant 0 : i32
      %sign3A_347 = arith.cmpi sgt, %sub3A_346, %sign3A : i32
      %sign3A_348 = arith.extui %sign3A_347 : i1 to i32
      %sign3A_349 = arith.constant 0 : i32
      %sign3A_350 = arith.cmpi slt, %sub3A_346, %sign3A_349 : i32
      %sign3A_351 = arith.extui %sign3A_350 : i1 to i32
      %sign3A_352 = arith.subi %sign3A_348, %sign3A_351 : i32
      %sign3A_353 = arith.constant 0 : i32
      %sign3A_354 = arith.cmpi sgt, %jit3A, %sign3A_353 : i32
      %sign3A_355 = arith.extui %sign3A_354 : i1 to i32
      %sign3A_356 = arith.constant 0 : i32
      %sign3A_357 = arith.cmpi slt, %jit3A, %sign3A_356 : i32
      %sign3A_358 = arith.extui %sign3A_357 : i1 to i32
      %sign3A_359 = arith.subi %sign3A_355, %sign3A_358 : i32
      %ne3A = arith.cmpi ne, %sign3A_352, %sign3A_359 : i32
      %rem3A_360 = arith.remsi %sub3A_346, %jit3A : i32
      %ne3A_361 = arith.constant 0 : i32
      %ne3A_362 = arith.cmpi ne, %rem3A_360, %ne3A_361 : i32
      %and3A = arith.andi %ne3A, %ne3A_362 : i1
      %sub3A_363 = arith.constant 1 : i32
      %sub3A_364 = arith.subi %div3A, %sub3A_363 : i32
      %select_n3A = arith.select %and3A, %sub3A_364, %div3A : i32
      %mul3A_365 = arith.constant 4 : i32
      %mul3A_366 = arith.muli %add3A, %mul3A_365 : i32
      %rem3A_367 = arith.constant 4 : i32
      %rem3A_368 = arith.remsi %sub3A_346, %rem3A_367 : i32
      %add3A_369 = arith.addi %mul3A_366, %rem3A_368 : i32
      %dma_wait3A_370 = arith.constant 0 : i32
      %dma_wait3A_371 = arith.constant 0 : i32
      %dma_wait3A_372 = arith.constant 0 : i32
      %dma_wait3A_373 = tpu.memref_slice %arg8[%dma_wait3A_370, %dma_wait3A_371, %dma_wait3A_372] : memref<8x8x136xf32, #tpu.memory_space<vmem>> -> memref<8x8x128xf32, #tpu.memory_space<vmem>>
      %dma_wait3A_374 = arith.constant 0 : i32
      %dma_wait3A_375 = arith.constant 0 : i32
      %dma_wait3A_376 = arith.constant 0 : i32
      %dma_wait3A_377 = tpu.memref_slice %arg4[%select_n3A, %dma_wait3A_374, %add3A_369, %dma_wait3A_375, %dma_wait3A_376] : memref<50x8x128x8x128xf32, #tpu.memory_space<hbm>> -> memref<1x8x1x8x128xf32, #tpu.memory_space<hbm>>
      %dma_wait3A_378 = tpu.memref_squeeze %dma_wait3A_377 : memref<1x8x1x8x128xf32, #tpu.memory_space<hbm>> -> memref<8x8x128xf32, #tpu.memory_space<hbm>>
      %dma_wait3A_379 = arith.constant 0 : i32
      %dma_wait3A_380 = arith.constant 0 : i32
      %dma_wait3A_381 = arith.constant 0 : i32
      %dma_wait3A_382 = tpu.memref_slice %arg4[%select_n3A, %dma_wait3A_379, %add3A_369, %dma_wait3A_380, %dma_wait3A_381] : memref<50x8x128x8x128xf32, #tpu.memory_space<hbm>> -> memref<1x8x1x8x128xf32, #tpu.memory_space<hbm>>
      %dma_wait3A_383 = tpu.memref_squeeze %dma_wait3A_382 : memref<1x8x1x8x128xf32, #tpu.memory_space<hbm>> -> memref<8x8x128xf32, #tpu.memory_space<hbm>>
      %dma_wait3A_384 = arith.constant 0 : i32
      %dma_wait3A_385 = arith.constant 0 : i32
      %dma_wait3A_386 = arith.constant 0 : i32
      %dma_wait3A_387 = tpu.memref_slice %arg8[%dma_wait3A_384, %dma_wait3A_385, %dma_wait3A_386] : memref<8x8x136xf32, #tpu.memory_space<vmem>> -> memref<8x8x128xf32, #tpu.memory_space<vmem>>
      tpu.wait_dma2 semaphore(%arg12 : memref<!tpu.dma_semaphore, #tpu.memory_space<semaphore_mem>>) src(%dma_wait3A_387 : memref<8x8x128xf32, #tpu.memory_space<vmem>>) dst(%dma_wait3A_383 : memref<8x8x128xf32, #tpu.memory_space<hbm>>)
      %parallel_loop3A_388 = arith.constant 0 : i32
      %parallel_loop3A_389 = arith.constant 64 : i32
      %parallel_loop3A_390 = arith.constant 1 : i32
      scf.for %parallel_loop3A_627 = %parallel_loop3A_388 to %parallel_loop3A_389 step %parallel_loop3A_390  : i32 {
        %parallel_loop3A_628 = vector.broadcast %parallel_loop3A_627 : i32 to vector<16xi32>
        %parallel_loop3A_629 = arith.addi %mul3A_29, %parallel_loop3A_628 : vector<16xi32>
        %parallel_loop3A_630 = arith.constant 63 : i32
        %parallel_loop3A_631 = vector.broadcast %parallel_loop3A_630 : i32 to vector<16xi32>
        %parallel_loop3A_632 = arith.andi %parallel_loop3A_629, %parallel_loop3A_631 : vector<16xi32>
        %parallel_loop3A_633 = arith.constant 3 : i32
        %parallel_loop3A_634 = vector.broadcast %parallel_loop3A_633 : i32 to vector<16xi32>
        %parallel_loop3A_635 = arith.shrui %parallel_loop3A_632, %parallel_loop3A_634 : vector<16xi32>
        %parallel_loop3A_636 = arith.constant 7 : i32
        %parallel_loop3A_637 = vector.broadcast %parallel_loop3A_636 : i32 to vector<16xi32>
        %parallel_loop3A_638 = arith.andi %parallel_loop3A_632, %parallel_loop3A_637 : vector<16xi32>
        %parallel_loop3A_639 = tpu.vector_load_idx %arg6[%add3A_5, %parallel_loop3A_632] : memref<128x64xf32, #tpu.memory_space<vmem>>[vector<16xi32>, vector<16xi32>], vector<16xf32>,
        tpu.vector_store_idx %arg8[%parallel_loop3A_635, %parallel_loop3A_638, %add3A_5], %parallel_loop3A_639 : memref<8x8x136xf32, #tpu.memory_space<vmem>>[vector<16xi32>, vector<16xi32>, vector<16xi32>], vector<16xf32>,
        %parallel_loop3A_640 = tpu.vector_load_idx %arg6[%add3A_8, %parallel_loop3A_632] : memref<128x64xf32, #tpu.memory_space<vmem>>[vector<16xi32>, vector<16xi32>], vector<16xf32>,
        tpu.vector_store_idx %arg8[%parallel_loop3A_635, %parallel_loop3A_638, %add3A_8], %parallel_loop3A_640 : memref<8x8x136xf32, #tpu.memory_space<vmem>>[vector<16xi32>, vector<16xi32>, vector<16xi32>], vector<16xf32>,
        %parallel_loop3A_641 = tpu.vector_load_idx %arg6[%add3A_11, %parallel_loop3A_632] : memref<128x64xf32, #tpu.memory_space<vmem>>[vector<16xi32>, vector<16xi32>], vector<16xf32>,
        tpu.vector_store_idx %arg8[%parallel_loop3A_635, %parallel_loop3A_638, %add3A_11], %parallel_loop3A_641 : memref<8x8x136xf32, #tpu.memory_space<vmem>>[vector<16xi32>, vector<16xi32>, vector<16xi32>], vector<16xf32>,
        %parallel_loop3A_642 = tpu.vector_load_idx %arg6[%add3A_14, %parallel_loop3A_632] : memref<128x64xf32, #tpu.memory_space<vmem>>[vector<16xi32>, vector<16xi32>], vector<16xf32>,
        tpu.vector_store_idx %arg8[%parallel_loop3A_635, %parallel_loop3A_638, %add3A_14], %parallel_loop3A_642 : memref<8x8x136xf32, #tpu.memory_space<vmem>>[vector<16xi32>, vector<16xi32>, vector<16xi32>], vector<16xf32>,
        %parallel_loop3A_643 = tpu.vector_load_idx %arg6[%add3A_17, %parallel_loop3A_632] : memref<128x64xf32, #tpu.memory_space<vmem>>[vector<16xi32>, vector<16xi32>], vector<16xf32>,
        tpu.vector_store_idx %arg8[%parallel_loop3A_635, %parallel_loop3A_638, %add3A_17], %parallel_loop3A_643 : memref<8x8x136xf32, #tpu.memory_space<vmem>>[vector<16xi32>, vector<16xi32>, vector<16xi32>], vector<16xf32>,
        %parallel_loop3A_644 = tpu.vector_load_idx %arg6[%add3A_20, %parallel_loop3A_632] : memref<128x64xf32, #tpu.memory_space<vmem>>[vector<16xi32>, vector<16xi32>], vector<16xf32>,
        tpu.vector_store_idx %arg8[%parallel_loop3A_635, %parallel_loop3A_638, %add3A_20], %parallel_loop3A_644 : memref<8x8x136xf32, #tpu.memory_space<vmem>>[vector<16xi32>, vector<16xi32>, vector<16xi32>], vector<16xf32>,
        %parallel_loop3A_645 = tpu.vector_load_idx %arg6[%add3A_23, %parallel_loop3A_632] : memref<128x64xf32, #tpu.memory_space<vmem>>[vector<16xi32>, vector<16xi32>], vector<16xf32>,
        tpu.vector_store_idx %arg8[%parallel_loop3A_635, %parallel_loop3A_638, %add3A_23], %parallel_loop3A_645 : memref<8x8x136xf32, #tpu.memory_space<vmem>>[vector<16xi32>, vector<16xi32>, vector<16xi32>], vector<16xf32>,
        %parallel_loop3A_646 = tpu.vector_load_idx %arg6[%add3A_26, %parallel_loop3A_632] : memref<128x64xf32, #tpu.memory_space<vmem>>[vector<16xi32>, vector<16xi32>], vector<16xf32>,
        tpu.vector_store_idx %arg8[%parallel_loop3A_635, %parallel_loop3A_638, %add3A_26], %parallel_loop3A_646 : memref<8x8x136xf32, #tpu.memory_space<vmem>>[vector<16xi32>, vector<16xi32>, vector<16xi32>], vector<16xf32>,
      } {sc.loop_unroll_factor = 4 : i64, sc.parallel_access}
      %add3A_391 = arith.constant 2 : i32
      %add3A_392 = arith.addi %add3A_339, %add3A_391 : i32
      %jit3A_393 = arith.constant 4 : i32
      %div3A_394 = arith.divsi %add3A_392, %jit3A_393 : i32
      %sign3A_395 = arith.constant 0 : i32
      %sign3A_396 = arith.cmpi sgt, %add3A_392, %sign3A_395 : i32
      %sign3A_397 = arith.extui %sign3A_396 : i1 to i32
      %sign3A_398 = arith.constant 0 : i32
      %sign3A_399 = arith.cmpi slt, %add3A_392, %sign3A_398 : i32
      %sign3A_400 = arith.extui %sign3A_399 : i1 to i32
      %sign3A_401 = arith.subi %sign3A_397, %sign3A_400 : i32
      %sign3A_402 = arith.constant 0 : i32
      %sign3A_403 = arith.cmpi sgt, %jit3A_393, %sign3A_402 : i32
      %sign3A_404 = arith.extui %sign3A_403 : i1 to i32
      %sign3A_405 = arith.constant 0 : i32
      %sign3A_406 = arith.cmpi slt, %jit3A_393, %sign3A_405 : i32
      %sign3A_407 = arith.extui %sign3A_406 : i1 to i32
      %sign3A_408 = arith.subi %sign3A_404, %sign3A_407 : i32
      %ne3A_409 = arith.cmpi ne, %sign3A_401, %sign3A_408 : i32
      %rem3A_410 = arith.remsi %add3A_392, %jit3A_393 : i32
      %ne3A_411 = arith.constant 0 : i32
      %ne3A_412 = arith.cmpi ne, %rem3A_410, %ne3A_411 : i32
      %and3A_413 = arith.andi %ne3A_409, %ne3A_412 : i1
      %sub3A_414 = arith.constant 1 : i32
      %sub3A_415 = arith.subi %div3A_394, %sub3A_414 : i32
      %select_n3A_416 = arith.select %and3A_413, %sub3A_415, %div3A_394 : i32
      %mul3A_417 = arith.constant 4 : i32
      %mul3A_418 = arith.muli %add3A, %mul3A_417 : i32
      %rem3A_419 = arith.constant 4 : i32
      %rem3A_420 = arith.remsi %add3A_392, %rem3A_419 : i32
      %add3A_421 = arith.addi %mul3A_418, %rem3A_420 : i32
      %rem3A_422 = arith.constant 4 : i32
      %rem3A_423 = arith.remsi %add3A_392, %rem3A_422 : i32
      %mul3A_424 = arith.constant 128 : i32
      %mul3A_425 = arith.muli %rem3A_423, %mul3A_424 : i32
      %dma_start3A_426 = tpu.memref_slice %arg5[%select_n3A_416, %mul3A_425] : memref<50x512xi32, #tpu.memory_space<vmem>> -> memref<1x128xi32, #tpu.memory_space<vmem>>
      %dma_start3A_427 = tpu.memref_squeeze %dma_start3A_426 : memref<1x128xi32, #tpu.memory_space<vmem>> -> memref<128xi32, #tpu.memory_space<vmem>>
      %dma_start3A_428 = arith.constant 0 : i32
      %dma_start3A_429 = arith.constant 0 : i32
      %dma_start3A_430 = tpu.memref_slice %arg3[%dma_start3A_428, %dma_start3A_429] : memref<1000000x64xf32, #tpu.memory_space<hbm>> -> memref<1000000x64xf32, #tpu.memory_space<hbm>>
      tpu.enqueue_indirect_dma source(%dma_start3A_430 : memref<1000000x64xf32, #tpu.memory_space<hbm>>) target(%arg6 : memref<128x64xf32, #tpu.memory_space<vmem>>) offsets(%dma_start3A_427 : memref<128xi32, #tpu.memory_space<vmem>>) semaphore(%arg10 : memref<!tpu.dma_semaphore, #tpu.memory_space<semaphore_mem>>)
      %jit3A_431 = arith.constant 4 : i32
      %div3A_432 = arith.divsi %add3A_339, %jit3A_431 : i32
      %sign3A_433 = arith.constant 0 : i32
      %sign3A_434 = arith.cmpi sgt, %add3A_339, %sign3A_433 : i32
      %sign3A_435 = arith.extui %sign3A_434 : i1 to i32
      %sign3A_436 = arith.constant 0 : i32
      %sign3A_437 = arith.cmpi slt, %add3A_339, %sign3A_436 : i32
      %sign3A_438 = arith.extui %sign3A_437 : i1 to i32
      %sign3A_439 = arith.subi %sign3A_435, %sign3A_438 : i32
      %sign3A_440 = arith.constant 0 : i32
      %sign3A_441 = arith.cmpi sgt, %jit3A_431, %sign3A_440 : i32
      %sign3A_442 = arith.extui %sign3A_441 : i1 to i32
      %sign3A_443 = arith.constant 0 : i32
      %sign3A_444 = arith.cmpi slt, %jit3A_431, %sign3A_443 : i32
      %sign3A_445 = arith.extui %sign3A_444 : i1 to i32
      %sign3A_446 = arith.subi %sign3A_442, %sign3A_445 : i32
      %ne3A_447 = arith.cmpi ne, %sign3A_439, %sign3A_446 : i32
      %rem3A_448 = arith.remsi %add3A_339, %jit3A_431 : i32
      %ne3A_449 = arith.constant 0 : i32
      %ne3A_450 = arith.cmpi ne, %rem3A_448, %ne3A_449 : i32
      %and3A_451 = arith.andi %ne3A_447, %ne3A_450 : i1
      %sub3A_452 = arith.constant 1 : i32
      %sub3A_453 = arith.subi %div3A_432, %sub3A_452 : i32
      %select_n3A_454 = arith.select %and3A_451, %sub3A_453, %div3A_432 : i32
      %mul3A_455 = arith.constant 4 : i32
      %mul3A_456 = arith.muli %add3A, %mul3A_455 : i32
      %rem3A_457 = arith.constant 4 : i32
      %rem3A_458 = arith.remsi %add3A_339, %rem3A_457 : i32
      %add3A_459 = arith.addi %mul3A_456, %rem3A_458 : i32
      %dma_start3A_460 = arith.constant 0 : i32
      %dma_start3A_461 = arith.constant 0 : i32
      %dma_start3A_462 = arith.constant 0 : i32
      %dma_start3A_463 = tpu.memref_slice %arg8[%dma_start3A_460, %dma_start3A_461, %dma_start3A_462] : memref<8x8x136xf32, #tpu.memory_space<vmem>> -> memref<8x8x128xf32, #tpu.memory_space<vmem>>
      %dma_start3A_464 = arith.constant 0 : i32
      %dma_start3A_465 = arith.constant 0 : i32
      %dma_start3A_466 = arith.constant 0 : i32
      %dma_start3A_467 = tpu.memref_slice %arg4[%select_n3A_454, %dma_start3A_464, %add3A_459, %dma_start3A_465, %dma_start3A_466] : memref<50x8x128x8x128xf32, #tpu.memory_space<hbm>> -> memref<1x8x1x8x128xf32, #tpu.memory_space<hbm>>
      %dma_start3A_468 = tpu.memref_squeeze %dma_start3A_467 : memref<1x8x1x8x128xf32, #tpu.memory_space<hbm>> -> memref<8x8x128xf32, #tpu.memory_space<hbm>>
      %dma_start3A_469 = arith.constant 0 : i32
      %dma_start3A_470 = arith.constant 0 : i32
      %dma_start3A_471 = arith.constant 0 : i32
      %dma_start3A_472 = tpu.memref_slice %arg4[%select_n3A_454, %dma_start3A_469, %add3A_459, %dma_start3A_470, %dma_start3A_471] : memref<50x8x128x8x128xf32, #tpu.memory_space<hbm>> -> memref<1x8x1x8x128xf32, #tpu.memory_space<hbm>>
      %dma_start3A_473 = tpu.memref_squeeze %dma_start3A_472 : memref<1x8x1x8x128xf32, #tpu.memory_space<hbm>> -> memref<8x8x128xf32, #tpu.memory_space<hbm>>
      %dma_start3A_474 = arith.constant 0 : i32
      %dma_start3A_475 = arith.constant 0 : i32
      %dma_start3A_476 = arith.constant 0 : i32
      %dma_start3A_477 = tpu.memref_slice %arg8[%dma_start3A_474, %dma_start3A_475, %dma_start3A_476] : memref<8x8x136xf32, #tpu.memory_space<vmem>> -> memref<8x8x128xf32, #tpu.memory_space<vmem>>
      tpu.enqueue_dma source(%dma_start3A_477 : memref<8x8x128xf32, #tpu.memory_space<vmem>>) target(%dma_start3A_473 : memref<8x8x128xf32, #tpu.memory_space<hbm>>) target_semaphore(%arg12 : memref<!tpu.dma_semaphore, #tpu.memory_space<semaphore_mem>>)
      %mul3A_478 = arith.constant 2 : i32
      %mul3A_479 = arith.muli %mul3A_478, %scan3A_335 : i32
      %add3A_480 = arith.constant 1 : i32
      %add3A_481 = arith.addi %mul3A_479, %add3A_480 : i32
      %dma_wait3A_482 = arith.constant 0 : i32
      %dma_wait3A_483 = arith.constant 0 : i32
      %dma_wait3A_484 = tpu.memref_slice %arg3[%dma_wait3A_482, %dma_wait3A_483] : memref<1000000x64xf32, #tpu.memory_space<hbm>> -> memref<128x64xf32, #tpu.memory_space<hbm>>
      %dma_wait3A_485 = arith.constant 0 : i32
      %dma_wait3A_486 = arith.constant 0 : i32
      %dma_wait3A_487 = tpu.memref_slice %arg3[%dma_wait3A_485, %dma_wait3A_486] : memref<1000000x64xf32, #tpu.memory_space<hbm>> -> memref<128x64xf32, #tpu.memory_space<hbm>>
      tpu.wait_dma2 semaphore(%arg11 : memref<!tpu.dma_semaphore, #tpu.memory_space<semaphore_mem>>) src(%dma_wait3A_487 : memref<128x64xf32, #tpu.memory_space<hbm>>) dst(%arg7 : memref<128x64xf32, #tpu.memory_space<vmem>>)
      %sub3A_488 = arith.constant 2 : i32
      %sub3A_489 = arith.subi %add3A_481, %sub3A_488 : i32
      %jit3A_490 = arith.constant 4 : i32
      %div3A_491 = arith.divsi %sub3A_489, %jit3A_490 : i32
      %sign3A_492 = arith.constant 0 : i32
      %sign3A_493 = arith.cmpi sgt, %sub3A_489, %sign3A_492 : i32
      %sign3A_494 = arith.extui %sign3A_493 : i1 to i32
      %sign3A_495 = arith.constant 0 : i32
      %sign3A_496 = arith.cmpi slt, %sub3A_489, %sign3A_495 : i32
      %sign3A_497 = arith.extui %sign3A_496 : i1 to i32
      %sign3A_498 = arith.subi %sign3A_494, %sign3A_497 : i32
      %sign3A_499 = arith.constant 0 : i32
      %sign3A_500 = arith.cmpi sgt, %jit3A_490, %sign3A_499 : i32
      %sign3A_501 = arith.extui %sign3A_500 : i1 to i32
      %sign3A_502 = arith.constant 0 : i32
      %sign3A_503 = arith.cmpi slt, %jit3A_490, %sign3A_502 : i32
      %sign3A_504 = arith.extui %sign3A_503 : i1 to i32
      %sign3A_505 = arith.subi %sign3A_501, %sign3A_504 : i32
      %ne3A_506 = arith.cmpi ne, %sign3A_498, %sign3A_505 : i32
      %rem3A_507 = arith.remsi %sub3A_489, %jit3A_490 : i32
      %ne3A_508 = arith.constant 0 : i32
      %ne3A_509 = arith.cmpi ne, %rem3A_507, %ne3A_508 : i32
      %and3A_510 = arith.andi %ne3A_506, %ne3A_509 : i1
      %sub3A_511 = arith.constant 1 : i32
      %sub3A_512 = arith.subi %div3A_491, %sub3A_511 : i32
      %select_n3A_513 = arith.select %and3A_510, %sub3A_512, %div3A_491 : i32
      %mul3A_514 = arith.constant 4 : i32
      %mul3A_515 = arith.muli %add3A, %mul3A_514 : i32
      %rem3A_516 = arith.constant 4 : i32
      %rem3A_517 = arith.remsi %sub3A_489, %rem3A_516 : i32
      %add3A_518 = arith.addi %mul3A_515, %rem3A_517 : i32
      %dma_wait3A_519 = arith.constant 0 : i32
      %dma_wait3A_520 = arith.constant 0 : i32
      %dma_wait3A_521 = arith.constant 0 : i32
      %dma_wait3A_522 = tpu.memref_slice %arg9[%dma_wait3A_519, %dma_wait3A_520, %dma_wait3A_521] : memref<8x8x136xf32, #tpu.memory_space<vmem>> -> memref<8x8x128xf32, #tpu.memory_space<vmem>>
      %dma_wait3A_523 = arith.constant 0 : i32
      %dma_wait3A_524 = arith.constant 0 : i32
      %dma_wait3A_525 = arith.constant 0 : i32
      %dma_wait3A_526 = tpu.memref_slice %arg4[%select_n3A_513, %dma_wait3A_523, %add3A_518, %dma_wait3A_524, %dma_wait3A_525] : memref<50x8x128x8x128xf32, #tpu.memory_space<hbm>> -> memref<1x8x1x8x128xf32, #tpu.memory_space<hbm>>
      %dma_wait3A_527 = tpu.memref_squeeze %dma_wait3A_526 : memref<1x8x1x8x128xf32, #tpu.memory_space<hbm>> -> memref<8x8x128xf32, #tpu.memory_space<hbm>>
      %dma_wait3A_528 = arith.constant 0 : i32
      %dma_wait3A_529 = arith.constant 0 : i32
      %dma_wait3A_530 = arith.constant 0 : i32
      %dma_wait3A_531 = tpu.memref_slice %arg4[%select_n3A_513, %dma_wait3A_528, %add3A_518, %dma_wait3A_529, %dma_wait3A_530] : memref<50x8x128x8x128xf32, #tpu.memory_space<hbm>> -> memref<1x8x1x8x128xf32, #tpu.memory_space<hbm>>
      %dma_wait3A_532 = tpu.memref_squeeze %dma_wait3A_531 : memref<1x8x1x8x128xf32, #tpu.memory_space<hbm>> -> memref<8x8x128xf32, #tpu.memory_space<hbm>>
      %dma_wait3A_533 = arith.constant 0 : i32
      %dma_wait3A_534 = arith.constant 0 : i32
      %dma_wait3A_535 = arith.constant 0 : i32
      %dma_wait3A_536 = tpu.memref_slice %arg9[%dma_wait3A_533, %dma_wait3A_534, %dma_wait3A_535] : memref<8x8x136xf32, #tpu.memory_space<vmem>> -> memref<8x8x128xf32, #tpu.memory_space<vmem>>
      tpu.wait_dma2 semaphore(%arg13 : memref<!tpu.dma_semaphore, #tpu.memory_space<semaphore_mem>>) src(%dma_wait3A_536 : memref<8x8x128xf32, #tpu.memory_space<vmem>>) dst(%dma_wait3A_532 : memref<8x8x128xf32, #tpu.memory_space<hbm>>)
      %parallel_loop3A_537 = arith.constant 0 : i32
      %parallel_loop3A_538 = arith.constant 64 : i32
      %parallel_loop3A_539 = arith.constant 1 : i32
      scf.for %parallel_loop3A_627 = %parallel_loop3A_537 to %parallel_loop3A_538 step %parallel_loop3A_539  : i32 {
        %parallel_loop3A_628 = vector.broadcast %parallel_loop3A_627 : i32 to vector<16xi32>
        %parallel_loop3A_629 = arith.addi %mul3A_29, %parallel_loop3A_628 : vector<16xi32>
        %parallel_loop3A_630 = arith.constant 63 : i32
        %parallel_loop3A_631 = vector.broadcast %parallel_loop3A_630 : i32 to vector<16xi32>
        %parallel_loop3A_632 = arith.andi %parallel_loop3A_629, %parallel_loop3A_631 : vector<16xi32>
        %parallel_loop3A_633 = arith.constant 3 : i32
        %parallel_loop3A_634 = vector.broadcast %parallel_loop3A_633 : i32 to vector<16xi32>
        %parallel_loop3A_635 = arith.shrui %parallel_loop3A_632, %parallel_loop3A_634 : vector<16xi32>
        %parallel_loop3A_636 = arith.constant 7 : i32
        %parallel_loop3A_637 = vector.broadcast %parallel_loop3A_636 : i32 to vector<16xi32>
        %parallel_loop3A_638 = arith.andi %parallel_loop3A_632, %parallel_loop3A_637 : vector<16xi32>
        %parallel_loop3A_639 = tpu.vector_load_idx %arg7[%add3A_5, %parallel_loop3A_632] : memref<128x64xf32, #tpu.memory_space<vmem>>[vector<16xi32>, vector<16xi32>], vector<16xf32>,
        tpu.vector_store_idx %arg9[%parallel_loop3A_635, %parallel_loop3A_638, %add3A_5], %parallel_loop3A_639 : memref<8x8x136xf32, #tpu.memory_space<vmem>>[vector<16xi32>, vector<16xi32>, vector<16xi32>], vector<16xf32>,
        %parallel_loop3A_640 = tpu.vector_load_idx %arg7[%add3A_8, %parallel_loop3A_632] : memref<128x64xf32, #tpu.memory_space<vmem>>[vector<16xi32>, vector<16xi32>], vector<16xf32>,
        tpu.vector_store_idx %arg9[%parallel_loop3A_635, %parallel_loop3A_638, %add3A_8], %parallel_loop3A_640 : memref<8x8x136xf32, #tpu.memory_space<vmem>>[vector<16xi32>, vector<16xi32>, vector<16xi32>], vector<16xf32>,
        %parallel_loop3A_641 = tpu.vector_load_idx %arg7[%add3A_11, %parallel_loop3A_632] : memref<128x64xf32, #tpu.memory_space<vmem>>[vector<16xi32>, vector<16xi32>], vector<16xf32>,
        tpu.vector_store_idx %arg9[%parallel_loop3A_635, %parallel_loop3A_638, %add3A_11], %parallel_loop3A_641 : memref<8x8x136xf32, #tpu.memory_space<vmem>>[vector<16xi32>, vector<16xi32>, vector<16xi32>], vector<16xf32>,
        %parallel_loop3A_642 = tpu.vector_load_idx %arg7[%add3A_14, %parallel_loop3A_632] : memref<128x64xf32, #tpu.memory_space<vmem>>[vector<16xi32>, vector<16xi32>], vector<16xf32>,
        tpu.vector_store_idx %arg9[%parallel_loop3A_635, %parallel_loop3A_638, %add3A_14], %parallel_loop3A_642 : memref<8x8x136xf32, #tpu.memory_space<vmem>>[vector<16xi32>, vector<16xi32>, vector<16xi32>], vector<16xf32>,
        %parallel_loop3A_643 = tpu.vector_load_idx %arg7[%add3A_17, %parallel_loop3A_632] : memref<128x64xf32, #tpu.memory_space<vmem>>[vector<16xi32>, vector<16xi32>], vector<16xf32>,
        tpu.vector_store_idx %arg9[%parallel_loop3A_635, %parallel_loop3A_638, %add3A_17], %parallel_loop3A_643 : memref<8x8x136xf32, #tpu.memory_space<vmem>>[vector<16xi32>, vector<16xi32>, vector<16xi32>], vector<16xf32>,
        %parallel_loop3A_644 = tpu.vector_load_idx %arg7[%add3A_20, %parallel_loop3A_632] : memref<128x64xf32, #tpu.memory_space<vmem>>[vector<16xi32>, vector<16xi32>], vector<16xf32>,
        tpu.vector_store_idx %arg9[%parallel_loop3A_635, %parallel_loop3A_638, %add3A_20], %parallel_loop3A_644 : memref<8x8x136xf32, #tpu.memory_space<vmem>>[vector<16xi32>, vector<16xi32>, vector<16xi32>], vector<16xf32>,
        %parallel_loop3A_645 = tpu.vector_load_idx %arg7[%add3A_23, %parallel_loop3A_632] : memref<128x64xf32, #tpu.memory_space<vmem>>[vector<16xi32>, vector<16xi32>], vector<16xf32>,
        tpu.vector_store_idx %arg9[%parallel_loop3A_635, %parallel_loop3A_638, %add3A_23], %parallel_loop3A_645 : memref<8x8x136xf32, #tpu.memory_space<vmem>>[vector<16xi32>, vector<16xi32>, vector<16xi32>], vector<16xf32>,
        %parallel_loop3A_646 = tpu.vector_load_idx %arg7[%add3A_26, %parallel_loop3A_632] : memref<128x64xf32, #tpu.memory_space<vmem>>[vector<16xi32>, vector<16xi32>], vector<16xf32>,
        tpu.vector_store_idx %arg9[%parallel_loop3A_635, %parallel_loop3A_638, %add3A_26], %parallel_loop3A_646 : memref<8x8x136xf32, #tpu.memory_space<vmem>>[vector<16xi32>, vector<16xi32>, vector<16xi32>], vector<16xf32>,
      } {sc.loop_unroll_factor = 4 : i64, sc.parallel_access}
      %add3A_540 = arith.constant 2 : i32
      %add3A_541 = arith.addi %add3A_481, %add3A_540 : i32
      %jit3A_542 = arith.constant 4 : i32
      %div3A_543 = arith.divsi %add3A_541, %jit3A_542 : i32
      %sign3A_544 = arith.constant 0 : i32
      %sign3A_545 = arith.cmpi sgt, %add3A_541, %sign3A_544 : i32
      %sign3A_546 = arith.extui %sign3A_545 : i1 to i32
      %sign3A_547 = arith.constant 0 : i32
      %sign3A_548 = arith.cmpi slt, %add3A_541, %sign3A_547 : i32
      %sign3A_549 = arith.extui %sign3A_548 : i1 to i32
      %sign3A_550 = arith.subi %sign3A_546, %sign3A_549 : i32
      %sign3A_551 = arith.constant 0 : i32
      %sign3A_552 = arith.cmpi sgt, %jit3A_542, %sign3A_551 : i32
      %sign3A_553 = arith.extui %sign3A_552 : i1 to i32
      %sign3A_554 = arith.constant 0 : i32
      %sign3A_555 = arith.cmpi slt, %jit3A_542, %sign3A_554 : i32
      %sign3A_556 = arith.extui %sign3A_555 : i1 to i32
      %sign3A_557 = arith.subi %sign3A_553, %sign3A_556 : i32
      %ne3A_558 = arith.cmpi ne, %sign3A_550, %sign3A_557 : i32
      %rem3A_559 = arith.remsi %add3A_541, %jit3A_542 : i32
      %ne3A_560 = arith.constant 0 : i32
      %ne3A_561 = arith.cmpi ne, %rem3A_559, %ne3A_560 : i32
      %and3A_562 = arith.andi %ne3A_558, %ne3A_561 : i1
      %sub3A_563 = arith.constant 1 : i32
      %sub3A_564 = arith.subi %div3A_543, %sub3A_563 : i32
      %select_n3A_565 = arith.select %and3A_562, %sub3A_564, %div3A_543 : i32
      %mul3A_566 = arith.constant 4 : i32
      %mul3A_567 = arith.muli %add3A, %mul3A_566 : i32
      %rem3A_568 = arith.constant 4 : i32
      %rem3A_569 = arith.remsi %add3A_541, %rem3A_568 : i32
      %add3A_570 = arith.addi %mul3A_567, %rem3A_569 : i32
      %rem3A_571 = arith.constant 4 : i32
      %rem3A_572 = arith.remsi %add3A_541, %rem3A_571 : i32
      %mul3A_573 = arith.constant 128 : i32
      %mul3A_574 = arith.muli %rem3A_572, %mul3A_573 : i32
      %dma_start3A_575 = tpu.memref_slice %arg5[%select_n3A_565, %mul3A_574] : memref<50x512xi32, #tpu.memory_space<vmem>> -> memref<1x128xi32, #tpu.memory_space<vmem>>
      %dma_start3A_576 = tpu.memref_squeeze %dma_start3A_575 : memref<1x128xi32, #tpu.memory_space<vmem>> -> memref<128xi32, #tpu.memory_space<vmem>>
      %dma_start3A_577 = arith.constant 0 : i32
      %dma_start3A_578 = arith.constant 0 : i32
      %dma_start3A_579 = tpu.memref_slice %arg3[%dma_start3A_577, %dma_start3A_578] : memref<1000000x64xf32, #tpu.memory_space<hbm>> -> memref<1000000x64xf32, #tpu.memory_space<hbm>>
      tpu.enqueue_indirect_dma source(%dma_start3A_579 : memref<1000000x64xf32, #tpu.memory_space<hbm>>) target(%arg7 : memref<128x64xf32, #tpu.memory_space<vmem>>) offsets(%dma_start3A_576 : memref<128xi32, #tpu.memory_space<vmem>>) semaphore(%arg11 : memref<!tpu.dma_semaphore, #tpu.memory_space<semaphore_mem>>)
      %jit3A_580 = arith.constant 4 : i32
      %div3A_581 = arith.divsi %add3A_481, %jit3A_580 : i32
      %sign3A_582 = arith.constant 0 : i32
      %sign3A_583 = arith.cmpi sgt, %add3A_481, %sign3A_582 : i32
      %sign3A_584 = arith.extui %sign3A_583 : i1 to i32
      %sign3A_585 = arith.constant 0 : i32
      %sign3A_586 = arith.cmpi slt, %add3A_481, %sign3A_585 : i32
      %sign3A_587 = arith.extui %sign3A_586 : i1 to i32
      %sign3A_588 = arith.subi %sign3A_584, %sign3A_587 : i32
      %sign3A_589 = arith.constant 0 : i32
      %sign3A_590 = arith.cmpi sgt, %jit3A_580, %sign3A_589 : i32
      %sign3A_591 = arith.extui %sign3A_590 : i1 to i32
      %sign3A_592 = arith.constant 0 : i32
      %sign3A_593 = arith.cmpi slt, %jit3A_580, %sign3A_592 : i32
      %sign3A_594 = arith.extui %sign3A_593 : i1 to i32
      %sign3A_595 = arith.subi %sign3A_591, %sign3A_594 : i32
      %ne3A_596 = arith.cmpi ne, %sign3A_588, %sign3A_595 : i32
      %rem3A_597 = arith.remsi %add3A_481, %jit3A_580 : i32
      %ne3A_598 = arith.constant 0 : i32
      %ne3A_599 = arith.cmpi ne, %rem3A_597, %ne3A_598 : i32
      %and3A_600 = arith.andi %ne3A_596, %ne3A_599 : i1
      %sub3A_601 = arith.constant 1 : i32
      %sub3A_602 = arith.subi %div3A_581, %sub3A_601 : i32
      %select_n3A_603 = arith.select %and3A_600, %sub3A_602, %div3A_581 : i32
      %mul3A_604 = arith.constant 4 : i32
      %mul3A_605 = arith.muli %add3A, %mul3A_604 : i32
      %rem3A_606 = arith.constant 4 : i32
      %rem3A_607 = arith.remsi %add3A_481, %rem3A_606 : i32
      %add3A_608 = arith.addi %mul3A_605, %rem3A_607 : i32
      %dma_start3A_609 = arith.constant 0 : i32
      %dma_start3A_610 = arith.constant 0 : i32
      %dma_start3A_611 = arith.constant 0 : i32
      %dma_start3A_612 = tpu.memref_slice %arg9[%dma_start3A_609, %dma_start3A_610, %dma_start3A_611] : memref<8x8x136xf32, #tpu.memory_space<vmem>> -> memref<8x8x128xf32, #tpu.memory_space<vmem>>
      %dma_start3A_613 = arith.constant 0 : i32
      %dma_start3A_614 = arith.constant 0 : i32
      %dma_start3A_615 = arith.constant 0 : i32
      %dma_start3A_616 = tpu.memref_slice %arg4[%select_n3A_603, %dma_start3A_613, %add3A_608, %dma_start3A_614, %dma_start3A_615] : memref<50x8x128x8x128xf32, #tpu.memory_space<hbm>> -> memref<1x8x1x8x128xf32, #tpu.memory_space<hbm>>
      %dma_start3A_617 = tpu.memref_squeeze %dma_start3A_616 : memref<1x8x1x8x128xf32, #tpu.memory_space<hbm>> -> memref<8x8x128xf32, #tpu.memory_space<hbm>>
      %dma_start3A_618 = arith.constant 0 : i32
      %dma_start3A_619 = arith.constant 0 : i32
      %dma_start3A_620 = arith.constant 0 : i32
      %dma_start3A_621 = tpu.memref_slice %arg4[%select_n3A_603, %dma_start3A_618, %add3A_608, %dma_start3A_619, %dma_start3A_620] : memref<50x8x128x8x128xf32, #tpu.memory_space<hbm>> -> memref<1x8x1x8x128xf32, #tpu.memory_space<hbm>>
      %dma_start3A_622 = tpu.memref_squeeze %dma_start3A_621 : memref<1x8x1x8x128xf32, #tpu.memory_space<hbm>> -> memref<8x8x128xf32, #tpu.memory_space<hbm>>
      %dma_start3A_623 = arith.constant 0 : i32
      %dma_start3A_624 = arith.constant 0 : i32
      %dma_start3A_625 = arith.constant 0 : i32
      %dma_start3A_626 = tpu.memref_slice %arg9[%dma_start3A_623, %dma_start3A_624, %dma_start3A_625] : memref<8x8x136xf32, #tpu.memory_space<vmem>> -> memref<8x8x128xf32, #tpu.memory_space<vmem>>
      tpu.enqueue_dma source(%dma_start3A_626 : memref<8x8x128xf32, #tpu.memory_space<vmem>>) target(%dma_start3A_622 : memref<8x8x128xf32, #tpu.memory_space<hbm>>) target_semaphore(%arg13 : memref<!tpu.dma_semaphore, #tpu.memory_space<semaphore_mem>>)
    }
    %scan3A_166 = arith.constant 98 : i32
    %dma_wait3A_167 = arith.constant 0 : i32
    %dma_wait3A_168 = arith.constant 0 : i32
    %dma_wait3A_169 = tpu.memref_slice %arg3[%dma_wait3A_167, %dma_wait3A_168] : memref<1000000x64xf32, #tpu.memory_space<hbm>> -> memref<128x64xf32, #tpu.memory_space<hbm>>
    %dma_wait3A_170 = arith.constant 0 : i32
    %dma_wait3A_171 = arith.constant 0 : i32
    %dma_wait3A_172 = tpu.memref_slice %arg3[%dma_wait3A_170, %dma_wait3A_171] : memref<1000000x64xf32, #tpu.memory_space<hbm>> -> memref<128x64xf32, #tpu.memory_space<hbm>>
    tpu.wait_dma2 semaphore(%arg10 : memref<!tpu.dma_semaphore, #tpu.memory_space<semaphore_mem>>) src(%dma_wait3A_172 : memref<128x64xf32, #tpu.memory_space<hbm>>) dst(%arg6 : memref<128x64xf32, #tpu.memory_space<vmem>>)
    %mul3A_173 = arith.constant 4 : i32
    %mul3A_174 = arith.muli %add3A, %mul3A_173 : i32
    %rem3A_175 = arith.constant 196 : i32
    %rem3A_176 = arith.constant 4 : i32
    %rem3A_177 = arith.remsi %rem3A_175, %rem3A_176 : i32
    %add3A_178 = arith.addi %mul3A_174, %rem3A_177 : i32
    %dma_wait3A_179 = arith.constant 49 : i32
    %dma_wait3A_180 = arith.constant 0 : i32
    %dma_wait3A_181 = arith.constant 0 : i32
    %dma_wait3A_182 = arith.constant 0 : i32
    %dma_wait3A_183 = tpu.memref_slice %arg8[%dma_wait3A_180, %dma_wait3A_181, %dma_wait3A_182] : memref<8x8x136xf32, #tpu.memory_space<vmem>> -> memref<8x8x128xf32, #tpu.memory_space<vmem>>
    %dma_wait3A_184 = arith.constant 0 : i32
    %dma_wait3A_185 = arith.constant 0 : i32
    %dma_wait3A_186 = arith.constant 0 : i32
    %dma_wait3A_187 = tpu.memref_slice %arg4[%dma_wait3A_179, %dma_wait3A_184, %add3A_178, %dma_wait3A_185, %dma_wait3A_186] : memref<50x8x128x8x128xf32, #tpu.memory_space<hbm>> -> memref<1x8x1x8x128xf32, #tpu.memory_space<hbm>>
    %dma_wait3A_188 = tpu.memref_squeeze %dma_wait3A_187 : memref<1x8x1x8x128xf32, #tpu.memory_space<hbm>> -> memref<8x8x128xf32, #tpu.memory_space<hbm>>
    %dma_wait3A_189 = arith.constant 0 : i32
    %dma_wait3A_190 = arith.constant 0 : i32
    %dma_wait3A_191 = arith.constant 0 : i32
    %dma_wait3A_192 = tpu.memref_slice %arg4[%dma_wait3A_179, %dma_wait3A_189, %add3A_178, %dma_wait3A_190, %dma_wait3A_191] : memref<50x8x128x8x128xf32, #tpu.memory_space<hbm>> -> memref<1x8x1x8x128xf32, #tpu.memory_space<hbm>>
    %dma_wait3A_193 = tpu.memref_squeeze %dma_wait3A_192 : memref<1x8x1x8x128xf32, #tpu.memory_space<hbm>> -> memref<8x8x128xf32, #tpu.memory_space<hbm>>
    %dma_wait3A_194 = arith.constant 0 : i32
    %dma_wait3A_195 = arith.constant 0 : i32
    %dma_wait3A_196 = arith.constant 0 : i32
    %dma_wait3A_197 = tpu.memref_slice %arg8[%dma_wait3A_194, %dma_wait3A_195, %dma_wait3A_196] : memref<8x8x136xf32, #tpu.memory_space<vmem>> -> memref<8x8x128xf32, #tpu.memory_space<vmem>>
    tpu.wait_dma2 semaphore(%arg12 : memref<!tpu.dma_semaphore, #tpu.memory_space<semaphore_mem>>) src(%dma_wait3A_197 : memref<8x8x128xf32, #tpu.memory_space<vmem>>) dst(%dma_wait3A_193 : memref<8x8x128xf32, #tpu.memory_space<hbm>>)
    %parallel_loop3A_198 = arith.constant 0 : i32
    %parallel_loop3A_199 = arith.constant 64 : i32
    %parallel_loop3A_200 = arith.constant 1 : i32
    scf.for %parallel_loop3A_335 = %parallel_loop3A_198 to %parallel_loop3A_199 step %parallel_loop3A_200  : i32 {
      %parallel_loop3A_336 = vector.broadcast %parallel_loop3A_335 : i32 to vector<16xi32>
      %parallel_loop3A_337 = arith.addi %mul3A_29, %parallel_loop3A_336 : vector<16xi32>
      %parallel_loop3A_338 = arith.constant 63 : i32
      %parallel_loop3A_339 = vector.broadcast %parallel_loop3A_338 : i32 to vector<16xi32>
      %parallel_loop3A_340 = arith.andi %parallel_loop3A_337, %parallel_loop3A_339 : vector<16xi32>
      %parallel_loop3A_341 = arith.constant 3 : i32
      %parallel_loop3A_342 = vector.broadcast %parallel_loop3A_341 : i32 to vector<16xi32>
      %parallel_loop3A_343 = arith.shrui %parallel_loop3A_340, %parallel_loop3A_342 : vector<16xi32>
      %parallel_loop3A_344 = arith.constant 7 : i32
      %parallel_loop3A_345 = vector.broadcast %parallel_loop3A_344 : i32 to vector<16xi32>
      %parallel_loop3A_346 = arith.andi %parallel_loop3A_340, %parallel_loop3A_345 : vector<16xi32>
      %parallel_loop3A_347 = tpu.vector_load_idx %arg6[%add3A_5, %parallel_loop3A_340] : memref<128x64xf32, #tpu.memory_space<vmem>>[vector<16xi32>, vector<16xi32>], vector<16xf32>,
      tpu.vector_store_idx %arg8[%parallel_loop3A_343, %parallel_loop3A_346, %add3A_5], %parallel_loop3A_347 : memref<8x8x136xf32, #tpu.memory_space<vmem>>[vector<16xi32>, vector<16xi32>, vector<16xi32>], vector<16xf32>,
      %parallel_loop3A_348 = tpu.vector_load_idx %arg6[%add3A_8, %parallel_loop3A_340] : memref<128x64xf32, #tpu.memory_space<vmem>>[vector<16xi32>, vector<16xi32>], vector<16xf32>,
      tpu.vector_store_idx %arg8[%parallel_loop3A_343, %parallel_loop3A_346, %add3A_8], %parallel_loop3A_348 : memref<8x8x136xf32, #tpu.memory_space<vmem>>[vector<16xi32>, vector<16xi32>, vector<16xi32>], vector<16xf32>,
      %parallel_loop3A_349 = tpu.vector_load_idx %arg6[%add3A_11, %parallel_loop3A_340] : memref<128x64xf32, #tpu.memory_space<vmem>>[vector<16xi32>, vector<16xi32>], vector<16xf32>,
      tpu.vector_store_idx %arg8[%parallel_loop3A_343, %parallel_loop3A_346, %add3A_11], %parallel_loop3A_349 : memref<8x8x136xf32, #tpu.memory_space<vmem>>[vector<16xi32>, vector<16xi32>, vector<16xi32>], vector<16xf32>,
      %parallel_loop3A_350 = tpu.vector_load_idx %arg6[%add3A_14, %parallel_loop3A_340] : memref<128x64xf32, #tpu.memory_space<vmem>>[vector<16xi32>, vector<16xi32>], vector<16xf32>,
      tpu.vector_store_idx %arg8[%parallel_loop3A_343, %parallel_loop3A_346, %add3A_14], %parallel_loop3A_350 : memref<8x8x136xf32, #tpu.memory_space<vmem>>[vector<16xi32>, vector<16xi32>, vector<16xi32>], vector<16xf32>,
      %parallel_loop3A_351 = tpu.vector_load_idx %arg6[%add3A_17, %parallel_loop3A_340] : memref<128x64xf32, #tpu.memory_space<vmem>>[vector<16xi32>, vector<16xi32>], vector<16xf32>,
      tpu.vector_store_idx %arg8[%parallel_loop3A_343, %parallel_loop3A_346, %add3A_17], %parallel_loop3A_351 : memref<8x8x136xf32, #tpu.memory_space<vmem>>[vector<16xi32>, vector<16xi32>, vector<16xi32>], vector<16xf32>,
      %parallel_loop3A_352 = tpu.vector_load_idx %arg6[%add3A_20, %parallel_loop3A_340] : memref<128x64xf32, #tpu.memory_space<vmem>>[vector<16xi32>, vector<16xi32>], vector<16xf32>,
      tpu.vector_store_idx %arg8[%parallel_loop3A_343, %parallel_loop3A_346, %add3A_20], %parallel_loop3A_352 : memref<8x8x136xf32, #tpu.memory_space<vmem>>[vector<16xi32>, vector<16xi32>, vector<16xi32>], vector<16xf32>,
      %parallel_loop3A_353 = tpu.vector_load_idx %arg6[%add3A_23, %parallel_loop3A_340] : memref<128x64xf32, #tpu.memory_space<vmem>>[vector<16xi32>, vector<16xi32>], vector<16xf32>,
      tpu.vector_store_idx %arg8[%parallel_loop3A_343, %parallel_loop3A_346, %add3A_23], %parallel_loop3A_353 : memref<8x8x136xf32, #tpu.memory_space<vmem>>[vector<16xi32>, vector<16xi32>, vector<16xi32>], vector<16xf32>,
      %parallel_loop3A_354 = tpu.vector_load_idx %arg6[%add3A_26, %parallel_loop3A_340] : memref<128x64xf32, #tpu.memory_space<vmem>>[vector<16xi32>, vector<16xi32>], vector<16xf32>,
      tpu.vector_store_idx %arg8[%parallel_loop3A_343, %parallel_loop3A_346, %add3A_26], %parallel_loop3A_354 : memref<8x8x136xf32, #tpu.memory_space<vmem>>[vector<16xi32>, vector<16xi32>, vector<16xi32>], vector<16xf32>,
    } {sc.loop_unroll_factor = 4 : i64, sc.parallel_access}
    %mul3A_201 = arith.constant 4 : i32
    %mul3A_202 = arith.muli %add3A, %mul3A_201 : i32
    %rem3A_203 = arith.constant 198 : i32
    %rem3A_204 = arith.constant 4 : i32
    %rem3A_205 = arith.remsi %rem3A_203, %rem3A_204 : i32
    %add3A_206 = arith.addi %mul3A_202, %rem3A_205 : i32
    %dma_start3A_207 = arith.constant 49 : i32
    %dma_start3A_208 = arith.constant 0 : i32
    %dma_start3A_209 = arith.constant 0 : i32
    %dma_start3A_210 = arith.constant 0 : i32
    %dma_start3A_211 = tpu.memref_slice %arg8[%dma_start3A_208, %dma_start3A_209, %dma_start3A_210] : memref<8x8x136xf32, #tpu.memory_space<vmem>> -> memref<8x8x128xf32, #tpu.memory_space<vmem>>
    %dma_start3A_212 = arith.constant 0 : i32
    %dma_start3A_213 = arith.constant 0 : i32
    %dma_start3A_214 = arith.constant 0 : i32
    %dma_start3A_215 = tpu.memref_slice %arg4[%dma_start3A_207, %dma_start3A_212, %add3A_206, %dma_start3A_213, %dma_start3A_214] : memref<50x8x128x8x128xf32, #tpu.memory_space<hbm>> -> memref<1x8x1x8x128xf32, #tpu.memory_space<hbm>>
    %dma_start3A_216 = tpu.memref_squeeze %dma_start3A_215 : memref<1x8x1x8x128xf32, #tpu.memory_space<hbm>> -> memref<8x8x128xf32, #tpu.memory_space<hbm>>
    %dma_start3A_217 = arith.constant 0 : i32
    %dma_start3A_218 = arith.constant 0 : i32
    %dma_start3A_219 = arith.constant 0 : i32
    %dma_start3A_220 = tpu.memref_slice %arg4[%dma_start3A_207, %dma_start3A_217, %add3A_206, %dma_start3A_218, %dma_start3A_219] : memref<50x8x128x8x128xf32, #tpu.memory_space<hbm>> -> memref<1x8x1x8x128xf32, #tpu.memory_space<hbm>>
    %dma_start3A_221 = tpu.memref_squeeze %dma_start3A_220 : memref<1x8x1x8x128xf32, #tpu.memory_space<hbm>> -> memref<8x8x128xf32, #tpu.memory_space<hbm>>
    %dma_start3A_222 = arith.constant 0 : i32
    %dma_start3A_223 = arith.constant 0 : i32
    %dma_start3A_224 = arith.constant 0 : i32
    %dma_start3A_225 = tpu.memref_slice %arg8[%dma_start3A_222, %dma_start3A_223, %dma_start3A_224] : memref<8x8x136xf32, #tpu.memory_space<vmem>> -> memref<8x8x128xf32, #tpu.memory_space<vmem>>
    tpu.enqueue_dma source(%dma_start3A_225 : memref<8x8x128xf32, #tpu.memory_space<vmem>>) target(%dma_start3A_221 : memref<8x8x128xf32, #tpu.memory_space<hbm>>) target_semaphore(%arg12 : memref<!tpu.dma_semaphore, #tpu.memory_space<semaphore_mem>>)
    %dma_wait3A_226 = arith.constant 0 : i32
    %dma_wait3A_227 = arith.constant 0 : i32
    %dma_wait3A_228 = tpu.memref_slice %arg3[%dma_wait3A_226, %dma_wait3A_227] : memref<1000000x64xf32, #tpu.memory_space<hbm>> -> memref<128x64xf32, #tpu.memory_space<hbm>>
    %dma_wait3A_229 = arith.constant 0 : i32
    %dma_wait3A_230 = arith.constant 0 : i32
    %dma_wait3A_231 = tpu.memref_slice %arg3[%dma_wait3A_229, %dma_wait3A_230] : memref<1000000x64xf32, #tpu.memory_space<hbm>> -> memref<128x64xf32, #tpu.memory_space<hbm>>
    tpu.wait_dma2 semaphore(%arg11 : memref<!tpu.dma_semaphore, #tpu.memory_space<semaphore_mem>>) src(%dma_wait3A_231 : memref<128x64xf32, #tpu.memory_space<hbm>>) dst(%arg7 : memref<128x64xf32, #tpu.memory_space<vmem>>)
    %mul3A_232 = arith.constant 4 : i32
    %mul3A_233 = arith.muli %add3A, %mul3A_232 : i32
    %rem3A_234 = arith.constant 197 : i32
    %rem3A_235 = arith.constant 4 : i32
    %rem3A_236 = arith.remsi %rem3A_234, %rem3A_235 : i32
    %add3A_237 = arith.addi %mul3A_233, %rem3A_236 : i32
    %dma_wait3A_238 = arith.constant 49 : i32
    %dma_wait3A_239 = arith.constant 0 : i32
    %dma_wait3A_240 = arith.constant 0 : i32
    %dma_wait3A_241 = arith.constant 0 : i32
    %dma_wait3A_242 = tpu.memref_slice %arg9[%dma_wait3A_239, %dma_wait3A_240, %dma_wait3A_241] : memref<8x8x136xf32, #tpu.memory_space<vmem>> -> memref<8x8x128xf32, #tpu.memory_space<vmem>>
    %dma_wait3A_243 = arith.constant 0 : i32
    %dma_wait3A_244 = arith.constant 0 : i32
    %dma_wait3A_245 = arith.constant 0 : i32
    %dma_wait3A_246 = tpu.memref_slice %arg4[%dma_wait3A_238, %dma_wait3A_243, %add3A_237, %dma_wait3A_244, %dma_wait3A_245] : memref<50x8x128x8x128xf32, #tpu.memory_space<hbm>> -> memref<1x8x1x8x128xf32, #tpu.memory_space<hbm>>
    %dma_wait3A_247 = tpu.memref_squeeze %dma_wait3A_246 : memref<1x8x1x8x128xf32, #tpu.memory_space<hbm>> -> memref<8x8x128xf32, #tpu.memory_space<hbm>>
    %dma_wait3A_248 = arith.constant 0 : i32
    %dma_wait3A_249 = arith.constant 0 : i32
    %dma_wait3A_250 = arith.constant 0 : i32
    %dma_wait3A_251 = tpu.memref_slice %arg4[%dma_wait3A_238, %dma_wait3A_248, %add3A_237, %dma_wait3A_249, %dma_wait3A_250] : memref<50x8x128x8x128xf32, #tpu.memory_space<hbm>> -> memref<1x8x1x8x128xf32, #tpu.memory_space<hbm>>
    %dma_wait3A_252 = tpu.memref_squeeze %dma_wait3A_251 : memref<1x8x1x8x128xf32, #tpu.memory_space<hbm>> -> memref<8x8x128xf32, #tpu.memory_space<hbm>>
    %dma_wait3A_253 = arith.constant 0 : i32
    %dma_wait3A_254 = arith.constant 0 : i32
    %dma_wait3A_255 = arith.constant 0 : i32
    %dma_wait3A_256 = tpu.memref_slice %arg9[%dma_wait3A_253, %dma_wait3A_254, %dma_wait3A_255] : memref<8x8x136xf32, #tpu.memory_space<vmem>> -> memref<8x8x128xf32, #tpu.memory_space<vmem>>
    tpu.wait_dma2 semaphore(%arg13 : memref<!tpu.dma_semaphore, #tpu.memory_space<semaphore_mem>>) src(%dma_wait3A_256 : memref<8x8x128xf32, #tpu.memory_space<vmem>>) dst(%dma_wait3A_252 : memref<8x8x128xf32, #tpu.memory_space<hbm>>)
    %parallel_loop3A_257 = arith.constant 0 : i32
    %parallel_loop3A_258 = arith.constant 64 : i32
    %parallel_loop3A_259 = arith.constant 1 : i32
    scf.for %parallel_loop3A_335 = %parallel_loop3A_257 to %parallel_loop3A_258 step %parallel_loop3A_259  : i32 {
      %parallel_loop3A_336 = vector.broadcast %parallel_loop3A_335 : i32 to vector<16xi32>
      %parallel_loop3A_337 = arith.addi %mul3A_29, %parallel_loop3A_336 : vector<16xi32>
      %parallel_loop3A_338 = arith.constant 63 : i32
      %parallel_loop3A_339 = vector.broadcast %parallel_loop3A_338 : i32 to vector<16xi32>
      %parallel_loop3A_340 = arith.andi %parallel_loop3A_337, %parallel_loop3A_339 : vector<16xi32>
      %parallel_loop3A_341 = arith.constant 3 : i32
      %parallel_loop3A_342 = vector.broadcast %parallel_loop3A_341 : i32 to vector<16xi32>
      %parallel_loop3A_343 = arith.shrui %parallel_loop3A_340, %parallel_loop3A_342 : vector<16xi32>
      %parallel_loop3A_344 = arith.constant 7 : i32
      %parallel_loop3A_345 = vector.broadcast %parallel_loop3A_344 : i32 to vector<16xi32>
      %parallel_loop3A_346 = arith.andi %parallel_loop3A_340, %parallel_loop3A_345 : vector<16xi32>
      %parallel_loop3A_347 = tpu.vector_load_idx %arg7[%add3A_5, %parallel_loop3A_340] : memref<128x64xf32, #tpu.memory_space<vmem>>[vector<16xi32>, vector<16xi32>], vector<16xf32>,
      tpu.vector_store_idx %arg9[%parallel_loop3A_343, %parallel_loop3A_346, %add3A_5], %parallel_loop3A_347 : memref<8x8x136xf32, #tpu.memory_space<vmem>>[vector<16xi32>, vector<16xi32>, vector<16xi32>], vector<16xf32>,
      %parallel_loop3A_348 = tpu.vector_load_idx %arg7[%add3A_8, %parallel_loop3A_340] : memref<128x64xf32, #tpu.memory_space<vmem>>[vector<16xi32>, vector<16xi32>], vector<16xf32>,
      tpu.vector_store_idx %arg9[%parallel_loop3A_343, %parallel_loop3A_346, %add3A_8], %parallel_loop3A_348 : memref<8x8x136xf32, #tpu.memory_space<vmem>>[vector<16xi32>, vector<16xi32>, vector<16xi32>], vector<16xf32>,
      %parallel_loop3A_349 = tpu.vector_load_idx %arg7[%add3A_11, %parallel_loop3A_340] : memref<128x64xf32, #tpu.memory_space<vmem>>[vector<16xi32>, vector<16xi32>], vector<16xf32>,
      tpu.vector_store_idx %arg9[%parallel_loop3A_343, %parallel_loop3A_346, %add3A_11], %parallel_loop3A_349 : memref<8x8x136xf32, #tpu.memory_space<vmem>>[vector<16xi32>, vector<16xi32>, vector<16xi32>], vector<16xf32>,
      %parallel_loop3A_350 = tpu.vector_load_idx %arg7[%add3A_14, %parallel_loop3A_340] : memref<128x64xf32, #tpu.memory_space<vmem>>[vector<16xi32>, vector<16xi32>], vector<16xf32>,
      tpu.vector_store_idx %arg9[%parallel_loop3A_343, %parallel_loop3A_346, %add3A_14], %parallel_loop3A_350 : memref<8x8x136xf32, #tpu.memory_space<vmem>>[vector<16xi32>, vector<16xi32>, vector<16xi32>], vector<16xf32>,
      %parallel_loop3A_351 = tpu.vector_load_idx %arg7[%add3A_17, %parallel_loop3A_340] : memref<128x64xf32, #tpu.memory_space<vmem>>[vector<16xi32>, vector<16xi32>], vector<16xf32>,
      tpu.vector_store_idx %arg9[%parallel_loop3A_343, %parallel_loop3A_346, %add3A_17], %parallel_loop3A_351 : memref<8x8x136xf32, #tpu.memory_space<vmem>>[vector<16xi32>, vector<16xi32>, vector<16xi32>], vector<16xf32>,
      %parallel_loop3A_352 = tpu.vector_load_idx %arg7[%add3A_20, %parallel_loop3A_340] : memref<128x64xf32, #tpu.memory_space<vmem>>[vector<16xi32>, vector<16xi32>], vector<16xf32>,
      tpu.vector_store_idx %arg9[%parallel_loop3A_343, %parallel_loop3A_346, %add3A_20], %parallel_loop3A_352 : memref<8x8x136xf32, #tpu.memory_space<vmem>>[vector<16xi32>, vector<16xi32>, vector<16xi32>], vector<16xf32>,
      %parallel_loop3A_353 = tpu.vector_load_idx %arg7[%add3A_23, %parallel_loop3A_340] : memref<128x64xf32, #tpu.memory_space<vmem>>[vector<16xi32>, vector<16xi32>], vector<16xf32>,
      tpu.vector_store_idx %arg9[%parallel_loop3A_343, %parallel_loop3A_346, %add3A_23], %parallel_loop3A_353 : memref<8x8x136xf32, #tpu.memory_space<vmem>>[vector<16xi32>, vector<16xi32>, vector<16xi32>], vector<16xf32>,
      %parallel_loop3A_354 = tpu.vector_load_idx %arg7[%add3A_26, %parallel_loop3A_340] : memref<128x64xf32, #tpu.memory_space<vmem>>[vector<16xi32>, vector<16xi32>], vector<16xf32>,
      tpu.vector_store_idx %arg9[%parallel_loop3A_343, %parallel_loop3A_346, %add3A_26], %parallel_loop3A_354 : memref<8x8x136xf32, #tpu.memory_space<vmem>>[vector<16xi32>, vector<16xi32>, vector<16xi32>], vector<16xf32>,
    } {sc.loop_unroll_factor = 4 : i64, sc.parallel_access}
    %mul3A_260 = arith.constant 4 : i32
    %mul3A_261 = arith.muli %add3A, %mul3A_260 : i32
    %rem3A_262 = arith.constant 199 : i32
    %rem3A_263 = arith.constant 4 : i32
    %rem3A_264 = arith.remsi %rem3A_262, %rem3A_263 : i32
    %add3A_265 = arith.addi %mul3A_261, %rem3A_264 : i32
    %dma_start3A_266 = arith.constant 49 : i32
    %dma_start3A_267 = arith.constant 0 : i32
    %dma_start3A_268 = arith.constant 0 : i32
    %dma_start3A_269 = arith.constant 0 : i32
    %dma_start3A_270 = tpu.memref_slice %arg9[%dma_start3A_267, %dma_start3A_268, %dma_start3A_269] : memref<8x8x136xf32, #tpu.memory_space<vmem>> -> memref<8x8x128xf32, #tpu.memory_space<vmem>>
    %dma_start3A_271 = arith.constant 0 : i32
    %dma_start3A_272 = arith.constant 0 : i32
    %dma_start3A_273 = arith.constant 0 : i32
    %dma_start3A_274 = tpu.memref_slice %arg4[%dma_start3A_266, %dma_start3A_271, %add3A_265, %dma_start3A_272, %dma_start3A_273] : memref<50x8x128x8x128xf32, #tpu.memory_space<hbm>> -> memref<1x8x1x8x128xf32, #tpu.memory_space<hbm>>
    %dma_start3A_275 = tpu.memref_squeeze %dma_start3A_274 : memref<1x8x1x8x128xf32, #tpu.memory_space<hbm>> -> memref<8x8x128xf32, #tpu.memory_space<hbm>>
    %dma_start3A_276 = arith.constant 0 : i32
    %dma_start3A_277 = arith.constant 0 : i32
    %dma_start3A_278 = arith.constant 0 : i32
    %dma_start3A_279 = tpu.memref_slice %arg4[%dma_start3A_266, %dma_start3A_276, %add3A_265, %dma_start3A_277, %dma_start3A_278] : memref<50x8x128x8x128xf32, #tpu.memory_space<hbm>> -> memref<1x8x1x8x128xf32, #tpu.memory_space<hbm>>
    %dma_start3A_280 = tpu.memref_squeeze %dma_start3A_279 : memref<1x8x1x8x128xf32, #tpu.memory_space<hbm>> -> memref<8x8x128xf32, #tpu.memory_space<hbm>>
    %dma_start3A_281 = arith.constant 0 : i32
    %dma_start3A_282 = arith.constant 0 : i32
    %dma_start3A_283 = arith.constant 0 : i32
    %dma_start3A_284 = tpu.memref_slice %arg9[%dma_start3A_281, %dma_start3A_282, %dma_start3A_283] : memref<8x8x136xf32, #tpu.memory_space<vmem>> -> memref<8x8x128xf32, #tpu.memory_space<vmem>>
    tpu.enqueue_dma source(%dma_start3A_284 : memref<8x8x128xf32, #tpu.memory_space<vmem>>) target(%dma_start3A_280 : memref<8x8x128xf32, #tpu.memory_space<hbm>>) target_semaphore(%arg13 : memref<!tpu.dma_semaphore, #tpu.memory_space<semaphore_mem>>)
    %mul3A_285 = arith.constant 4 : i32
    %mul3A_286 = arith.muli %add3A, %mul3A_285 : i32
    %rem3A_287 = arith.constant 198 : i32
    %rem3A_288 = arith.constant 4 : i32
    %rem3A_289 = arith.remsi %rem3A_287, %rem3A_288 : i32
    %add3A_290 = arith.addi %mul3A_286, %rem3A_289 : i32
    %dma_wait3A_291 = arith.constant 49 : i32
    %dma_wait3A_292 = arith.constant 0 : i32
    %dma_wait3A_293 = arith.constant 0 : i32
    %dma_wait3A_294 = arith.constant 0 : i32
    %dma_wait3A_295 = tpu.memref_slice %arg8[%dma_wait3A_292, %dma_wait3A_293, %dma_wait3A_294] : memref<8x8x136xf32, #tpu.memory_space<vmem>> -> memref<8x8x128xf32, #tpu.memory_space<vmem>>
    %dma_wait3A_296 = arith.constant 0 : i32
    %dma_wait3A_297 = arith.constant 0 : i32
    %dma_wait3A_298 = arith.constant 0 : i32
    %dma_wait3A_299 = tpu.memref_slice %arg4[%dma_wait3A_291, %dma_wait3A_296, %add3A_290, %dma_wait3A_297, %dma_wait3A_298] : memref<50x8x128x8x128xf32, #tpu.memory_space<hbm>> -> memref<1x8x1x8x128xf32, #tpu.memory_space<hbm>>
    %dma_wait3A_300 = tpu.memref_squeeze %dma_wait3A_299 : memref<1x8x1x8x128xf32, #tpu.memory_space<hbm>> -> memref<8x8x128xf32, #tpu.memory_space<hbm>>
    %dma_wait3A_301 = arith.constant 0 : i32
    %dma_wait3A_302 = arith.constant 0 : i32
    %dma_wait3A_303 = arith.constant 0 : i32
    %dma_wait3A_304 = tpu.memref_slice %arg4[%dma_wait3A_291, %dma_wait3A_301, %add3A_290, %dma_wait3A_302, %dma_wait3A_303] : memref<50x8x128x8x128xf32, #tpu.memory_space<hbm>> -> memref<1x8x1x8x128xf32, #tpu.memory_space<hbm>>
    %dma_wait3A_305 = tpu.memref_squeeze %dma_wait3A_304 : memref<1x8x1x8x128xf32, #tpu.memory_space<hbm>> -> memref<8x8x128xf32, #tpu.memory_space<hbm>>
    %dma_wait3A_306 = arith.constant 0 : i32
    %dma_wait3A_307 = arith.constant 0 : i32
    %dma_wait3A_308 = arith.constant 0 : i32
    %dma_wait3A_309 = tpu.memref_slice %arg8[%dma_wait3A_306, %dma_wait3A_307, %dma_wait3A_308] : memref<8x8x136xf32, #tpu.memory_space<vmem>> -> memref<8x8x128xf32, #tpu.memory_space<vmem>>
    tpu.wait_dma2 semaphore(%arg12 : memref<!tpu.dma_semaphore, #tpu.memory_space<semaphore_mem>>) src(%dma_wait3A_309 : memref<8x8x128xf32, #tpu.memory_space<vmem>>) dst(%dma_wait3A_305 : memref<8x8x128xf32, #tpu.memory_space<hbm>>)
    %mul3A_310 = arith.constant 4 : i32
    %mul3A_311 = arith.muli %add3A, %mul3A_310 : i32
    %rem3A_312 = arith.constant 199 : i32
    %rem3A_313 = arith.constant 4 : i32
    %rem3A_314 = arith.remsi %rem3A_312, %rem3A_313 : i32
    %add3A_315 = arith.addi %mul3A_311, %rem3A_314 : i32
    %dma_wait3A_316 = arith.constant 49 : i32
    %dma_wait3A_317 = arith.constant 0 : i32
    %dma_wait3A_318 = arith.constant 0 : i32
    %dma_wait3A_319 = arith.constant 0 : i32
    %dma_wait3A_320 = tpu.memref_slice %arg9[%dma_wait3A_317, %dma_wait3A_318, %dma_wait3A_319] : memref<8x8x136xf32, #tpu.memory_space<vmem>> -> memref<8x8x128xf32, #tpu.memory_space<vmem>>
    %dma_wait3A_321 = arith.constant 0 : i32
    %dma_wait3A_322 = arith.constant 0 : i32
    %dma_wait3A_323 = arith.constant 0 : i32
    %dma_wait3A_324 = tpu.memref_slice %arg4[%dma_wait3A_316, %dma_wait3A_321, %add3A_315, %dma_wait3A_322, %dma_wait3A_323] : memref<50x8x128x8x128xf32, #tpu.memory_space<hbm>> -> memref<1x8x1x8x128xf32, #tpu.memory_space<hbm>>
    %dma_wait3A_325 = tpu.memref_squeeze %dma_wait3A_324 : memref<1x8x1x8x128xf32, #tpu.memory_space<hbm>> -> memref<8x8x128xf32, #tpu.memory_space<hbm>>
    %dma_wait3A_326 = arith.constant 0 : i32
    %dma_wait3A_327 = arith.constant 0 : i32
    %dma_wait3A_328 = arith.constant 0 : i32
    %dma_wait3A_329 = tpu.memref_slice %arg4[%dma_wait3A_316, %dma_wait3A_326, %add3A_315, %dma_wait3A_327, %dma_wait3A_328] : memref<50x8x128x8x128xf32, #tpu.memory_space<hbm>> -> memref<1x8x1x8x128xf32, #tpu.memory_space<hbm>>
    %dma_wait3A_330 = tpu.memref_squeeze %dma_wait3A_329 : memref<1x8x1x8x128xf32, #tpu.memory_space<hbm>> -> memref<8x8x128xf32, #tpu.memory_space<hbm>>
    %dma_wait3A_331 = arith.constant 0 : i32
    %dma_wait3A_332 = arith.constant 0 : i32
    %dma_wait3A_333 = arith.constant 0 : i32
    %dma_wait3A_334 = tpu.memref_slice %arg9[%dma_wait3A_331, %dma_wait3A_332, %dma_wait3A_333] : memref<8x8x136xf32, #tpu.memory_space<vmem>> -> memref<8x8x128xf32, #tpu.memory_space<vmem>>
    tpu.wait_dma2 semaphore(%arg13 : memref<!tpu.dma_semaphore, #tpu.memory_space<semaphore_mem>>) src(%dma_wait3A_334 : memref<8x8x128xf32, #tpu.memory_space<vmem>>) dst(%dma_wait3A_330 : memref<8x8x128xf32, #tpu.memory_space<hbm>>)
    return
  }
}

</mosaic_0001>

<sc_bundles>
// kernel: kernel.3.cloned.1.call-start
scs
__scs_entry_jumppad:
0x0: {  	(pc) =	sbr.rel $0x88, $3  }
0x1: {  	(tag) =	ssettag $0x0;
	lr =	simm.s32 $0x1  }
0x2: {  	[smem:$0x3F9F] =	sst lr;
	_ =	strace $0xD0000000  }
0x3: {  	_ = 	snop  }
0x4: {  	_ = 	snop  }
0x5: {  	_ = 	snop  }
0x6: {  	_ = 	snop  }
0x7: {  	_ = 	snop  }
__scs_overlays_trampoline_lowered:
0x8: {  	[smem:$0x3FAE] =	sst s0  }
0x9: {  	[smem:$0x3FAF] =	sst s1  }
0xa: {  	[smem:$0x3FB0] =	sst s2  }
0xb: {  	[smem:$0x3FB1] =	sst s3  }
0xc: {  	[smem:$0x3FB2] =	sst s4  }
0xd: {  	[smem:$0x3FB3] =	sst s5  }
0xe: {  	[smem:$0x3FB4] =	sst s6  }
0xf: {  	[smem:$0x3FB5] =	sst s7  }
0x10: {  	[smem:$0x3FB6] =	sst s8  }
0x11: {  	[smem:$0x3FB7] =	sst s9;
	s0 =	simm.s32 @!p0 $0x0  }
0x12: {  	s1 =	sld [smem:$0x3F9D];
	s0 =	simm.s32 @p0 $0x1  }
0x13: {  	[smem:$0x3FB8] =	sst s0;
	s0 =	simm.s32 @!p1 $0x0  }
0x14: {  	s2 =	sld [smem:$0x3F9C];
	s0 =	simm.s32 @p1 $0x1  }
0x15: {  	[smem:$0x3FB9] =	sst s0;
	s0 =	simm.s32 @!p2 $0x0  }
0x16: {  	s3 =	sld [smem:$0x3FDB];
	s0 =	simm.s32 @p2 $0x1  }
0x17: {  	s4 =	simm.s32 $0x1BF5;
	[smem:$0x3FBB] =	sst s0  }
0x18: {  	s0 =	sld [smem:$0x3F9E];
	_ =	swait.ge [sflag:s4], $0x0  }
0x19: {  	s7 =	sld [smem:$0x3F9F]  }
0x1a: {  	s8 =	sadd.s32 $0xFFFFE003, lr  }
0x1b: {  	s9 =	sadd.s32 $0xFFFFFEF7, lr;
	s5 =	simm.s32 $0xFFFFFFFF;
	p2 =	slt.u32 s8, $0xFFFFF086  }
0x1c: {  	p1 =	slt.u32 s9, $0xF7A;
	s5 =	simm.s32 @!p2 $0x0  }
0x1d: {  	s5 =	simm.s32 @p1 $0x1;
	p0 =	seq.s32 s7, s2  }
0x1e: {  	s7 =	smul.u32 @!p0 $0xF7A, s2;
	p2 =	seq.s32 @!p0 s5, $0x0  }
0x1f: {  	s9 =	smul.u32 $0xF7A, s1;
	s8 =	simm.s32 @!p0 $0x1BF5;
	p2 =	por !p2, p0  }
0x20: {  	[sflag:s8] =	ssyncset.s32 @!p0 $0xFFFFF086;
	s6 =	sadd.s32 @!p0 s3, s7;
	s7 =	simm.s32 @!p0 $0x108  }
0x21: {  	s3 =	sadd.s32 s3, s9;
	s6 =	sadd.s32 @!p0 $0x88, s6;
	s7 =	simm.s32 @p2 $0x1082  }
0x22: {  	[simem:s7], [sflag:s8] =	dma.local @!p0 [hbm:s6], $0xF7A  }
0x23: {  	s9 =	sor.u32 $0xD0000000, s2;
	s6 =	simm.s32 $0x108;
	_ =	swait.ge @!p0 [sflag:s8], $0x0  }
0x24: {  	s3 =	sadd.s32 $0x88, s3;
	s6 =	simm.s32 @!p1 $0x1082;
	[sflag:s4] =	ssyncset.s32 $0xFFFFF086  }
0x25: {  	[simem:s6], [sflag:s4] =	dma.local [hbm:s3], $0xF7A  }
0x26: {  	[smem:$0x3F9F] =	sst s1;
	(tag) =	ssettag s2;
	_ =	strace s9  }
0x27: {  	s1 =	sld [smem:$0x3FAF]  }
0x28: {  	s2 =	sld [smem:$0x3FB0]  }
0x29: {  	s4 =	sld [smem:$0x3FB2]  }
0x2a: {  	p0 =	seq.s32 s5, $0x0;
	s5 =	sld [smem:$0x3FB3]  }
0x2b: {  	s6 =	sld [smem:$0x3FB4]  }
0x2c: {  	s7 =	sld [smem:$0x3FB5]  }
0x2d: {  	s3 =	simm.s32 $0x108;
	s8 =	sld [smem:$0x3FB6]  }
0x2e: {  	s3 =	simm.s32 @!p0 $0x1082;
	s9 =	sld [smem:$0x3FB7]  }
0x2f: {  	lr =	sadd.s32 s0, s3;
	s0 =	sld [smem:$0x3FAE]  }
0x30: {  	s3 =	sld [smem:$0x3FB1]  }
0x31: {  	[smem:$0x3FBA] =	sst s10  }
0x32: {  	s10 =	sld [smem:$0x3FB8];
	_ =	sdelay $0x3  }
0x33: {  	p0 =	seq.s32 s10, $0x1;
	s10 =	sld [smem:$0x3FBA];
	_ =	sdelay $0x3  }
0x34: {  	[smem:$0x3FBA] =	sst s10  }
0x35: {  	s10 =	sld [smem:$0x3FB9];
	_ =	sdelay $0x3  }
0x36: {  	p1 =	seq.s32 s10, $0x1;
	s10 =	sld [smem:$0x3FBA];
	_ =	sdelay $0x3  }
0x37: {  	[smem:$0x3FBA] =	sst s10  }
0x38: {  	s10 =	sld [smem:$0x3FBB]  }
0x39: {  	_ = 	snop;
	(pc) =	sbr.ind lr, $3  }
0x3a: {  	_ = 	snop  }
0x3b: {  	_ = 	snop  }
0x3c: {  	p2 =	seq.s32 s10, $0x1;
	s10 =	sld [smem:$0x3FBA]  }
0x3d: {  	_ =	shalt  }
0x3e: {  	_ =	shalt  }
0x3f: {  	_ =	shalt  }
0x40: {  	_ =	shalt  }
0x41: {  	_ =	shalt  }
0x42: {  	_ =	shalt  }
0x43: {  	_ =	shalt  }
0x44: {  	_ =	shalt  }
0x45: {  	_ =	shalt  }
0x46: {  	_ =	shalt  }
0x47: {  	_ =	shalt  }
0x48: {  	_ =	shalt  }
0x49: {  	_ =	shalt  }
0x4a: {  	_ =	shalt  }
0x4b: {  	_ =	shalt  }
0x4c: {  	_ =	shalt  }
0x4d: {  	_ =	shalt  }
0x4e: {  	_ =	shalt  }
0x4f: {  	_ =	shalt  }
0x50: {  	_ =	shalt  }
0x51: {  	_ =	shalt  }
0x52: {  	_ =	shalt  }
0x53: {  	_ =	shalt  }
0x54: {  	_ =	shalt  }
0x55: {  	_ =	shalt  }
0x56: {  	_ =	shalt  }
0x57: {  	_ =	shalt  }
0x58: {  	_ =	shalt  }
0x59: {  	_ =	shalt  }
0x5a: {  	_ =	shalt  }
0x5b: {  	_ =	shalt  }
0x5c: {  	_ =	shalt  }
0x5d: {  	_ =	shalt  }
0x5e: {  	_ =	shalt  }
0x5f: {  	_ =	shalt  }
0x60: {  	_ =	shalt  }
0x61: {  	_ =	shalt  }
0x62: {  	_ =	shalt  }
0x63: {  	_ =	shalt  }
0x64: {  	_ =	shalt  }
0x65: {  	_ =	shalt  }
0x66: {  	_ =	shalt  }
0x67: {  	_ =	shalt  }
0x68: {  	_ =	shalt  }
0x69: {  	_ =	shalt  }
0x6a: {  	_ =	shalt  }
0x6b: {  	_ =	shalt  }
0x6c: {  	_ =	shalt  }
0x6d: {  	_ =	shalt  }
0x6e: {  	_ =	shalt  }
0x6f: {  	_ =	shalt  }
0x70: {  	_ =	shalt  }
0x71: {  	_ =	shalt  }
0x72: {  	_ =	shalt  }
0x73: {  	_ =	shalt  }
0x74: {  	_ =	shalt  }
0x75: {  	_ =	shalt  }
0x76: {  	_ =	shalt  }
0x77: {  	_ =	shalt  }
0x78: {  	_ =	shalt  }
0x79: {  	_ =	shalt  }
0x7a: {  	_ =	shalt  }
0x7b: {  	_ =	shalt  }
0x7c: {  	_ =	shalt  }
0x7d: {  	_ =	shalt  }
0x7e: {  	_ =	shalt  }
0x7f: {  	_ =	shalt  }
0x80: {  	_ =	shalt  }
0x81: {  	_ =	shalt  }
0x82: {  	_ =	shalt  }
0x83: {  	_ =	shalt  }
0x84: {  	_ =	shalt  }
0x85: {  	_ =	shalt  }
0x86: {  	_ =	shalt  }
0x87: {  	_ =	shalt  }
.Lfunc_end0:
.L_simem_size_0:
called_computation_lowered:
.L_overlay_start_0:
0x88: {  	s2 =	sld [smem:$0x3FD9]  }
0x89: {  	s3 =	sld [smem:$0x3FFE];
	_ =	sdelay $0x1  }
0x8a: {  	s1 =	srdreg.scid  }
0x8b: {  	s0 =	sand.u32 $0x1, s1  }
0x8c: {  	s17 =	sshll.u32 s0, $0xA;
	s2 =	sadd.s32 s3, s2  }
0x8d: {  	s2 =	sadd.s32 s2, s17  }
0x8e: {  	[smem:$0x3FC6] =	sst s2  }
0x8f: {  	_ = 	snop  }
0x90: {  	s2 =	sld [smem:$0x3FD0];
	(tm) =	ssettm $0x1  }
0x91: {  	s18 =	sld [smem:$0x3FFB];
	_ =	sdelay $0x3  }
0x92: {  	_ =	strace s18  }
0x93: {  	s3 =	sld [smem:$0x3FFC];
	_ =	sdelay $0x3  }
0x94: {  	_ =	strace s3  }
0x95: {  	s3 =	sld [smem:$0x3FFD];
	_ =	sdelay $0x3  }
0x96: {  	_ =	strace s3  }
0x97: {  	_ =	strace $0x8FFFFFFF  }
0x98: {  	s19 =	sld [smem:$0x3FDB];
	_ =	sdelay $0x1  }
0x99: {  	s4 =	simm.s32 $_scs_section_size  }
0x9a: {  	s5 =	simm.s32 $_size__tile_overlayer_lowered;
	s6 =	simm.s32 $_tile_overlayer_lowered  }
0x9b: {  	s22 =	simm.s32 $0x1BFF;
	s21 =	sshll.u32 s6, $0x1;
	s3 =	sadd.s32 s4, s19  }
0x9c: {  	s7 =	simm.s32 $0x0;
	s20 =	sshll.u32 s5, $0x1;
	s5 =	sadd.s32 s21, s3  }
0x9d: {  	[timem:s7], [sflag:s22] =	dma.local [hbm:s5], s20  }
0x9e: {  	_ =	swait.ge [sflag:s22], s20  }
0x9f: {  	s4 =	ssub.s32 $0x0, s20;
	[sflag:s22] =	ssyncset.done $0x0  }
0xa0: {  	[sflag:s22] =	ssyncadd.s32 s4;
	_ =	sdelay $0x1  }
0xa1: {  	s23 =	simm.s32 $0x1B8B  }
0xa2: {  	_ =	swait.ge [sflag:s23], $0x1  }
0xa3: {  	[sflag:s23] =	ssyncset.done $0x0  }
0xa4: {  	s25 =	simm.s32 $0x1B8E;
	s24 =	sld [smem:$0x3FFE];
	[sflag:s23] =	ssyncadd.s32 $0xFFFFFFFF  }
0xa5: {  	s26 =	simm.s32 $execute0_lowered;
	[smem:$0x3FD2] =	sst s25  }
0xa6: {  	s5 =	sshll.u32 s26, $0x1;
	_ =	strace $0x80000046;
	[dreg:$0x1] =	wrdreg $0xFFFFFFFF  }
0xa7: {  	s28 =	simm.s32 $_size_execute0_lowered;
	s3 =	sadd.s32 s3, s5;
	[dreg:$0x0] =	wrdreg $0x0  }
0xa8: {  	s5 =	sshll.u32 s28, $0x1;
	[dreg:$0x2] =	wrdreg s3  }
0xa9: {  	[dreg:$0x3] =	wrdreg s5  }
0xaa: {  	[dreg:$0x4] =	wrdreg $0xC0  }
0xab: {  	_ =	task [dreg:s7], $0x5FFFF  }
0xac: {  	[dreg:$0x1] =	wrdreg $0xFFFFFFFF  }
0xad: {  	[dreg:$0x0] =	wrdreg $0x60  }
0xae: {  	[dreg:$0x2] =	wrdreg s24  }
0xaf: {  	[dreg:$0x3] =	wrdreg s2  }
0xb0: {  	[dreg:$0x4] =	wrdreg $0x9  }
0xb1: {  	_ =	task.clear_ibuf [dreg:s7], $0x5FFFF;
	_ =	strace $0x90000046  }
0xb2: {  	s29 =	simm.s32 $0x9;
	_ =	strace $0x80000048  }
0xb3: {  	_ =	swait.ge [sflag:s29], $0x1  }
0xb4: {  	[sflag:s29] =	ssyncadd.s32 $0xFFFFFFFF  }
0xb5: {  	_ =	strace $0x90000048  }
0xb6: {  	_ =	sfence  }
0xb7: {  	s30 =	sld [smem:$0x0];
	_ =	sdelay $0x2  }
0xb8: {  	s31 =	sshll.u32 s1, $0xD;
	s1 =	sshrl.u32 s1, $0x2  }
0xb9: {  	s3 =	sand.u32 $0x4000, s31;
	s1 =	sadd.s32 s1, s30  }
0xba: {  	s0 =	sor.u32 s3, s0;
	s1 =	sshll.u32 s1, $0x11  }
0xbb: {  	s0 =	sor.u32 s1, s0  }
0xbc: {  	s0 =	sadd.s32 $0x8F2B, s0  }
0xbd: {  	[sflag:s0] =	ssyncadd.remote.s32 $0x1  }
0xbe: {  	_ =	sfence.sel $0xFFFF  }
0xbf: {  	[dreg:$0x0] =	wrdreg $0xFFFFFFFF;
	(pc) =	sbr.abs _section_cstart, $3  }
0xc0: {  	[dreg:$0x1] =	wrdreg $0xFFFFFFFF  }
0xc1: {  	_ =	task.clear_ibuf [dreg:s7], $0x2FFFF;
	_ =	strace $0x9FFFFFFF  }
0xc2: {  	(tm) =	ssettm $0x7FFFFFFF  }
0xc3: {  	_ =	shalt  }
tec
execute0_lowered:
.L_overlay_start_1:
0x0: {  	(tag) =	ssettag $0x1  }
0x1: {  	s0 =	rddreg [dreg:$0x0];
	s3 =	simm.s32 $0x0;
	v1 =	vlaneseq.u32  }
0x2: {  	[smem:$0x7FF] =	sst s3;
	v14 =	vor.u32 $0x10, v1  }
0x3: {  	s2 =	rddreg [dreg:$0x1];
	v11 =	vor.u32 $0x30, v1;
	_ =	strace $0x80000047;
	[tilespmem:$0x1FF80] =	vst v14  }
0x4: {  	v10 =	vor.u32 $0x40, v1;
	[tilespmem:$0x1FFB0] =	vst v11  }
0x5: {  	v9 =	vor.u32 $0x60, v1;
	[tilespmem:$0x1FFC0] =	vst v10  }
0x6: {  	v0 =	vmul.u32 $0x9, v1;
	v3 =	vor.u32 $0x70, v1;
	[tilespmem:$0x1FFD0] =	vst v9  }
0x7: {  	v4 =	vmul.u32 $0x40, v1;
	[tilespmem:$0x1FFE0] =	vst v3  }
0x8: {  	[tilespmem:$0x1FF00] =	vst v0  }
0x9: {  	s1 =	srdreg.scid;
	s4 =	stileid.u32;
	s14 =	simm.s32 $0x5;
	v0 =	vor.u32 $0x20, v1;
	[tilespmem:$0x1FF60] =	vst v4  }
0xa: {  	s15 =	simm.s32 $0x80;
	s16 =	simm.s32 $0x6400;
	s17 =	simm.s32 $0x8400;
	v12 =	vor.u32 $0x400, v4;
	[tilespmem:$0x1FF10] =	vst v0  }
0xb: {  	s18 =	simm.s32 $0x1;
	s19 =	simm.s32 $0xA400;
	s21 =	simm.s32 $0x2;
	v15 =	vor.u32 $0x800, v4;
	[tilespmem:$0x1FF70] =	vst v12  }
0xc: {  	s22 =	simm.s32 $0xC600;
	s23 =	simm.s32 $0x180;
	s24 =	simm.s32 $0x3;
	v13 =	vor.u32 $0xC00, v4;
	[tilespmem:$0x1FF90] =	vst v15  }
0xd: {  	s25 =	simm.s32 $0x4;
	s1 =	sand.u32 $0x1, s1;
	s4 =	sshll.u32 s4, $0x1;
	v16 =	vor.u32 $0x1C00, v4;
	[tilespmem:$0x1FFA0] =	vst v13  }
0xe: {  	s26 =	simm.s32 $0x0;
	s4 =	sor.u32 s1, s4;
	s1 =	ssub.s32 $0x2, s1;
	v0 =	vor.u32 $0x1000, v4;
	[tilespmem:$0x1FFF0] =	vst v16  }
0xf: {  	s5 =	sshll.u32 s4, $0x6;
	s4 =	sshll.u32 s4, $0x9;
	s31 =	sshrl.u32 s1, $0x1;
	[tilespmem:$0x1FF20] =	vst v0;
	v0 =	vor.u32 $0x1400, v4  }
0x10: {  	s7 =	sadd.s32 s5, s0;
	s5 =	sadd.s32 $0xF42A00, s0;
	s6 =	sadd.s32 s2, s4;
	[tilespmem:$0x1FF30] =	vst v0;
	v0 =	vor.u32 $0x50, v1  }
0x11: {  	s0 =	ssub.s32 s1, s31;
	s7 =	sadd.s32 $0x600, s7;
	s8 =	sadd.s32 $0x80, s6;
	[tilespmem:$0x1FF40] =	vst v0;
	v0 =	vor.u32 $0x1800, v4  }
0x12: {  	s9 =	sadd.s32 $0x620100, s6;
	s10 =	sadd.s32 $0x620180, s6;
	s11 =	smax.u32 s0, $0x1;
	[tilespmem:$0x1FF50] =	vst v0  }
.LBB2_1:
0x13: {  	v2 =	vld [tilespmem:$0x1FF00];
	_ =	sdelay $0x3  }
0x14: {  	s0 =	simm.s32 $0x1  }
0x15: {  	s1 =	simm.s32 $0x2;
	v61 =	vlaneseq.u32;
	s31 =	simm.s32 $0x200;
	s12 =	simm.s32 $0x4000;
	v0 =	vadd.s32 s3, v2;
	v17 =	vadd.s32 s0, v2  }
0x16: {  	[tilespmem:s3], [sflag:$0x5] =	stream.strided.gather [hbm4b:s7+s31], $0x6400, s12, s31, $0x38;
	v19 =	vadd.s32 s1, v2;
	v1 =	vand.u32 $0x7, v0;
	v18 =	vand.u32 $0x3F, v17;
	[tilespmem:$0xE800] =	vst v63  }
0x17: {  	_ =	swait.ge [sflag:s14], $0x6400;
	v41 =	vand.u32 $0x3F, v19;
	v20 =	vshrl.u32 v0, $0x3;
	v23 =	vand.u32 $0x7, v17  }
0x18: {  	s13 =	simm.s32 $0x3;
	[sflag:s14] =	ssyncset.done $0x0;
	v25 =	vshrl.u32 v19, $0x3;
	v47 =	vand.u32 $0x3F, v0;
	v0 =	vand.u32 $0x7, v19  }
0x19: {  	[sflag:s14] =	ssyncadd.s32 $0xFFFF9C00;
	v19 =	vadd.s32 s13, v2;
	v17 =	vshrl.u32 v17, $0x3;
	v1 =	vmul.u32 $0x88, v1  }
0x1a: {  	[tilespmem:s16], [sflag:$0x1] =	stream.indirect.gather [hbm4b:s5+s15], $0x40, s3, s15, $0xb8;
	v21 =	vor.u32 v4, v18;
	v6 =	vor.u32 v16, v41;
	v26 =	vor.u32 v4, v47;
	[tilespmem:$0xE800] =	vst v63  }
0x1b: {  	v23 =	vmul.u32 $0x88, v23;
	v24 =	vand.u32 $0x3F, v19;
	v25 =	vand.u32 $0x7, v25  }
0x1c: {  	[tilespmem:s17], [sflag:$0x2] =	stream.indirect.gather [hbm4b:s5+s15], $0x40, s15, s15, $0xb8;
	v0 =	vmul.u32 $0x88, v0;
	v17 =	vand.u32 $0x7, v17;
	v27 =	vshrl.u32 v19, $0x3;
	[tilespmem:$0xE800] =	vst v63  }
0x1d: {  	v20 =	vand.u32 $0x7, v20;
	v19 =	vand.u32 $0x7, v19;
	[tilespmem:$0x1FE60] =	vst v6;
	v17 =	vmul.u32 $0x440, v17  }
0x1e: {  	v28 =	vor.u32 v4, v24;
	v27 =	vand.u32 $0x7, v27;
	v20 =	vmul.u32 $0x440, v20;
	_ =	swait.ge [sflag:s18], $0x2000  }
0x1f: {  	v19 =	vmul.u32 $0x88, v19;
	[sflag:s18] =	ssyncset.done $0x0;
	v36 =	vadd.s32 v23, v17;
	v17 =	vmul.u32 $0x440, v27  }
0x20: {  	v23 =	vmul.u32 $0x440, v25;
	v35 =	vadd.s32 v1, v20;
	v1 =	vor.u32 v16, v47;
	[sflag:s18] =	ssyncadd.s32 $0xFFFFE000  }
0x21: {  	v29 =	vadd.s32 v61, v36;
	v25 =	vld.idx.msk [tilespmem:v21+s16+$0x0], $0xffff;
	[tilespmem:$0x1FE70] =	vst v1  }
0x22: {  	v39 =	vadd.s32 v19, v17;
	v17 =	vadd.s32 v61, v35;
	v27 =	vadd.s32 v0, v23;
	v1 =	vld.idx.msk [tilespmem:v26+s16+$0x0], $0xffff  }
0x23: {  	v22 =	vor.u32 v4, v41;
	v6 =	vadd.s32 v3, v27  }
0x24: {  	v0 =	vld.idx.msk [tilespmem:v28+s16+$0x0], $0xffff;
	v23 =	vadd.s32 v61, v39;
	[tilespmem:$0x1FE80] =	vst v6;
	v6 =	vadd.s32 v3, v36  }
0x25: {  	[tilespmem:$0x1FE90] =	vst v6  }
0x26: {  	[tilespmem:v29+s19+$0x0] =	vst.idx.msk $0xffff, v25  }
0x27: {  	v6 =	vadd.s32 v10, v35;
	[tilespmem:v17+s19+$0x0] =	vst.idx.msk $0xffff, v1  }
0x28: {  	v22 =	vld.idx.msk [tilespmem:v22+s16+$0x0], $0xffff;
	[tilespmem:$0x1FEE0] =	vst v6  }
0x29: {  	[tilespmem:v23+s19+$0x0] =	vst.idx.msk $0xffff, v0  }
0x2a: {  	v8 =	vld [tilespmem:$0x1FF30]  }
0x2b: {  	v26 =	vor.u32 v12, v24  }
0x2c: {  	v28 =	vadd.s32 v61, v27;
	_ =	sdelay $0x2  }
0x2d: {  	v6 =	vor.u32 v8, v41  }
0x2e: {  	v0 =	vld.idx.msk [tilespmem:v26+s16+$0x0], $0xffff;
	[tilespmem:$0x1FEA0] =	vst v6  }
0x2f: {  	v7 =	vld [tilespmem:$0x1FF10];
	[tilespmem:v28+s19+$0x0] =	vst.idx.msk $0xffff, v22  }
0x30: {  	v25 =	vor.u32 v12, v47;
	v23 =	vadd.s32 v14, v39;
	v6 =	vld [tilespmem:$0x1FF20];
	_ =	sdelay $0x1  }
0x31: {  	v31 =	vor.u32 v12, v18  }
0x32: {  	v33 =	vor.u32 v15, v24  }
0x33: {  	v30 =	vor.u32 v12, v41  }
0x34: {  	s20 =	simm.s32 $0x4;
	v34 =	vadd.s32 v14, v35;
	v22 =	vld.idx.msk [tilespmem:v25+s16+$0x0], $0xffff;
	[tilespmem:v23+s19+$0x0] =	vst.idx.msk $0xffff, v0;
	v0 =	vor.u32 v6, v41  }
0x35: {  	s29 =	simm.s32 $0x5;
	s30 =	simm.s32 $0x6;
	v51 =	vadd.s32 s20, v2;
	v38 =	vor.u32 v15, v47;
	[tilespmem:$0x1FEF0] =	vst v0  }
0x36: {  	v62 =	vadd.s32 s29, v2;
	v63 =	vadd.s32 s30, v2;
	v1 =	vadd.s32 v14, v36;
	v23 =	vld.idx.msk [tilespmem:v31+s16+$0x0], $0xffff  }
0x37: {  	v49 =	vshrl.u32 v62, $0x3;
	v29 =	vor.u32 v15, v18;
	v25 =	vadd.s32 v7, v39;
	v33 =	vld.idx.msk [tilespmem:v33+s16+$0x0], $0xffff  }
0x38: {  	v45 =	vor.u32 v15, v41;
	v44 =	vor.u32 v13, v18;
	v52 =	vor.u32 v13, v41  }
0x39: {  	v37 =	vadd.s32 v14, v27;
	v28 =	vor.u32 v13, v24;
	v30 =	vld.idx.msk [tilespmem:v30+s16+$0x0], $0xffff;
	[tilespmem:v34+s19+$0x0] =	vst.idx.msk $0xffff, v22  }
0x3a: {  	v46 =	vor.u32 v13, v47;
	v55 =	vadd.s32 v11, v35;
	v31 =	vadd.s32 v7, v35;
	v60 =	vld.idx.msk [tilespmem:v38+s16+$0x0], $0xffff  }
0x3b: {  	v56 =	vadd.s32 v11, v36;
	v57 =	vadd.s32 v11, v39;
	[tilespmem:v1+s19+$0x0] =	vst.idx.msk $0xffff, v23;
	v23 =	vand.u32 $0x3F, v63  }
0x3c: {  	v32 =	vadd.s32 v7, v36;
	[tilespmem:v25+s19+$0x0] =	vst.idx.msk $0xffff, v33;
	v29 =	vld.idx.msk [tilespmem:v29+s16+$0x0], $0xffff;
	v5 =	vor.u32 v16, v23  }
0x3d: {  	v17 =	vshrl.u32 v51, $0x3;
	v50 =	vadd.s32 v7, v27;
	v54 =	vor.u32 v6, v24;
	[tilespmem:$0x1FEB0] =	vst v5  }
0x3e: {  	s31 =	simm.s32 $0x7;
	v22 =	vand.u32 $0x7, v51;
	v38 =	vand.u32 $0x3F, v51;
	v1 =	vor.u32 v4, v23;
	v51 =	vld.idx.msk [tilespmem:v28+s16+$0x0], $0xffff;
	[tilespmem:v37+s19+$0x0] =	vst.idx.msk $0xffff, v30  }
0x3f: {  	v25 =	vshrl.u32 v63, $0x3;
	v37 =	vadd.s32 s31, v2;
	[tilespmem:v31+s19+$0x0] =	vst.idx.msk $0xffff, v60;
	v2 =	vor.u32 v16, v38;
	v31 =	vld.idx.msk [tilespmem:v45+s16+$0x0], $0xffff  }
0x40: {  	v26 =	vadd.s32 v10, v39;
	v30 =	vand.u32 $0x7, v63;
	v60 =	vand.u32 $0x7, v25;
	v45 =	vld.idx.msk [tilespmem:v46+s16+$0x0], $0xffff;
	[tilespmem:$0x1FEC0] =	vst v2  }
0x41: {  	v34 =	vand.u32 $0x3F, v62;
	v30 =	vmul.u32 $0x88, v30;
	v33 =	vmul.u32 $0x440, v60;
	[tilespmem:v32+s19+$0x0] =	vst.idx.msk $0xffff, v29  }
0x42: {  	v48 =	vor.u32 v6, v47;
	v0 =	vand.u32 $0x7, v62;
	v42 =	vor.u32 v4, v34;
	v62 =	vld.idx.msk [tilespmem:v44+s16+$0x0], $0xffff  }
0x43: {  	v29 =	vand.u32 $0x7, v37;
	v33 =	vadd.s32 v30, v33;
	v30 =	vand.u32 $0x7, v49;
	v46 =	vld.idx.msk [tilespmem:v1+s16+$0x0], $0xffff;
	[tilespmem:v57+s19+$0x0] =	vst.idx.msk $0xffff, v51  }
0x44: {  	v0 =	vmul.u32 $0x88, v0;
	v1 =	vmul.u32 $0x88, v29;
	v29 =	vmul.u32 $0x440, v30;
	[tilespmem:v50+s19+$0x0] =	vst.idx.msk $0xffff, v31;
	v54 =	vld.idx.msk [tilespmem:v54+s16+$0x0], $0xffff  }
0x45: {  	v58 =	vadd.s32 v11, v27;
	[tilespmem:v55+s19+$0x0] =	vst.idx.msk $0xffff, v45;
	v45 =	vld.idx.msk [tilespmem:v52+s16+$0x0], $0xffff  }
0x46: {  	v28 =	vand.u32 $0x3F, v37;
	v30 =	vshrl.u32 v37, $0x3;
	v37 =	vadd.s32 v0, v29  }
0x47: {  	v42 =	vld.idx.msk [tilespmem:v42+s16+$0x0], $0xffff;
	v2 =	vadd.s32 v3, v37;
	[tilespmem:v56+s19+$0x0] =	vst.idx.msk $0xffff, v62  }
0x48: {  	v30 =	vand.u32 $0x7, v30;
	v48 =	vld.idx.msk [tilespmem:v48+s16+$0x0], $0xffff;
	[tilespmem:$0x1FED0] =	vst v2  }
0x49: {  	v0 =	vmul.u32 $0x440, v30;
	v5 =	vld [tilespmem:$0x1FF40];
	[tilespmem:v26+s19+$0x0] =	vst.idx.msk $0xffff, v54  }
0x4a: {  	[tilespmem:v58+s19+$0x0] =	vst.idx.msk $0xffff, v45  }
0x4b: {  	v31 =	vadd.s32 v1, v0;
	v0 =	vld [tilespmem:$0x1FEE0];
	_ =	sdelay $0x1  }
0x4c: {  	v53 =	vor.u32 v6, v18  }
0x4d: {  	v63 =	vor.u32 v4, v38;
	_ =	sdelay $0x1  }
0x4e: {  	v59 =	vor.u32 v8, v24  }
0x4f: {  	v19 =	vadd.s32 v10, v36;
	v17 =	vand.u32 $0x7, v17  }
0x50: {  	v40 =	vadd.s32 v10, v27;
	v17 =	vmul.u32 $0x440, v17;
	v43 =	vmul.u32 $0x88, v22;
	v53 =	vld.idx.msk [tilespmem:v53+s16+$0x0], $0xffff  }
0x51: {  	v60 =	vor.u32 v4, v28;
	v62 =	vadd.s32 v61, v37;
	v63 =	vld.idx.msk [tilespmem:v63+s16+$0x0], $0xffff;
	[tilespmem:v0+s19+$0x0] =	vst.idx.msk $0xffff, v48  }
0x52: {  	v21 =	vor.u32 v8, v47;
	v20 =	vor.u32 v8, v18;
	v29 =	vadd.s32 v43, v17;
	v0 =	vld [tilespmem:$0x1FEF0]  }
0x53: {  	v49 =	vor.u32 v12, v34;
	v44 =	vor.u32 v12, v23;
	v54 =	vadd.s32 v61, v29;
	v1 =	vld.idx.msk [tilespmem:v59+s16+$0x0], $0xffff  }
0x54: {  	v32 =	vadd.s32 v3, v33;
	v59 =	vor.u32 v12, v38;
	v17 =	vadd.s32 v5, v39;
	v11 =	vld [tilespmem:$0x1FF50]  }
0x55: {  	v51 =	vor.u32 v12, v28;
	v50 =	vadd.s32 v61, v33;
	v43 =	vadd.s32 v14, v33  }
0x56: {  	v56 =	vor.u32 v15, v28;
	v57 =	vld.idx.msk [tilespmem:v60+s16+$0x0], $0xffff;
	v45 =	vor.u32 v15, v23;
	[tilespmem:v62+s19+$0x0] =	vst.idx.msk $0xffff, v42  }
0x57: {  	v52 =	vadd.s32 v5, v36;
	v58 =	vadd.s32 v5, v27;
	v48 =	vld.idx.msk [tilespmem:v21+s16+$0x0], $0xffff;
	[tilespmem:v19+s19+$0x0] =	vst.idx.msk $0xffff, v53  }
0x58: {  	v42 =	vadd.s32 v3, v39;
	[tilespmem:v54+s19+$0x0] =	vst.idx.msk $0xffff, v63;
	v63 =	vadd.s32 v14, v37;
	v62 =	vld.idx.msk [tilespmem:v49+s16+$0x0], $0xffff  }
0x59: {  	[tilespmem:v17+s19+$0x0] =	vst.idx.msk $0xffff, v1;
	v17 =	vor.u32 v15, v34;
	v59 =	vld.idx.msk [tilespmem:v59+s16+$0x0], $0xffff;
	v55 =	vor.u32 v11, v18  }
0x5a: {  	v53 =	vor.u32 v11, v41;
	v54 =	vor.u32 v11, v24;
	v60 =	vld.idx.msk [tilespmem:v0+s16+$0x0], $0xffff;
	v0 =	vadd.s32 v61, v31  }
0x5b: {  	s28 =	simm.s32 $0x8;
	v49 =	vor.u32 v11, v47;
	v47 =	vld.idx.msk [tilespmem:v20+s16+$0x0], $0xffff;
	v41 =	vadd.s32 v10, v29;
	v61 =	vadd.s32 v5, v35  }
.LBB2_2:
0x5c: {  	v2 =	vld [tilespmem:$0x1FEA0];
	_ =	sdelay $0x2  }
0x5d: {  	[tilespmem:v0+s19+$0x0] =	vst.idx.msk $0xffff, v57;
	v22 =	vld [tilespmem:$0x1FFB0]  }
0x5e: {  	v0 =	vadd.s32 v9, v36;
	v36 =	vld.idx.msk [tilespmem:v51+s16+$0x0], $0xffff;
	[tilespmem:v40+s19+$0x0] =	vst.idx.msk $0xffff, v60;
	v40 =	vadd.s32 v14, v31  }
0x5f: {  	v39 =	vadd.s32 v9, v39;
	v51 =	vld.idx.msk [tilespmem:v54+s16+$0x0], $0xffff;
	[tilespmem:v63+s19+$0x0] =	vst.idx.msk $0xffff, v62  }
0x60: {  	v24 =	vor.u32 v16, v24;
	[tilespmem:v61+s19+$0x0] =	vst.idx.msk $0xffff, v48;
	v17 =	vld.idx.msk [tilespmem:v17+s16+$0x0], $0xffff  }
0x61: {  	v19 =	vor.u32 v16, v18;
	[tilespmem:v52+s19+$0x0] =	vst.idx.msk $0xffff, v47;
	v60 =	vld.idx.msk [tilespmem:v49+s16+$0x0], $0xffff  }
0x62: {  	v18 =	vmov v34;
	v54 =	vadd.s32 v14, v29;
	v34 =	vld.idx.msk [tilespmem:v2+s16+$0x0], $0xffff;
	[tilespmem:v50+s19+$0x0] =	vst.idx.msk $0xffff, v46  }
0x63: {  	v61 =	vor.u32 v15, v38;
	v46 =	vld.idx.msk [tilespmem:v55+s16+$0x0], $0xffff;
	[tilespmem:v40+s19+$0x0] =	vst.idx.msk $0xffff, v36  }
0x64: {  	v1 =	vadd.s32 v3, v35;
	v35 =	vadd.s32 v9, v35;
	v36 =	vld.idx.msk [tilespmem:v56+s16+$0x0], $0xffff;
	[tilespmem:v39+s19+$0x0] =	vst.idx.msk $0xffff, v51  }
0x65: {  	v62 =	vadd.s32 v7, v37;
	v51 =	vld.idx.msk [tilespmem:v24+s16+$0x0], $0xffff  }
0x66: {  	v24 =	vld [tilespmem:$0x1FE70]  }
0x67: {  	[tilespmem:v54+s19+$0x0] =	vst.idx.msk $0xffff, v59  }
0x68: {  	v21 =	vadd.s32 v22, v29;
	v61 =	vld.idx.msk [tilespmem:v61+s16+$0x0], $0xffff;
	[tilespmem:v0+s19+$0x0] =	vst.idx.msk $0xffff, v46  }
0x69: {  	[tilespmem:v35+s19+$0x0] =	vst.idx.msk $0xffff, v60;
	v60 =	vadd.s32 v22, v37;
	v35 =	vadd.s32 v22, v31;
	v19 =	vld.idx.msk [tilespmem:v19+s16+$0x0], $0xffff  }
0x6a: {  	v39 =	vadd.s32 v7, v29;
	[tilespmem:v62+s19+$0x0] =	vst.idx.msk $0xffff, v17;
	v17 =	vadd.s32 v22, v33;
	v22 =	vld [tilespmem:$0x1FE60]  }
0x6b: {  	v27 =	vadd.s32 v9, v27;
	v48 =	vor.u32 v8, v38;
	[tilespmem:v58+s19+$0x0] =	vst.idx.msk $0xffff, v34  }
0x6c: {  	v63 =	vor.u32 v6, v38;
	v49 =	vmov v38;
	v2 =	vor.u32 v8, v23;
	v38 =	vld.idx.msk [tilespmem:v53+s16+$0x0], $0xffff  }
0x6d: {  	[tilespmem:$0x1FEA0] =	vst v2;
	v2 =	vld [tilespmem:$0x1FF00]  }
0x6e: {  	v34 =	vadd.s32 v7, v31;
	v46 =	vld.idx.msk [tilespmem:v24+s16+$0x0], $0xffff  }
0x6f: {  	v56 =	vor.u32 v13, v28;
	[tilespmem:v39+s19+$0x0] =	vst.idx.msk $0xffff, v61;
	v61 =	vld [tilespmem:$0x1FE80]  }
0x70: {  	v20 =	vor.u32 v13, v23;
	v0 =	vor.u32 v13, v49;
	v44 =	vld.idx.msk [tilespmem:v44+s16+$0x0], $0xffff  }
0x71: {  	s0 =	smov.u32 s28;
	v57 =	vor.u32 v6, v18;
	v47 =	vor.u32 v8, v18;
	[tilespmem:v27+s19+$0x0] =	vst.idx.msk $0xffff, v38  }
0x72: {  	s12 =	sadd.s32 $0x2, s0;
	v52 =	vadd.s32 v10, v31;
	v59 =	vor.u32 v6, v28;
	v50 =	vor.u32 v13, v18;
	v62 =	vld.idx.msk [tilespmem:v22+s16+$0x0], $0xffff  }
0x73: {  	v54 =	vadd.s32 v10, v37;
	v55 =	vor.u32 v8, v28;
	v26 =	vadd.s32 s12, v2;
	[tilespmem:v34+s19+$0x0] =	vst.idx.msk $0xffff, v36;
	v24 =	vld [tilespmem:$0x1FEB0]  }
0x74: {  	v40 =	vadd.s32 v10, v33;
	v30 =	vand.u32 $0x3F, v26;
	v56 =	vld.idx.msk [tilespmem:v56+s16+$0x0], $0xffff;
	[tilespmem:v42+s19+$0x0] =	vst.idx.msk $0xffff, v51  }
0x75: {  	s1 =	sadd.s32 $0x1, s0;
	v58 =	vadd.s32 v7, v33;
	v36 =	vor.u32 v16, v30;
	v0 =	vld.idx.msk [tilespmem:v0+s16+$0x0], $0xffff;
	[tilespmem:v43+s19+$0x0] =	vst.idx.msk $0xffff, v44  }
0x76: {  	v49 =	vor.u32 v11, v49;
	v25 =	vadd.s32 s1, v2;
	[tilespmem:$0x1FEB0] =	vst v36;
	v43 =	vshrl.u32 v26, $0x3;
	v39 =	vld.idx.msk [tilespmem:v45+s16+$0x0], $0xffff  }
0x77: {  	v53 =	vor.u32 v6, v23;
	v34 =	vand.u32 $0x3F, v25;
	[tilespmem:v61+s19+$0x0] =	vst.idx.msk $0xffff, v62;
	v62 =	vand.u32 $0x7, v43;
	v43 =	vld.idx.msk [tilespmem:v50+s16+$0x0], $0xffff  }
0x78: {  	v38 =	vadd.s32 s0, v2;
	v27 =	vmov v33;
	v33 =	vor.u32 v4, v34;
	[tilespmem:v1+s19+$0x0] =	vst.idx.msk $0xffff, v46;
	v50 =	vld [tilespmem:$0x1FE90]  }
0x79: {  	v51 =	vor.u32 v4, v30;
	v42 =	vshrl.u32 v38, $0x3;
	v22 =	vmovc v24;
	v24 =	vmov v28;
	v28 =	vld [tilespmem:$0x1FEC0];
	[tilespmem:v35+s19+$0x0] =	vst.idx.msk $0xffff, v56  }
0x7a: {  	s0 =	sadd.s32 $0x3, s0;
	v26 =	vand.u32 $0x7, v26;
	[tilespmem:$0x1FE60] =	vst v22;
	v22 =	vand.u32 $0x7, v38;
	v38 =	vand.u32 $0x3F, v38  }
0x7b: {  	v45 =	vadd.s32 s0, v2;
	[tilespmem:v21+s19+$0x0] =	vst.idx.msk $0xffff, v0;
	v1 =	vor.u32 v4, v38;
	v2 =	vor.u32 v16, v38  }
0x7c: {  	v44 =	vor.u32 v12, v30;
	v26 =	vmul.u32 $0x88, v26;
	v63 =	vld.idx.msk [tilespmem:v63+s16+$0x0], $0xffff;
	v61 =	vmov v32;
	[tilespmem:$0x1FEC0] =	vst v2  }
0x7d: {  	v21 =	vor.u32 v12, v34;
	v22 =	vmul.u32 $0x88, v22;
	v32 =	vand.u32 $0x7, v45;
	v2 =	vld [tilespmem:$0x1FED0];
	[tilespmem:$0x1FE80] =	vst v61  }
0x7e: {  	v46 =	vld.idx.msk [tilespmem:v51+s16+$0x0], $0xffff;
	[tilespmem:v58+s19+$0x0] =	vst.idx.msk $0xffff, v39;
	v39 =	vshrl.u32 v45, $0x3;
	v58 =	vadd.s32 v5, v27;
	v28 =	vmov v28  }
0x7f: {  	v0 =	vld.idx.msk [tilespmem:v20+s16+$0x0], $0xffff;
	v20 =	vand.u32 $0x7, v42;
	[tilespmem:$0x1FE70] =	vst v28;
	v28 =	vand.u32 $0x7, v25;
	v25 =	vshrl.u32 v25, $0x3  }
0x80: {  	v36 =	vmovc v37;
	v20 =	vmul.u32 $0x440, v20;
	v37 =	vmul.u32 $0x88, v28;
	v1 =	vld.idx.msk [tilespmem:v1+s16+$0x0], $0xffff;
	[tilespmem:v50+s19+$0x0] =	vst.idx.msk $0xffff, v19;
	v19 =	vmul.u32 $0x440, v62  }
0x81: {  	v35 =	vmovc v29;
	v28 =	vand.u32 $0x3F, v45;
	v25 =	vand.u32 $0x7, v25;
	v45 =	vand.u32 $0x7, v39;
	[tilespmem:v41+s19+$0x0] =	vst.idx.msk $0xffff, v63;
	v62 =	vld.idx.msk [tilespmem:v33+s16+$0x0], $0xffff  }
0x82: {  	v61 =	vor.u32 v4, v28;
	v56 =	vmovc v2;
	v25 =	vmul.u32 $0x440, v25;
	v33 =	vadd.s32 v26, v19;
	v26 =	vld.idx.msk [tilespmem:v59+s16+$0x0], $0xffff  }
0x83: {  	v39 =	vmovc v31;
	v51 =	vor.u32 v12, v28;
	v31 =	vmul.u32 $0x440, v45;
	v45 =	vor.u32 v15, v30;
	[tilespmem:$0x1FE90] =	vst v56  }
0x84: {  	v2 =	vlaneseq.u32;
	v48 =	vld.idx.msk [tilespmem:v48+s16+$0x0], $0xffff;
	v42 =	vadd.s32 v3, v39;
	v37 =	vadd.s32 v37, v25;
	[tilespmem:v17+s19+$0x0] =	vst.idx.msk $0xffff, v0  }
0x85: {  	v25 =	vadd.s32 v2, v37;
	v29 =	vadd.s32 v3, v37;
	[tilespmem:v60+s19+$0x0] =	vst.idx.msk $0xffff, v43;
	v19 =	vmul.u32 $0x88, v32  }
0x86: {  	v56 =	vor.u32 v15, v28;
	[tilespmem:$0x1FED0] =	vst v29;
	v29 =	vadd.s32 v22, v20;
	v59 =	vld.idx.msk [tilespmem:v57+s16+$0x0], $0xffff  }
0x87: {  	v57 =	vld.idx.msk [tilespmem:v61+s16+$0x0], $0xffff;
	v31 =	vadd.s32 v19, v31;
	v19 =	vadd.s32 v2, v29;
	[tilespmem:v52+s19+$0x0] =	vst.idx.msk $0xffff, v26  }
0x88: {  	p0 =	slt.u32 s28, $0x3C;
	v17 =	vor.u32 v12, v38;
	v63 =	vadd.s32 v14, v37;
	v20 =	vadd.s32 v5, v39;
	v22 =	vld.idx.msk [tilespmem:v55+s16+$0x0], $0xffff  }
.Ltmp0:
0x89: {  	v60 =	vld.idx.msk [tilespmem:v53+s16+$0x0], $0xffff;
	v53 =	vor.u32 v11, v23;
	v61 =	vadd.s32 v5, v35;
	v41 =	vadd.s32 v10, v29;
	(pc) =	sbr.rel @p0 .LBB2_2-.Ltmp0, $4  }
0x8a: {  	v23 =	vmov v30;
	v50 =	vadd.s32 v2, v33;
	v32 =	vadd.s32 v3, v33;
	[tilespmem:v25+s19+$0x0] =	vst.idx.msk $0xffff, v62  }
0x8b: {  	v43 =	vadd.s32 v14, v33;
	v0 =	vadd.s32 v2, v31;
	v62 =	vld.idx.msk [tilespmem:v21+s16+$0x0], $0xffff;
	[tilespmem:v54+s19+$0x0] =	vst.idx.msk $0xffff, v59  }
0x8c: {  	v52 =	vadd.s32 v5, v36;
	v54 =	vor.u32 v11, v24;
	v47 =	vld.idx.msk [tilespmem:v47+s16+$0x0], $0xffff;
	[tilespmem:v19+s19+$0x0] =	vst.idx.msk $0xffff, v1  }
0x8d: {  	s28 =	sadd.s32 $0x4, s28;
	v55 =	vor.u32 v11, v18;
	v59 =	vld.idx.msk [tilespmem:v17+s16+$0x0], $0xffff;
	v17 =	vor.u32 v15, v34;
	[tilespmem:v20+s19+$0x0] =	vst.idx.msk $0xffff, v22  }
0x8e: {  	_ =	sdelay $0x3  }
0x8f: {  	[tilespmem:v0+s19+$0x0] =	vst.idx.msk $0xffff, v57  }
0x90: {  	v1 =	vadd.s32 v14, v31;
	v0 =	vld.idx.msk [tilespmem:v51+s16+$0x0], $0xffff  }
0x91: {  	v19 =	vadd.s32 v14, v29;
	[tilespmem:v50+s19+$0x0] =	vst.idx.msk $0xffff, v46  }
0x92: {  	[tilespmem:v40+s19+$0x0] =	vst.idx.msk $0xffff, v60;
	v21 =	vld.idx.msk [tilespmem:v44+s16+$0x0], $0xffff  }
0x93: {  	[tilespmem:v61+s19+$0x0] =	vst.idx.msk $0xffff, v48  }
0x94: {  	[tilespmem:v63+s19+$0x0] =	vst.idx.msk $0xffff, v62  }
0x95: {  	v20 =	vor.u32 v15, v38;
	[tilespmem:v1+s19+$0x0] =	vst.idx.msk $0xffff, v0  }
0x96: {  	[tilespmem:v19+s19+$0x0] =	vst.idx.msk $0xffff, v59;
	v0 =	vadd.s32 v7, v31;
	v1 =	vld.idx.msk [tilespmem:v56+s16+$0x0], $0xffff  }
0x97: {  	[tilespmem:v43+s19+$0x0] =	vst.idx.msk $0xffff, v21  }
0x98: {  	v2 =	vld [tilespmem:$0x1FEA0];
	_ =	sdelay $0x1  }
0x99: {  	v20 =	vld.idx.msk [tilespmem:v20+s16+$0x0], $0xffff  }
0x9a: {  	v22 =	vadd.s32 v7, v29;
	v26 =	vld.idx.msk [tilespmem:v45+s16+$0x0], $0xffff;
	[tilespmem:v0+s19+$0x0] =	vst.idx.msk $0xffff, v1  }
0x9b: {  	v62 =	vadd.s32 v7, v33;
	v19 =	vor.u32 v13, v28;
	v4 =	vld [tilespmem:$0x1FFB0]  }
0x9c: {  	v25 =	vor.u32 v13, v38  }
0x9d: {  	v30 =	vadd.s32 v7, v37;
	v17 =	vld.idx.msk [tilespmem:v17+s16+$0x0], $0xffff  }
0x9e: {  	v57 =	vld.idx.msk [tilespmem:v54+s16+$0x0], $0xffff;
	v39 =	vadd.s32 v9, v39;
	v63 =	vor.u32 v13, v23  }
0x9f: {  	v12 =	vor.u32 v13, v34;
	[tilespmem:v22+s19+$0x0] =	vst.idx.msk $0xffff, v20;
	v13 =	vld.idx.msk [tilespmem:v2+s16+$0x0], $0xffff  }
0xa0: {  	v1 =	vld.idx.msk [tilespmem:v19+s16+$0x0], $0xffff;
	[tilespmem:v62+s19+$0x0] =	vst.idx.msk $0xffff, v26;
	v0 =	vadd.s32 v4, v31  }
0xa1: {  	[tilespmem:v52+s19+$0x0] =	vst.idx.msk $0xffff, v47;
	v22 =	vld.idx.msk [tilespmem:v25+s16+$0x0], $0xffff;
	v14 =	vadd.s32 v4, v29  }
0xa2: {  	v36 =	vadd.s32 v9, v36;
	v19 =	vor.u32 v6, v28;
	[tilespmem:v30+s19+$0x0] =	vst.idx.msk $0xffff, v17;
	v60 =	vld.idx.msk [tilespmem:v55+s16+$0x0], $0xffff  }
0xa3: {  	v48 =	vor.u32 v6, v38;
	[tilespmem:v39+s19+$0x0] =	vst.idx.msk $0xffff, v57;
	v50 =	vld.idx.msk [tilespmem:v63+s16+$0x0], $0xffff;
	v17 =	vadd.s32 v4, v33  }
0xa4: {  	v51 =	vor.u32 v6, v23;
	v56 =	vld.idx.msk [tilespmem:v12+s16+$0x0], $0xffff;
	v52 =	vadd.s32 v4, v37;
	[tilespmem:v58+s19+$0x0] =	vst.idx.msk $0xffff, v13  }
0xa5: {  	v27 =	vadd.s32 v9, v27;
	v59 =	vor.u32 v6, v34;
	v45 =	vld.idx.msk [tilespmem:v53+s16+$0x0], $0xffff;
	[tilespmem:v0+s19+$0x0] =	vst.idx.msk $0xffff, v1  }
0xa6: {  	v12 =	vadd.s32 v9, v35;
	[tilespmem:v14+s19+$0x0] =	vst.idx.msk $0xffff, v22;
	v14 =	vld.idx.msk [tilespmem:v49+s16+$0x0], $0xffff  }
0xa7: {  	[tilespmem:v36+s19+$0x0] =	vst.idx.msk $0xffff, v60;
	v0 =	vadd.s32 v10, v31;
	v1 =	vld.idx.msk [tilespmem:v19+s16+$0x0], $0xffff  }
0xa8: {  	[tilespmem:v17+s19+$0x0] =	vst.idx.msk $0xffff, v50;
	v20 =	vld.idx.msk [tilespmem:v48+s16+$0x0], $0xffff  }
0xa9: {  	v61 =	vadd.s32 v10, v33;
	v24 =	vor.u32 v16, v24;
	[tilespmem:v52+s19+$0x0] =	vst.idx.msk $0xffff, v56;
	v62 =	vld.idx.msk [tilespmem:v51+s16+$0x0], $0xffff  }
0xaa: {  	v10 =	vadd.s32 v10, v37;
	v19 =	vor.u32 v8, v28;
	v30 =	vld.idx.msk [tilespmem:v59+s16+$0x0], $0xffff;
	[tilespmem:v27+s19+$0x0] =	vst.idx.msk $0xffff, v45  }
0xab: {  	[tilespmem:v12+s19+$0x0] =	vst.idx.msk $0xffff, v14  }
0xac: {  	v17 =	vor.u32 v8, v38;
	[tilespmem:v0+s19+$0x0] =	vst.idx.msk $0xffff, v1  }
0xad: {  	v63 =	vor.u32 v8, v23;
	[tilespmem:v41+s19+$0x0] =	vst.idx.msk $0xffff, v20  }
0xae: {  	v24 =	vld.idx.msk [tilespmem:v24+s16+$0x0], $0xffff;
	v13 =	vor.u32 v8, v34;
	[tilespmem:v61+s19+$0x0] =	vst.idx.msk $0xffff, v62  }
0xaf: {  	[tilespmem:v10+s19+$0x0] =	vst.idx.msk $0xffff, v30;
	v1 =	vld.idx.msk [tilespmem:v19+s16+$0x0], $0xffff  }
0xb0: {  	v0 =	vadd.s32 v5, v31;
	v2 =	vld [tilespmem:$0x1FE70]  }
0xb1: {  	v17 =	vld.idx.msk [tilespmem:v17+s16+$0x0], $0xffff;
	v19 =	vadd.s32 v5, v29  }
0xb2: {  	v48 =	vadd.s32 v5, v33;
	v25 =	vld.idx.msk [tilespmem:v63+s16+$0x0], $0xffff  }
0xb3: {  	v50 =	vadd.s32 v5, v37;
	v30 =	vld.idx.msk [tilespmem:v13+s16+$0x0], $0xffff  }
0xb4: {  	[tilespmem:v42+s19+$0x0] =	vst.idx.msk $0xffff, v24  }
0xb5: {  	v47 =	vor.u32 v11, v28;
	[tilespmem:v0+s19+$0x0] =	vst.idx.msk $0xffff, v1  }
0xb6: {  	v49 =	vor.u32 v11, v38;
	[tilespmem:v19+s19+$0x0] =	vst.idx.msk $0xffff, v17  }
0xb7: {  	[tilespmem:v48+s19+$0x0] =	vst.idx.msk $0xffff, v25  }
0xb8: {  	[tilespmem:v50+s19+$0x0] =	vst.idx.msk $0xffff, v30;
	v54 =	vld.idx.msk [tilespmem:v2+s16+$0x0], $0xffff  }
0xb9: {  	v2 =	vld [tilespmem:$0x1FE60]  }
0xba: {  	v17 =	vadd.s32 v9, v31;
	v1 =	vld.idx.msk [tilespmem:v47+s16+$0x0], $0xffff  }
0xbb: {  	v19 =	vadd.s32 v9, v29;
	v55 =	vld.idx.msk [tilespmem:v49+s16+$0x0], $0xffff  }
0xbc: {  	v53 =	vadd.s32 v3, v35;
	_ =	sdelay $0x2  }
0xbd: {  	v51 =	vor.u32 v11, v23;
	[tilespmem:v17+s19+$0x0] =	vst.idx.msk $0xffff, v1  }
0xbe: {  	v52 =	vor.u32 v11, v34;
	[tilespmem:v19+s19+$0x0] =	vst.idx.msk $0xffff, v55  }
0xbf: {  	[tilespmem:v53+s19+$0x0] =	vst.idx.msk $0xffff, v54;
	v60 =	vld.idx.msk [tilespmem:v2+s16+$0x0], $0xffff  }
0xc0: {  	v2 =	vld [tilespmem:$0x1FEC0];
	_ =	sdelay $0x1  }
0xc1: {  	v56 =	vadd.s32 v9, v33;
	v57 =	vld.idx.msk [tilespmem:v51+s16+$0x0], $0xffff  }
0xc2: {  	v58 =	vadd.s32 v9, v37;
	v59 =	vld.idx.msk [tilespmem:v52+s16+$0x0], $0xffff;
	_ =	sdelay $0x3  }
0xc3: {  	[tilespmem:v56+s19+$0x0] =	vst.idx.msk $0xffff, v57  }
0xc4: {  	[tilespmem:v58+s19+$0x0] =	vst.idx.msk $0xffff, v59;
	v19 =	vld.idx.msk [tilespmem:v2+s16+$0x0], $0xffff  }
0xc5: {  	v2 =	vld [tilespmem:$0x1FEB0];
	_ =	sdelay $0x7  }
0xc6: {  	v62 =	vld.idx.msk [tilespmem:v2+s16+$0x0], $0xffff  }
0xc7: {  	v2 =	vld [tilespmem:$0x1FE80];
	_ =	sdelay $0x2  }
0xc8: {  	v0 =	vor.u32 v16, v18;
	v18 =	vor.u32 v16, v28;
	_ =	sdelay $0x4  }
0xc9: {  	v17 =	vld.idx.msk [tilespmem:v18+s16+$0x0], $0xffff;
	[tilespmem:v2+s19+$0x0] =	vst.idx.msk $0xffff, v60  }
0xca: {  	v1 =	vadd.s32 v3, v31;
	v2 =	vld [tilespmem:$0x1FE90]  }
0xcb: {  	v18 =	vadd.s32 v3, v29;
	_ =	sdelay $0x1  }
0xcc: {  	v0 =	vld.idx.msk [tilespmem:v0+s16+$0x0], $0xffff;
	_ =	sdelay $0x1  }
0xcd: {  	[tilespmem:v1+s19+$0x0] =	vst.idx.msk $0xffff, v17  }
0xce: {  	[tilespmem:v18+s19+$0x0] =	vst.idx.msk $0xffff, v19  }
0xcf: {  	v61 =	vor.u32 v16, v34;
	[tilespmem:v32+s19+$0x0] =	vst.idx.msk $0xffff, v62  }
0xd0: {  	[tilespmem:v2+s19+$0x0] =	vst.idx.msk $0xffff, v0  }
0xd1: {  	v0 =	vld [tilespmem:$0x1FED0];
	_ =	sdelay $0x2  }
0xd2: {  	v63 =	vld.idx.msk [tilespmem:v61+s16+$0x0], $0xffff;
	_ =	sdelay $0x4  }
0xd3: {  	s0 =	simm.s32 $0x100;
	[tilespmem:v0+s19+$0x0] =	vst.idx.msk $0xffff, v63  }
0xd4: {  	[tilespmem:s16], [sflag:$0x1] =	stream.indirect.gather [hbm4b:s5+s15], $0x40, s0, s15, $0xb8;
	[tilespmem:$0xE800] =	vst v63  }
0xd5: {  	s1 =	simm.s32 $0xA400  }
0xd6: {  	[hbm4b:s6+s3] =	stream.linear.scatter [tilespmem:s1], [sflag:$0x3], $0x80, $0x38;
	[tilespmem:$0xE800] =	vst v63  }
0xd7: {  	s12 =	simm.s32 $0xA488;
	s1 =	sadd.s32 $0x10, s6  }
0xd8: {  	[hbm4b:s1+s3] =	stream.linear.scatter [tilespmem:s12], [sflag:$0x3], $0x80, $0x38;
	[tilespmem:$0xE800] =	vst v63  }
0xd9: {  	s13 =	simm.s32 $0xA510;
	s20 =	sadd.s32 $0x20, s6;
	s30 =	simm.s32 $0xA598  }
0xda: {  	[hbm4b:s20+s3] =	stream.linear.scatter [tilespmem:s13], [sflag:$0x3], $0x80, $0x38;
	[tilespmem:$0xE800] =	vst v63  }
0xdb: {  	s31 =	sadd.s32 $0x30, s6;
	s28 =	simm.s32 $0x440;
	s29 =	sadd.s32 $0x4000, s6  }
0xdc: {  	[hbm4b:s31+s3] =	stream.linear.scatter [tilespmem:s30], [sflag:$0x3], $0x80, $0x38;
	[tilespmem:$0xE800] =	vst v63  }
0xdd: {  	s0 =	simm.s32 $0x2200;
	s1 =	simm.s32 $0xA620;
	s12 =	sadd.s32 $0x40, s6  }
0xde: {  	[hbm4b:s12+s3] =	stream.linear.scatter [tilespmem:s1], [sflag:$0x3], $0x80, $0x38;
	[tilespmem:$0xE800] =	vst v63  }
0xdf: {  	s13 =	simm.s32 $0xA6A8;
	s20 =	sadd.s32 $0x50, s6;
	s30 =	simm.s32 $0xA730  }
0xe0: {  	[hbm4b:s20+s3] =	stream.linear.scatter [tilespmem:s13], [sflag:$0x3], $0x80, $0x38;
	[tilespmem:$0xE800] =	vst v63  }
0xe1: {  	s31 =	sadd.s32 $0x60, s6;
	s1 =	simm.s32 $0xA7B8;
	s12 =	sadd.s32 $0x70, s6  }
0xe2: {  	v46 =	vmov v15;
	v7 =	vmov v9;
	v2 =	vmov v4;
	[hbm4b:s31+s3] =	stream.linear.scatter [tilespmem:s30], [sflag:$0x3], $0x80, $0x38;
	[tilespmem:$0xE800] =	vst v63  }
.LBB2_4:
0xe3: {  	[hbm4b:s12+s3] =	stream.linear.scatter [tilespmem:s1], [sflag:$0x3], $0x80, $0x38;
	[tilespmem:$0xE800] =	vst v63  }
0xe4: {  	s1 =	smov.u32 s28;
	s12 =	smov.u32 s0  }
0xe5: {  	s13 =	sadd.s32 $0x1100, s0;
	s28 =	sshra.s32 s12, $0x2;
	s12 =	sadd.s32 $0xA400, s1  }
0xe6: {  	[hbm4b:s29+s3] =	stream.linear.scatter [tilespmem:s12], [sflag:$0x3], $0x80, $0x38;
	[tilespmem:$0xE800] =	vst v63  }
0xe7: {  	p0 =	sne.s32 s0, $0x7700;
	s0 =	sadd.s32 $0xA488, s1;
	s12 =	sadd.s32 $0x10, s29  }
0xe8: {  	[hbm4b:s12+s3] =	stream.linear.scatter [tilespmem:s0], [sflag:$0x3], $0x80, $0x38;
	[tilespmem:$0xE800] =	vst v63  }
0xe9: {  	s0 =	sadd.s32 $0xA510, s1;
	s12 =	sadd.s32 $0x20, s29  }
0xea: {  	[hbm4b:s12+s3] =	stream.linear.scatter [tilespmem:s0], [sflag:$0x3], $0x80, $0x38;
	[tilespmem:$0xE800] =	vst v63  }
0xeb: {  	s0 =	sadd.s32 $0xA598, s1;
	s12 =	sadd.s32 $0x30, s29  }
0xec: {  	[hbm4b:s12+s3] =	stream.linear.scatter [tilespmem:s0], [sflag:$0x3], $0x80, $0x38;
	[tilespmem:$0xE800] =	vst v63  }
0xed: {  	s0 =	sadd.s32 $0xA620, s1;
	s12 =	sadd.s32 $0x40, s29  }
0xee: {  	[hbm4b:s12+s3] =	stream.linear.scatter [tilespmem:s0], [sflag:$0x3], $0x80, $0x38;
	[tilespmem:$0xE800] =	vst v63  }
.Ltmp1:
0xef: {  	s0 =	sadd.s32 $0xA6A8, s1;
	s12 =	sadd.s32 $0x50, s29;
	(pc) =	sbr.rel @p0 .LBB2_4-.Ltmp1, $4  }
0xf0: {  	[hbm4b:s12+s3] =	stream.linear.scatter [tilespmem:s0], [sflag:$0x3], $0x80, $0x38;
	[tilespmem:$0xE800] =	vst v63  }
0xf1: {  	s0 =	sadd.s32 $0xA730, s1;
	s12 =	sadd.s32 $0x60, s29;
	s1 =	sadd.s32 $0xA7B8, s1  }
0xf2: {  	[hbm4b:s12+s3] =	stream.linear.scatter [tilespmem:s0], [sflag:$0x3], $0x80, $0x38;
	[tilespmem:$0xE800] =	vst v63  }
0xf3: {  	s12 =	sadd.s32 $0x70, s29;
	s29 =	sadd.s32 $0x4000, s29;
	s0 =	smov.u32 s13  }
0xf4: {  	[hbm4b:s12+s3] =	stream.linear.scatter [tilespmem:s1], [sflag:$0x3], $0x80, $0x38;
	[tilespmem:$0xE800] =	vst v63  }
0xf5: {  	s0 =	sadd.s32 $0xA400, s28  }
0xf6: {  	[hbm4b:s29+s3] =	stream.linear.scatter [tilespmem:s0], [sflag:$0x3], $0x80, $0x38;
	[tilespmem:$0xE800] =	vst v63  }
0xf7: {  	s1 =	sadd.s32 $0xA488, s28;
	s12 =	sadd.s32 $0x10, s29;
	v9 =	vld [tilespmem:$0x1FF00]  }
0xf8: {  	[hbm4b:s12+s3] =	stream.linear.scatter [tilespmem:s1], [sflag:$0x3], $0x80, $0x38;
	[tilespmem:$0xE800] =	vst v63  }
0xf9: {  	s13 =	sadd.s32 $0xA510, s28;
	s20 =	sadd.s32 $0x20, s29;
	v4 =	vld [tilespmem:$0x1FF60]  }
0xfa: {  	[hbm4b:s20+s3] =	stream.linear.scatter [tilespmem:s13], [sflag:$0x3], $0x80, $0x38;
	[tilespmem:$0xE800] =	vst v63  }
0xfb: {  	s30 =	sadd.s32 $0xA598, s28;
	s31 =	sadd.s32 $0x30, s29;
	s12 =	simm.s32 $0x0  }
0xfc: {  	v8 =	vlaneseq.u32;
	v0 =	vadd.s32 s12, v9;
	[hbm4b:s31+s3] =	stream.linear.scatter [tilespmem:s30], [sflag:$0x3], $0x80, $0x38;
	[tilespmem:$0xE800] =	vst v63  }
0xfd: {  	s13 =	simm.s32 $0x1;
	s20 =	sadd.s32 $0xA620, s28;
	v17 =	vand.u32 $0x7, v0;
	v20 =	vshrl.u32 v0, $0x3;
	v47 =	vand.u32 $0x3F, v0;
	s30 =	sadd.s32 $0x40, s29  }
0xfe: {  	v1 =	vadd.s32 s13, v9;
	v17 =	vmul.u32 $0x88, v17;
	v26 =	vor.u32 v4, v47;
	[hbm4b:s30+s3] =	stream.linear.scatter [tilespmem:s20], [sflag:$0x3], $0x80, $0x38;
	[tilespmem:$0xE800] =	vst v63  }
0xff: {  	s12 =	sadd.s32 $0xA6A8, s28;
	s13 =	sadd.s32 $0x50, s29;
	v20 =	vand.u32 $0x7, v20;
	s31 =	simm.s32 $0x2;
	v18 =	vand.u32 $0x3F, v1;
	v23 =	vand.u32 $0x7, v1  }
0x100: {  	v1 =	vshrl.u32 v1, $0x3;
	v20 =	vmul.u32 $0x440, v20;
	v19 =	vadd.s32 s31, v9;
	[hbm4b:s13+s3] =	stream.linear.scatter [tilespmem:s12], [sflag:$0x3], $0x80, $0x38;
	[tilespmem:$0xE800] =	vst v63  }
0x101: {  	v21 =	vor.u32 v4, v18;
	s31 =	simm.s32 $0x3;
	v23 =	vmul.u32 $0x88, v23;
	v41 =	vand.u32 $0x3F, v19;
	s20 =	sadd.s32 $0xA730, s28;
	s30 =	sadd.s32 $0x60, s29  }
0x102: {  	v1 =	vand.u32 $0x7, v1;
	v25 =	vshrl.u32 v19, $0x3;
	v5 =	vor.u32 v16, v41;
	[hbm4b:s30+s3] =	stream.linear.scatter [tilespmem:s20], [sflag:$0x3], $0x80, $0x38;
	[tilespmem:$0xE800] =	vst v63  }
0x103: {  	v0 =	vand.u32 $0x7, v19;
	v19 =	vadd.s32 s31, v9;
	v1 =	vmul.u32 $0x440, v1;
	[tilespmem:$0x1FDD0] =	vst v5;
	s12 =	sadd.s32 $0xA7B8, s28;
	s13 =	sadd.s32 $0x70, s29  }
0x104: {  	v24 =	vand.u32 $0x3F, v19;
	v25 =	vand.u32 $0x7, v25;
	v0 =	vmul.u32 $0x88, v0;
	[hbm4b:s13+s3] =	stream.linear.scatter [tilespmem:s12], [sflag:$0x3], $0x80, $0x38;
	[tilespmem:$0xE800] =	vst v63  }
0x105: {  	v27 =	vshrl.u32 v19, $0x3;
	v19 =	vand.u32 $0x7, v19;
	v28 =	vor.u32 v4, v24;
	_ =	swait.ge [sflag:s21], $0x2000  }
0x106: {  	v27 =	vand.u32 $0x7, v27;
	v19 =	vmul.u32 $0x88, v19;
	v36 =	vadd.s32 v23, v1;
	[sflag:s21] =	ssyncset.done $0x0  }
0x107: {  	v23 =	vmul.u32 $0x440, v25;
	v5 =	vor.u32 v16, v47;
	v1 =	vmul.u32 $0x440, v27;
	[sflag:s21] =	ssyncadd.s32 $0xFFFFE000  }
0x108: {  	v35 =	vadd.s32 v17, v20;
	v29 =	vadd.s32 v8, v36;
	v25 =	vld.idx.msk [tilespmem:v21+s17+$0x0], $0xffff;
	[tilespmem:$0x1FDE0] =	vst v5  }
0x109: {  	v27 =	vadd.s32 v0, v23;
	v39 =	vadd.s32 v19, v1;
	v1 =	vadd.s32 v8, v35;
	v17 =	vld.idx.msk [tilespmem:v26+s17+$0x0], $0xffff  }
0x10a: {  	v23 =	vadd.s32 v8, v39;
	v5 =	vadd.s32 v3, v27;
	v0 =	vld.idx.msk [tilespmem:v28+s17+$0x0], $0xffff  }
0x10b: {  	[tilespmem:$0x1FDF0] =	vst v5;
	v5 =	vadd.s32 v3, v36  }
0x10c: {  	v12 =	vld [tilespmem:$0x1FF70];
	[tilespmem:$0x1FE00] =	vst v5  }
0x10d: {  	v22 =	vor.u32 v4, v41;
	v14 =	vld [tilespmem:$0x1FF80];
	[tilespmem:v29+s22+$0x0] =	vst.idx.msk $0xffff, v25  }
0x10e: {  	[tilespmem:v1+s22+$0x0] =	vst.idx.msk $0xffff, v17  }
0x10f: {  	v10 =	vld [tilespmem:$0x1FFC0];
	[tilespmem:v23+s22+$0x0] =	vst.idx.msk $0xffff, v0  }
0x110: {  	v5 =	vld [tilespmem:$0x1FF30]  }
0x111: {  	v26 =	vor.u32 v12, v24  }
0x112: {  	v28 =	vadd.s32 v8, v27;
	v22 =	vld.idx.msk [tilespmem:v22+s17+$0x0], $0xffff;
	_ =	sdelay $0x2  }
0x113: {  	v6 =	vor.u32 v5, v41  }
0x114: {  	v0 =	vld.idx.msk [tilespmem:v26+s17+$0x0], $0xffff;
	[tilespmem:$0x1FE10] =	vst v6  }
0x115: {  	v25 =	vor.u32 v12, v47;
	v11 =	vld [tilespmem:$0x1FF10];
	[tilespmem:v28+s22+$0x0] =	vst.idx.msk $0xffff, v22  }
0x116: {  	v23 =	vadd.s32 v14, v39;
	v6 =	vld [tilespmem:$0x1FF20];
	_ =	sdelay $0x1  }
0x117: {  	v31 =	vor.u32 v12, v18  }
0x118: {  	v38 =	vor.u32 v46, v47;
	v45 =	vor.u32 v46, v41;
	v33 =	vor.u32 v46, v24  }
0x119: {  	v55 =	vadd.s32 v2, v35;
	v56 =	vadd.s32 v2, v36;
	v30 =	vor.u32 v12, v41;
	v22 =	vld.idx.msk [tilespmem:v25+s17+$0x0], $0xffff  }
0x11a: {  	s29 =	simm.s32 $0x5;
	s20 =	simm.s32 $0x4;
	v34 =	vadd.s32 v14, v35;
	v13 =	vld [tilespmem:$0x1FFA0];
	[tilespmem:v23+s22+$0x0] =	vst.idx.msk $0xffff, v0;
	v0 =	vor.u32 v6, v41  }
0x11b: {  	v62 =	vadd.s32 s29, v9;
	s30 =	simm.s32 $0x6;
	v51 =	vadd.s32 s20, v9;
	v58 =	vadd.s32 v2, v27;
	[tilespmem:$0x1FE50] =	vst v0  }
0x11c: {  	v63 =	vadd.s32 s30, v9;
	v57 =	vadd.s32 v2, v39;
	v1 =	vadd.s32 v14, v36;
	v23 =	vld.idx.msk [tilespmem:v31+s17+$0x0], $0xffff  }
0x11d: {  	v37 =	vadd.s32 v14, v27;
	v29 =	vor.u32 v46, v18;
	v25 =	vadd.s32 v11, v39;
	v33 =	vld.idx.msk [tilespmem:v33+s17+$0x0], $0xffff  }
0x11e: {  	v19 =	vmovc v46;
	v17 =	vshrl.u32 v51, $0x3;
	v26 =	vadd.s32 v10, v39;
	v20 =	vor.u32 v5, v47  }
0x11f: {  	v15 =	vor.u32 v5, v18;
	v28 =	vor.u32 v13, v24;
	v30 =	vld.idx.msk [tilespmem:v30+s17+$0x0], $0xffff;
	[tilespmem:v34+s22+$0x0] =	vst.idx.msk $0xffff, v22  }
0x120: {  	v32 =	vadd.s32 v11, v36;
	v50 =	vadd.s32 v11, v27;
	v31 =	vadd.s32 v11, v35;
	v60 =	vld.idx.msk [tilespmem:v38+s17+$0x0], $0xffff  }
0x121: {  	v59 =	vor.u32 v5, v24;
	v46 =	vor.u32 v13, v47;
	[tilespmem:v1+s22+$0x0] =	vst.idx.msk $0xffff, v23;
	v23 =	vand.u32 $0x3F, v63  }
0x122: {  	v48 =	vor.u32 v6, v47;
	[tilespmem:v25+s22+$0x0] =	vst.idx.msk $0xffff, v33;
	v29 =	vld.idx.msk [tilespmem:v29+s17+$0x0], $0xffff;
	v5 =	vor.u32 v16, v23  }
0x123: {  	v53 =	vor.u32 v6, v18;
	v44 =	vor.u32 v13, v18;
	v54 =	vor.u32 v6, v24;
	[tilespmem:$0x1FE20] =	vst v5  }
0x124: {  	v22 =	vand.u32 $0x7, v51;
	v38 =	vand.u32 $0x3F, v51;
	v1 =	vor.u32 v4, v23;
	v51 =	vld.idx.msk [tilespmem:v28+s17+$0x0], $0xffff;
	[tilespmem:v37+s22+$0x0] =	vst.idx.msk $0xffff, v30  }
0x125: {  	v49 =	vshrl.u32 v62, $0x3;
	v25 =	vshrl.u32 v63, $0x3;
	v5 =	vor.u32 v16, v38;
	[tilespmem:v31+s22+$0x0] =	vst.idx.msk $0xffff, v60;
	v31 =	vld.idx.msk [tilespmem:v45+s17+$0x0], $0xffff  }
0x126: {  	v52 =	vor.u32 v13, v41;
	v30 =	vand.u32 $0x7, v63;
	v60 =	vand.u32 $0x7, v25;
	v45 =	vld.idx.msk [tilespmem:v46+s17+$0x0], $0xffff;
	[tilespmem:$0x1FE30] =	vst v5  }
0x127: {  	s31 =	simm.s32 $0x7;
	v34 =	vand.u32 $0x3F, v62;
	v30 =	vmul.u32 $0x88, v30;
	v33 =	vmul.u32 $0x440, v60;
	[tilespmem:v32+s22+$0x0] =	vst.idx.msk $0xffff, v29  }
0x128: {  	v0 =	vand.u32 $0x7, v62;
	v42 =	vor.u32 v4, v34;
	v37 =	vadd.s32 s31, v9;
	v62 =	vld.idx.msk [tilespmem:v44+s17+$0x0], $0xffff  }
0x129: {  	v29 =	vand.u32 $0x7, v37;
	v33 =	vadd.s32 v30, v33;
	v30 =	vand.u32 $0x7, v49;
	v46 =	vld.idx.msk [tilespmem:v1+s17+$0x0], $0xffff;
	[tilespmem:v57+s22+$0x0] =	vst.idx.msk $0xffff, v51  }
0x12a: {  	v0 =	vmul.u32 $0x88, v0;
	v1 =	vmul.u32 $0x88, v29;
	v29 =	vmul.u32 $0x440, v30;
	[tilespmem:v50+s22+$0x0] =	vst.idx.msk $0xffff, v31;
	v54 =	vld.idx.msk [tilespmem:v54+s17+$0x0], $0xffff  }
0x12b: {  	v21 =	vadd.s32 v10, v35;
	v63 =	vor.u32 v4, v38;
	[tilespmem:v55+s22+$0x0] =	vst.idx.msk $0xffff, v45;
	v45 =	vld.idx.msk [tilespmem:v52+s17+$0x0], $0xffff  }
0x12c: {  	v28 =	vand.u32 $0x3F, v37;
	v30 =	vshrl.u32 v37, $0x3;
	v37 =	vadd.s32 v0, v29;
	v48 =	vld.idx.msk [tilespmem:v48+s17+$0x0], $0xffff  }
0x12d: {  	v17 =	vand.u32 $0x7, v17;
	v42 =	vld.idx.msk [tilespmem:v42+s17+$0x0], $0xffff;
	v5 =	vadd.s32 v3, v37;
	[tilespmem:v56+s22+$0x0] =	vst.idx.msk $0xffff, v62  }
0x12e: {  	v17 =	vmul.u32 $0x440, v17;
	v61 =	vadd.s32 v10, v36;
	v30 =	vand.u32 $0x7, v30;
	[tilespmem:$0x1FE40] =	vst v5;
	v5 =	vld [tilespmem:$0x1FF40]  }
0x12f: {  	v40 =	vadd.s32 v10, v27;
	v43 =	vmul.u32 $0x88, v22;
	v0 =	vmul.u32 $0x440, v30;
	v53 =	vld.idx.msk [tilespmem:v53+s17+$0x0], $0xffff;
	[tilespmem:v26+s22+$0x0] =	vst.idx.msk $0xffff, v54  }
0x130: {  	v60 =	vor.u32 v4, v28;
	v62 =	vadd.s32 v8, v37;
	v63 =	vld.idx.msk [tilespmem:v63+s17+$0x0], $0xffff;
	[tilespmem:v58+s22+$0x0] =	vst.idx.msk $0xffff, v45  }
0x131: {  	v29 =	vadd.s32 v43, v17;
	v31 =	vadd.s32 v1, v0;
	v1 =	vld.idx.msk [tilespmem:v59+s17+$0x0], $0xffff;
	[tilespmem:v21+s22+$0x0] =	vst.idx.msk $0xffff, v48  }
0x132: {  	v49 =	vor.u32 v12, v34;
	v44 =	vor.u32 v12, v23;
	v54 =	vadd.s32 v8, v29;
	v0 =	vld [tilespmem:$0x1FE50]  }
0x133: {  	v32 =	vadd.s32 v3, v33;
	v51 =	vor.u32 v12, v28;
	v59 =	vor.u32 v12, v38;
	v11 =	vld [tilespmem:$0x1FF50]  }
0x134: {  	v50 =	vadd.s32 v8, v33;
	v43 =	vadd.s32 v14, v33;
	v56 =	vor.u32 v19, v28  }
0x135: {  	v57 =	vld.idx.msk [tilespmem:v60+s17+$0x0], $0xffff;
	v45 =	vor.u32 v19, v23;
	[tilespmem:v62+s22+$0x0] =	vst.idx.msk $0xffff, v42;
	v17 =	vadd.s32 v5, v39  }
0x136: {  	v48 =	vld.idx.msk [tilespmem:v20+s17+$0x0], $0xffff;
	v42 =	vadd.s32 v3, v39;
	v52 =	vadd.s32 v5, v36;
	[tilespmem:v61+s22+$0x0] =	vst.idx.msk $0xffff, v53  }
0x137: {  	v58 =	vadd.s32 v5, v27;
	v62 =	vld.idx.msk [tilespmem:v49+s17+$0x0], $0xffff;
	v61 =	vadd.s32 v5, v35;
	[tilespmem:v54+s22+$0x0] =	vst.idx.msk $0xffff, v63  }
0x138: {  	v63 =	vadd.s32 v14, v37;
	v59 =	vld.idx.msk [tilespmem:v59+s17+$0x0], $0xffff;
	v55 =	vor.u32 v11, v18;
	v53 =	vor.u32 v11, v41  }
0x139: {  	v54 =	vor.u32 v11, v24;
	v49 =	vor.u32 v11, v47;
	v47 =	vld.idx.msk [tilespmem:v15+s17+$0x0], $0xffff;
	v41 =	vadd.s32 v10, v29  }
0x13a: {  	s28 =	simm.s32 $0x8;
	[tilespmem:v17+s22+$0x0] =	vst.idx.msk $0xffff, v1;
	v17 =	vor.u32 v19, v34;
	v60 =	vld.idx.msk [tilespmem:v0+s17+$0x0], $0xffff;
	v0 =	vadd.s32 v8, v31  }
.LBB2_6:
0x13b: {  	v8 =	vld [tilespmem:$0x1FE10];
	_ =	sdelay $0x2  }
0x13c: {  	v21 =	vld [tilespmem:$0x1FF30];
	_ =	sdelay $0x3  }
0x13d: {  	[tilespmem:v40+s22+$0x0] =	vst.idx.msk $0xffff, v60  }
0x13e: {  	v19 =	vor.u32 v16, v18;
	v18 =	vmov v34;
	v34 =	vld.idx.msk [tilespmem:v8+s17+$0x0], $0xffff;
	v8 =	vor.u32 v21, v23  }
0x13f: {  	[tilespmem:$0x1FE10] =	vst v8;
	v8 =	vld [tilespmem:$0x1FF90]  }
0x140: {  	[tilespmem:v0+s22+$0x0] =	vst.idx.msk $0xffff, v57;
	v22 =	vld [tilespmem:$0x1FDE0]  }
0x141: {  	v0 =	vadd.s32 v7, v36;
	v36 =	vld.idx.msk [tilespmem:v51+s17+$0x0], $0xffff  }
0x142: {  	v51 =	vld.idx.msk [tilespmem:v54+s17+$0x0], $0xffff;
	[tilespmem:v63+s22+$0x0] =	vst.idx.msk $0xffff, v62;
	v40 =	vadd.s32 v14, v31  }
0x143: {  	v1 =	vadd.s32 v3, v35;
	v54 =	vadd.s32 v14, v29;
	[tilespmem:v61+s22+$0x0] =	vst.idx.msk $0xffff, v48;
	v17 =	vld.idx.msk [tilespmem:v17+s17+$0x0], $0xffff  }
0x144: {  	v35 =	vadd.s32 v7, v35;
	[tilespmem:v52+s22+$0x0] =	vst.idx.msk $0xffff, v47;
	v60 =	vld.idx.msk [tilespmem:v49+s17+$0x0], $0xffff;
	v61 =	vor.u32 v8, v38  }
0x145: {  	[tilespmem:v50+s22+$0x0] =	vst.idx.msk $0xffff, v46;
	v46 =	vld.idx.msk [tilespmem:v55+s17+$0x0], $0xffff  }
0x146: {  	v39 =	vadd.s32 v7, v39;
	v15 =	vld [tilespmem:$0x1FF10]  }
0x147: {  	[tilespmem:v40+s22+$0x0] =	vst.idx.msk $0xffff, v36  }
0x148: {  	[tilespmem:v54+s22+$0x0] =	vst.idx.msk $0xffff, v59;
	v36 =	vld.idx.msk [tilespmem:v56+s17+$0x0], $0xffff  }
0x149: {  	v24 =	vor.u32 v16, v24;
	v61 =	vld.idx.msk [tilespmem:v61+s17+$0x0], $0xffff;
	[tilespmem:v35+s22+$0x0] =	vst.idx.msk $0xffff, v60  }
0x14a: {  	[tilespmem:v0+s22+$0x0] =	vst.idx.msk $0xffff, v46;
	v46 =	vld.idx.msk [tilespmem:v22+s17+$0x0], $0xffff  }
0x14b: {  	[tilespmem:v39+s22+$0x0] =	vst.idx.msk $0xffff, v51;
	v39 =	vadd.s32 v15, v29;
	v22 =	vld [tilespmem:$0x1FDD0]  }
0x14c: {  	v27 =	vadd.s32 v7, v27;
	[tilespmem:v58+s22+$0x0] =	vst.idx.msk $0xffff, v34  }
0x14d: {  	v63 =	vor.u32 v6, v38;
	v49 =	vmov v38;
	v48 =	vor.u32 v21, v38;
	v38 =	vld.idx.msk [tilespmem:v53+s17+$0x0], $0xffff  }
0x14e: {  	v62 =	vadd.s32 v15, v37;
	v51 =	vld.idx.msk [tilespmem:v24+s17+$0x0], $0xffff  }
0x14f: {  	v58 =	vadd.s32 v15, v33;
	v34 =	vadd.s32 v15, v31;
	v15 =	vld [tilespmem:$0x1FE30]  }
0x150: {  	v20 =	vor.u32 v13, v23;
	v56 =	vor.u32 v13, v28;
	[tilespmem:v39+s22+$0x0] =	vst.idx.msk $0xffff, v61;
	v61 =	vld [tilespmem:$0x1FDF0]  }
0x151: {  	v57 =	vor.u32 v6, v18;
	v52 =	vadd.s32 v10, v31;
	v0 =	vor.u32 v13, v49;
	v44 =	vld.idx.msk [tilespmem:v44+s17+$0x0], $0xffff  }
0x152: {  	v47 =	vor.u32 v21, v18;
	v59 =	vor.u32 v6, v28;
	v19 =	vld.idx.msk [tilespmem:v19+s17+$0x0], $0xffff;
	[tilespmem:v27+s22+$0x0] =	vst.idx.msk $0xffff, v38  }
0x153: {  	s0 =	smov.u32 s28;
	v54 =	vadd.s32 v10, v37;
	v50 =	vor.u32 v13, v18;
	[tilespmem:v62+s22+$0x0] =	vst.idx.msk $0xffff, v17;
	v62 =	vld.idx.msk [tilespmem:v22+s17+$0x0], $0xffff  }
0x154: {  	s12 =	sadd.s32 $0x2, s0;
	v55 =	vor.u32 v21, v28;
	v21 =	vadd.s32 v2, v29;
	v24 =	vld [tilespmem:$0x1FE20];
	[tilespmem:v34+s22+$0x0] =	vst.idx.msk $0xffff, v36;
	v15 =	vmov v15  }
0x155: {  	v26 =	vadd.s32 s12, v9;
	v40 =	vadd.s32 v10, v33;
	v35 =	vadd.s32 v2, v31;
	[tilespmem:$0x1FDE0] =	vst v15;
	v56 =	vld.idx.msk [tilespmem:v56+s17+$0x0], $0xffff  }
0x156: {  	v49 =	vor.u32 v11, v49;
	v53 =	vor.u32 v6, v23;
	v0 =	vld.idx.msk [tilespmem:v0+s17+$0x0], $0xffff;
	[tilespmem:v43+s22+$0x0] =	vst.idx.msk $0xffff, v44  }
0x157: {  	s1 =	sadd.s32 $0x1, s0;
	v30 =	vand.u32 $0x3F, v26;
	v17 =	vadd.s32 v2, v33;
	[tilespmem:v42+s22+$0x0] =	vst.idx.msk $0xffff, v51;
	v43 =	vshrl.u32 v26, $0x3;
	v39 =	vld.idx.msk [tilespmem:v45+s17+$0x0], $0xffff  }
0x158: {  	v25 =	vadd.s32 s1, v9;
	v15 =	vor.u32 v16, v30;
	[tilespmem:v61+s22+$0x0] =	vst.idx.msk $0xffff, v62;
	v62 =	vand.u32 $0x7, v43;
	v43 =	vld.idx.msk [tilespmem:v50+s17+$0x0], $0xffff  }
0x159: {  	v34 =	vand.u32 $0x3F, v25;
	v60 =	vadd.s32 v2, v37;
	v38 =	vadd.s32 s0, v9;
	v27 =	vmovc v33;
	[tilespmem:$0x1FE20] =	vst v15;
	v50 =	vld [tilespmem:$0x1FE00]  }
0x15a: {  	v33 =	vor.u32 v4, v34;
	v51 =	vor.u32 v4, v30;
	v42 =	vshrl.u32 v38, $0x3;
	[tilespmem:v35+s22+$0x0] =	vst.idx.msk $0xffff, v56  }
0x15b: {  	[tilespmem:v1+s22+$0x0] =	vst.idx.msk $0xffff, v46;
	v22 =	vmovc v24;
	v24 =	vmovc v28;
	v28 =	vand.u32 $0x7, v25;
	v26 =	vand.u32 $0x7, v26;
	v25 =	vshrl.u32 v25, $0x3  }
0x15c: {  	s0 =	sadd.s32 $0x3, s0;
	v44 =	vor.u32 v12, v30;
	[tilespmem:$0x1FDD0] =	vst v22;
	v22 =	vand.u32 $0x7, v38;
	v38 =	vand.u32 $0x3F, v38  }
0x15d: {  	v45 =	vadd.s32 s0, v9;
	v25 =	vand.u32 $0x7, v25;
	v15 =	vor.u32 v16, v38;
	[tilespmem:v21+s22+$0x0] =	vst.idx.msk $0xffff, v0  }
0x15e: {  	v36 =	vmovc v37;
	v37 =	vmul.u32 $0x88, v28;
	v26 =	vmul.u32 $0x88, v26;
	v25 =	vmul.u32 $0x440, v25;
	[tilespmem:$0x1FE30] =	vst v15;
	v15 =	vld [tilespmem:$0x1FE40]  }
0x15f: {  	v35 =	vmovc v29;
	v22 =	vmul.u32 $0x88, v22;
	v1 =	vor.u32 v4, v38;
	v28 =	vand.u32 $0x3F, v45;
	v63 =	vld.idx.msk [tilespmem:v63+s17+$0x0], $0xffff  }
0x160: {  	v21 =	vor.u32 v12, v34;
	v37 =	vadd.s32 v37, v25;
	v46 =	vld.idx.msk [tilespmem:v51+s17+$0x0], $0xffff;
	[tilespmem:v58+s22+$0x0] =	vst.idx.msk $0xffff, v39  }
0x161: {  	v61 =	vmov v32;
	v29 =	vadd.s32 v3, v37;
	v0 =	vld.idx.msk [tilespmem:v20+s17+$0x0], $0xffff;
	[tilespmem:v50+s22+$0x0] =	vst.idx.msk $0xffff, v19;
	v19 =	vmul.u32 $0x440, v62  }
0x162: {  	[tilespmem:$0x1FDF0] =	vst v61;
	v61 =	vor.u32 v4, v28;
	v51 =	vor.u32 v12, v28;
	v39 =	vshrl.u32 v45, $0x3;
	v62 =	vld.idx.msk [tilespmem:v33+s17+$0x0], $0xffff  }
0x163: {  	v32 =	vand.u32 $0x7, v45;
	[tilespmem:$0x1FE40] =	vst v29;
	v58 =	vadd.s32 v5, v27;
	v33 =	vadd.s32 v26, v19;
	v26 =	vld.idx.msk [tilespmem:v59+s17+$0x0], $0xffff  }
0x164: {  	v20 =	vand.u32 $0x7, v42;
	v45 =	vand.u32 $0x7, v39;
	v1 =	vld.idx.msk [tilespmem:v1+s17+$0x0], $0xffff;
	v56 =	vmovc v15;
	v15 =	vlaneseq.u32;
	[tilespmem:v41+s22+$0x0] =	vst.idx.msk $0xffff, v63  }
0x165: {  	v20 =	vmul.u32 $0x440, v20;
	v63 =	vadd.s32 v14, v37;
	[tilespmem:$0x1FE00] =	vst v56;
	v39 =	vmovc v31;
	v25 =	vadd.s32 v15, v37  }
0x166: {  	v31 =	vmul.u32 $0x440, v45;
	v56 =	vor.u32 v8, v28;
	v48 =	vld.idx.msk [tilespmem:v48+s17+$0x0], $0xffff;
	[tilespmem:v60+s22+$0x0] =	vst.idx.msk $0xffff, v43;
	v19 =	vmul.u32 $0x88, v32  }
0x167: {  	v45 =	vor.u32 v8, v30;
	v29 =	vadd.s32 v22, v20;
	v20 =	vadd.s32 v5, v39;
	v59 =	vld.idx.msk [tilespmem:v57+s17+$0x0], $0xffff  }
0x168: {  	v57 =	vld.idx.msk [tilespmem:v61+s17+$0x0], $0xffff;
	v31 =	vadd.s32 v19, v31;
	v19 =	vadd.s32 v15, v29;
	[tilespmem:v52+s22+$0x0] =	vst.idx.msk $0xffff, v26  }
0x169: {  	p0 =	slt.u32 s28, $0x3C;
	v42 =	vadd.s32 v3, v39;
	[tilespmem:v17+s22+$0x0] =	vst.idx.msk $0xffff, v0;
	v17 =	vor.u32 v12, v38;
	v22 =	vld.idx.msk [tilespmem:v55+s17+$0x0], $0xffff  }
.Ltmp2:
0x16a: {  	v41 =	vadd.s32 v10, v29;
	v60 =	vld.idx.msk [tilespmem:v53+s17+$0x0], $0xffff;
	v53 =	vor.u32 v11, v23;
	v61 =	vadd.s32 v5, v35;
	(pc) =	sbr.rel @p0 .LBB2_6-.Ltmp2, $4  }
0x16b: {  	v23 =	vmov v30;
	v50 =	vadd.s32 v15, v33;
	v32 =	vadd.s32 v3, v33;
	[tilespmem:v25+s22+$0x0] =	vst.idx.msk $0xffff, v62  }
0x16c: {  	v43 =	vadd.s32 v14, v33;
	v0 =	vadd.s32 v15, v31;
	v62 =	vld.idx.msk [tilespmem:v21+s17+$0x0], $0xffff;
	[tilespmem:v54+s22+$0x0] =	vst.idx.msk $0xffff, v59  }
0x16d: {  	v52 =	vadd.s32 v5, v36;
	v54 =	vor.u32 v11, v24;
	v47 =	vld.idx.msk [tilespmem:v47+s17+$0x0], $0xffff;
	[tilespmem:v19+s22+$0x0] =	vst.idx.msk $0xffff, v1  }
0x16e: {  	s28 =	sadd.s32 $0x4, s28;
	v55 =	vor.u32 v11, v18;
	v59 =	vld.idx.msk [tilespmem:v17+s17+$0x0], $0xffff;
	v17 =	vor.u32 v8, v34;
	[tilespmem:v20+s22+$0x0] =	vst.idx.msk $0xffff, v22  }
0x16f: {  	_ =	sdelay $0x3  }
0x170: {  	[tilespmem:v0+s22+$0x0] =	vst.idx.msk $0xffff, v57  }
0x171: {  	v1 =	vadd.s32 v14, v31;
	v0 =	vld.idx.msk [tilespmem:v51+s17+$0x0], $0xffff  }
0x172: {  	v19 =	vadd.s32 v14, v29;
	[tilespmem:v50+s22+$0x0] =	vst.idx.msk $0xffff, v46  }
0x173: {  	v21 =	vld.idx.msk [tilespmem:v44+s17+$0x0], $0xffff;
	_ =	sdelay $0x2  }
0x174: {  	v12 =	vld [tilespmem:$0x1FF90];
	[tilespmem:v1+s22+$0x0] =	vst.idx.msk $0xffff, v0  }
0x175: {  	v15 =	vld [tilespmem:$0x1FF10];
	[tilespmem:v19+s22+$0x0] =	vst.idx.msk $0xffff, v59  }
0x176: {  	[tilespmem:v43+s22+$0x0] =	vst.idx.msk $0xffff, v21  }
0x177: {  	[tilespmem:v63+s22+$0x0] =	vst.idx.msk $0xffff, v62  }
0x178: {  	[tilespmem:v40+s22+$0x0] =	vst.idx.msk $0xffff, v60  }
0x179: {  	v20 =	vor.u32 v12, v38;
	[tilespmem:v61+s22+$0x0] =	vst.idx.msk $0xffff, v48  }
0x17a: {  	v4 =	vld [tilespmem:$0x1FE10];
	_ =	sdelay $0x2  }
0x17b: {  	v1 =	vld.idx.msk [tilespmem:v56+s17+$0x0], $0xffff;
	v0 =	vadd.s32 v15, v31  }
0x17c: {  	v59 =	vor.u32 v13, v28;
	v20 =	vld.idx.msk [tilespmem:v20+s17+$0x0], $0xffff;
	v22 =	vadd.s32 v15, v29  }
0x17d: {  	v25 =	vor.u32 v13, v38;
	v26 =	vld.idx.msk [tilespmem:v45+s17+$0x0], $0xffff;
	v50 =	vadd.s32 v15, v33  }
0x17e: {  	v51 =	vor.u32 v13, v23;
	v17 =	vld.idx.msk [tilespmem:v17+s17+$0x0], $0xffff;
	v30 =	vadd.s32 v15, v37  }
0x17f: {  	v56 =	vor.u32 v13, v34  }
0x180: {  	v57 =	vld.idx.msk [tilespmem:v4+s17+$0x0], $0xffff;
	[tilespmem:v0+s22+$0x0] =	vst.idx.msk $0xffff, v1  }
0x181: {  	v0 =	vadd.s32 v2, v31;
	[tilespmem:v22+s22+$0x0] =	vst.idx.msk $0xffff, v20;
	v1 =	vld.idx.msk [tilespmem:v59+s17+$0x0], $0xffff  }
0x182: {  	v60 =	vadd.s32 v2, v29;
	[tilespmem:v50+s22+$0x0] =	vst.idx.msk $0xffff, v26;
	v59 =	vor.u32 v6, v28;
	v22 =	vld.idx.msk [tilespmem:v25+s17+$0x0], $0xffff  }
0x183: {  	[tilespmem:v30+s22+$0x0] =	vst.idx.msk $0xffff, v17;
	v62 =	vld.idx.msk [tilespmem:v51+s17+$0x0], $0xffff  }
0x184: {  	v61 =	vor.u32 v6, v38;
	[tilespmem:v52+s22+$0x0] =	vst.idx.msk $0xffff, v47;
	v17 =	vadd.s32 v2, v33;
	v50 =	vld.idx.msk [tilespmem:v56+s17+$0x0], $0xffff  }
0x185: {  	v48 =	vadd.s32 v2, v37;
	v51 =	vld.idx.msk [tilespmem:v54+s17+$0x0], $0xffff;
	[tilespmem:v58+s22+$0x0] =	vst.idx.msk $0xffff, v57  }
0x186: {  	v39 =	vadd.s32 v7, v39;
	v63 =	vor.u32 v6, v23;
	v54 =	vld.idx.msk [tilespmem:v55+s17+$0x0], $0xffff;
	[tilespmem:v0+s22+$0x0] =	vst.idx.msk $0xffff, v1  }
0x187: {  	v36 =	vadd.s32 v7, v36;
	v52 =	vor.u32 v6, v34;
	[tilespmem:v60+s22+$0x0] =	vst.idx.msk $0xffff, v22;
	v1 =	vld.idx.msk [tilespmem:v59+s17+$0x0], $0xffff  }
0x188: {  	v0 =	vadd.s32 v10, v31;
	v8 =	vld [tilespmem:$0x1FF30]  }
0x189: {  	v20 =	vld.idx.msk [tilespmem:v61+s17+$0x0], $0xffff;
	[tilespmem:v17+s22+$0x0] =	vst.idx.msk $0xffff, v62  }
0x18a: {  	v60 =	vadd.s32 v7, v35;
	[tilespmem:v48+s22+$0x0] =	vst.idx.msk $0xffff, v50;
	v62 =	vld.idx.msk [tilespmem:v49+s17+$0x0], $0xffff  }
0x18b: {  	v56 =	vadd.s32 v10, v33;
	[tilespmem:v39+s22+$0x0] =	vst.idx.msk $0xffff, v51;
	v57 =	vld.idx.msk [tilespmem:v63+s17+$0x0], $0xffff  }
0x18c: {  	v59 =	vadd.s32 v10, v37;
	[tilespmem:v36+s22+$0x0] =	vst.idx.msk $0xffff, v54;
	v30 =	vld.idx.msk [tilespmem:v52+s17+$0x0], $0xffff  }
0x18d: {  	v24 =	vor.u32 v16, v24;
	v27 =	vadd.s32 v7, v27;
	v63 =	vld.idx.msk [tilespmem:v53+s17+$0x0], $0xffff;
	[tilespmem:v0+s22+$0x0] =	vst.idx.msk $0xffff, v1  }
0x18e: {  	[tilespmem:v41+s22+$0x0] =	vst.idx.msk $0xffff, v20  }
0x18f: {  	v55 =	vor.u32 v8, v28;
	[tilespmem:v60+s22+$0x0] =	vst.idx.msk $0xffff, v62  }
0x190: {  	v17 =	vor.u32 v8, v38;
	[tilespmem:v56+s22+$0x0] =	vst.idx.msk $0xffff, v57  }
0x191: {  	v58 =	vor.u32 v8, v23;
	[tilespmem:v59+s22+$0x0] =	vst.idx.msk $0xffff, v30  }
0x192: {  	v24 =	vld.idx.msk [tilespmem:v24+s17+$0x0], $0xffff;
	v61 =	vor.u32 v8, v34;
	[tilespmem:v27+s22+$0x0] =	vst.idx.msk $0xffff, v63  }
0x193: {  	v4 =	vld [tilespmem:$0x1FDE0]  }
0x194: {  	v0 =	vadd.s32 v5, v31;
	v1 =	vld.idx.msk [tilespmem:v55+s17+$0x0], $0xffff  }
0x195: {  	v41 =	vadd.s32 v5, v29;
	v17 =	vld.idx.msk [tilespmem:v17+s17+$0x0], $0xffff  }
0x196: {  	v45 =	vadd.s32 v5, v33;
	v25 =	vld.idx.msk [tilespmem:v58+s17+$0x0], $0xffff  }
0x197: {  	v47 =	vadd.s32 v5, v37;
	v30 =	vld.idx.msk [tilespmem:v61+s17+$0x0], $0xffff  }
0x198: {  	[tilespmem:v42+s22+$0x0] =	vst.idx.msk $0xffff, v24  }
0x199: {  	[tilespmem:v0+s22+$0x0] =	vst.idx.msk $0xffff, v1  }
0x19a: {  	v44 =	vor.u32 v11, v28;
	[tilespmem:v41+s22+$0x0] =	vst.idx.msk $0xffff, v17  }
0x19b: {  	v46 =	vor.u32 v11, v38;
	[tilespmem:v45+s22+$0x0] =	vst.idx.msk $0xffff, v25  }
0x19c: {  	v51 =	vld.idx.msk [tilespmem:v4+s17+$0x0], $0xffff;
	[tilespmem:v47+s22+$0x0] =	vst.idx.msk $0xffff, v30  }
0x19d: {  	v4 =	vld [tilespmem:$0x1FDD0]  }
0x19e: {  	v50 =	vadd.s32 v3, v35  }
0x19f: {  	v17 =	vadd.s32 v7, v31;
	v1 =	vld.idx.msk [tilespmem:v44+s17+$0x0], $0xffff  }
0x1a0: {  	v53 =	vadd.s32 v7, v29;
	v54 =	vld.idx.msk [tilespmem:v46+s17+$0x0], $0xffff;
	_ =	sdelay $0x2  }
0x1a1: {  	v48 =	vor.u32 v11, v23;
	[tilespmem:v50+s22+$0x0] =	vst.idx.msk $0xffff, v51  }
0x1a2: {  	v49 =	vor.u32 v11, v34;
	[tilespmem:v17+s22+$0x0] =	vst.idx.msk $0xffff, v1  }
0x1a3: {  	[tilespmem:v53+s22+$0x0] =	vst.idx.msk $0xffff, v54;
	v59 =	vld.idx.msk [tilespmem:v4+s17+$0x0], $0xffff  }
0x1a4: {  	v4 =	vld [tilespmem:$0x1FE30];
	_ =	sdelay $0x1  }
0x1a5: {  	v55 =	vadd.s32 v7, v33;
	v56 =	vld.idx.msk [tilespmem:v48+s17+$0x0], $0xffff  }
0x1a6: {  	v57 =	vadd.s32 v7, v37;
	v58 =	vld.idx.msk [tilespmem:v49+s17+$0x0], $0xffff;
	_ =	sdelay $0x3  }
0x1a7: {  	[tilespmem:v55+s22+$0x0] =	vst.idx.msk $0xffff, v56  }
0x1a8: {  	[tilespmem:v57+s22+$0x0] =	vst.idx.msk $0xffff, v58;
	v19 =	vld.idx.msk [tilespmem:v4+s17+$0x0], $0xffff  }
0x1a9: {  	v4 =	vld [tilespmem:$0x1FE20];
	_ =	sdelay $0x7  }
0x1aa: {  	v62 =	vld.idx.msk [tilespmem:v4+s17+$0x0], $0xffff  }
0x1ab: {  	v4 =	vld [tilespmem:$0x1FDF0];
	_ =	sdelay $0x2  }
0x1ac: {  	v52 =	vor.u32 v16, v28;
	_ =	sdelay $0x3  }
0x1ad: {  	v0 =	vor.u32 v16, v18  }
0x1ae: {  	v17 =	vld.idx.msk [tilespmem:v52+s17+$0x0], $0xffff;
	[tilespmem:v4+s22+$0x0] =	vst.idx.msk $0xffff, v59  }
0x1af: {  	v1 =	vadd.s32 v3, v31;
	v4 =	vld [tilespmem:$0x1FE00]  }
0x1b0: {  	v61 =	vadd.s32 v3, v29;
	_ =	sdelay $0x1  }
0x1b1: {  	v0 =	vld.idx.msk [tilespmem:v0+s17+$0x0], $0xffff;
	_ =	sdelay $0x1  }
0x1b2: {  	[tilespmem:v1+s22+$0x0] =	vst.idx.msk $0xffff, v17  }
0x1b3: {  	[tilespmem:v61+s22+$0x0] =	vst.idx.msk $0xffff, v19  }
0x1b4: {  	v60 =	vor.u32 v16, v34;
	[tilespmem:v32+s22+$0x0] =	vst.idx.msk $0xffff, v62  }
0x1b5: {  	[tilespmem:v4+s22+$0x0] =	vst.idx.msk $0xffff, v0  }
0x1b6: {  	v0 =	vld [tilespmem:$0x1FE40];
	_ =	sdelay $0x2  }
0x1b7: {  	v63 =	vld.idx.msk [tilespmem:v60+s17+$0x0], $0xffff;
	_ =	sdelay $0x4  }
0x1b8: {  	[tilespmem:v0+s22+$0x0] =	vst.idx.msk $0xffff, v63  }
0x1b9: {  	[tilespmem:s17], [sflag:$0x2] =	stream.indirect.gather [hbm4b:s5+s15], $0x40, s23, s15, $0xb8;
	[tilespmem:$0xE800] =	vst v63  }
0x1ba: {  	s0 =	simm.s32 $0xC600  }
0x1bb: {  	[hbm4b:s8+s3] =	stream.linear.scatter [tilespmem:s0], [sflag:$0x4], $0x80, $0x38;
	[tilespmem:$0xE800] =	vst v63  }
0x1bc: {  	s13 =	simm.s32 $0xC688;
	s1 =	sadd.s32 $0x10, s8  }
0x1bd: {  	[hbm4b:s1+s3] =	stream.linear.scatter [tilespmem:s13], [sflag:$0x4], $0x80, $0x38;
	[tilespmem:$0xE800] =	vst v63  }
0x1be: {  	s20 =	simm.s32 $0xC710;
	s29 =	sadd.s32 $0x20, s8;
	s30 =	simm.s32 $0xC798  }
0x1bf: {  	[hbm4b:s29+s3] =	stream.linear.scatter [tilespmem:s20], [sflag:$0x4], $0x80, $0x38;
	[tilespmem:$0xE800] =	vst v63  }
0x1c0: {  	s31 =	sadd.s32 $0x30, s8;
	s12 =	simm.s32 $0xC820;
	s28 =	sadd.s32 $0x4000, s8  }
0x1c1: {  	[hbm4b:s31+s3] =	stream.linear.scatter [tilespmem:s30], [sflag:$0x4], $0x80, $0x38;
	[tilespmem:$0xE800] =	vst v63  }
0x1c2: {  	s0 =	simm.s32 $0x440;
	s13 =	sadd.s32 $0x40, s8;
	s1 =	simm.s32 $0x2200  }
0x1c3: {  	[hbm4b:s13+s3] =	stream.linear.scatter [tilespmem:s12], [sflag:$0x4], $0x80, $0x38;
	[tilespmem:$0xE800] =	vst v63  }
0x1c4: {  	s20 =	simm.s32 $0xC8A8;
	s29 =	sadd.s32 $0x50, s8;
	s30 =	simm.s32 $0xC930  }
0x1c5: {  	[hbm4b:s29+s3] =	stream.linear.scatter [tilespmem:s20], [sflag:$0x4], $0x80, $0x38;
	[tilespmem:$0xE800] =	vst v63  }
0x1c6: {  	s31 =	sadd.s32 $0x60, s8;
	s12 =	simm.s32 $0xC9B8;
	s13 =	sadd.s32 $0x70, s8  }
0x1c7: {  	v10 =	vmov v16;
	v11 =	vmov v2;
	v4 =	vmov v8;
	[hbm4b:s31+s3] =	stream.linear.scatter [tilespmem:s30], [sflag:$0x4], $0x80, $0x38;
	[tilespmem:$0xE800] =	vst v63  }
.LBB2_8:
0x1c8: {  	[hbm4b:s13+s3] =	stream.linear.scatter [tilespmem:s12], [sflag:$0x4], $0x80, $0x38;
	[tilespmem:$0xE800] =	vst v63  }
0x1c9: {  	s12 =	smov.u32 s0;
	s0 =	smov.u32 s1  }
0x1ca: {  	s29 =	sadd.s32 $0x1100, s1;
	s0 =	sshra.s32 s0, $0x2;
	s13 =	sadd.s32 $0xC600, s12  }
0x1cb: {  	[hbm4b:s28+s3] =	stream.linear.scatter [tilespmem:s13], [sflag:$0x4], $0x80, $0x38;
	[tilespmem:$0xE800] =	vst v63  }
0x1cc: {  	p0 =	sne.s32 s1, $0x7700;
	s1 =	sadd.s32 $0xC688, s12;
	s13 =	sadd.s32 $0x10, s28  }
0x1cd: {  	[hbm4b:s13+s3] =	stream.linear.scatter [tilespmem:s1], [sflag:$0x4], $0x80, $0x38;
	[tilespmem:$0xE800] =	vst v63  }
0x1ce: {  	s1 =	sadd.s32 $0xC710, s12;
	s13 =	sadd.s32 $0x20, s28  }
0x1cf: {  	[hbm4b:s13+s3] =	stream.linear.scatter [tilespmem:s1], [sflag:$0x4], $0x80, $0x38;
	[tilespmem:$0xE800] =	vst v63  }
0x1d0: {  	s1 =	sadd.s32 $0xC798, s12;
	s13 =	sadd.s32 $0x30, s28  }
0x1d1: {  	[hbm4b:s13+s3] =	stream.linear.scatter [tilespmem:s1], [sflag:$0x4], $0x80, $0x38;
	[tilespmem:$0xE800] =	vst v63  }
0x1d2: {  	s1 =	sadd.s32 $0xC820, s12;
	s13 =	sadd.s32 $0x40, s28  }
0x1d3: {  	[hbm4b:s13+s3] =	stream.linear.scatter [tilespmem:s1], [sflag:$0x4], $0x80, $0x38;
	[tilespmem:$0xE800] =	vst v63  }
.Ltmp3:
0x1d4: {  	s1 =	sadd.s32 $0xC8A8, s12;
	s13 =	sadd.s32 $0x50, s28;
	(pc) =	sbr.rel @p0 .LBB2_8-.Ltmp3, $4  }
0x1d5: {  	[hbm4b:s13+s3] =	stream.linear.scatter [tilespmem:s1], [sflag:$0x4], $0x80, $0x38;
	[tilespmem:$0xE800] =	vst v63  }
0x1d6: {  	s1 =	sadd.s32 $0xC930, s12;
	s13 =	sadd.s32 $0x60, s28;
	s12 =	sadd.s32 $0xC9B8, s12  }
0x1d7: {  	[hbm4b:s13+s3] =	stream.linear.scatter [tilespmem:s1], [sflag:$0x4], $0x80, $0x38;
	[tilespmem:$0xE800] =	vst v63  }
0x1d8: {  	s13 =	sadd.s32 $0x70, s28;
	s28 =	sadd.s32 $0x4000, s28;
	s1 =	smov.u32 s29  }
0x1d9: {  	[hbm4b:s13+s3] =	stream.linear.scatter [tilespmem:s12], [sflag:$0x4], $0x80, $0x38;
	[tilespmem:$0xE800] =	vst v63  }
0x1da: {  	s1 =	sadd.s32 $0xC600, s0  }
0x1db: {  	[hbm4b:s28+s3] =	stream.linear.scatter [tilespmem:s1], [sflag:$0x4], $0x80, $0x38;
	[tilespmem:$0xE800] =	vst v63  }
0x1dc: {  	s30 =	sadd.s32 $0xC688, s0;
	s31 =	sadd.s32 $0x10, s28  }
0x1dd: {  	[hbm4b:s31+s3] =	stream.linear.scatter [tilespmem:s30], [sflag:$0x4], $0x80, $0x38;
	[tilespmem:$0xE800] =	vst v63  }
0x1de: {  	s12 =	sadd.s32 $0xC710, s0;
	s13 =	sadd.s32 $0x20, s28  }
0x1df: {  	[hbm4b:s13+s3] =	stream.linear.scatter [tilespmem:s12], [sflag:$0x4], $0x80, $0x38;
	[tilespmem:$0xE800] =	vst v63  }
0x1e0: {  	s20 =	sadd.s32 $0xC798, s0;
	s29 =	sadd.s32 $0x30, s28  }
0x1e1: {  	[hbm4b:s29+s3] =	stream.linear.scatter [tilespmem:s20], [sflag:$0x4], $0x80, $0x38;
	[tilespmem:$0xE800] =	vst v63  }
0x1e2: {  	v9 =	vld [tilespmem:$0x1FF70];
	s30 =	sadd.s32 $0xC820, s0;
	s31 =	sadd.s32 $0x40, s28  }
0x1e3: {  	v49 =	vld [tilespmem:$0x1FF60];
	[hbm4b:s31+s3] =	stream.linear.scatter [tilespmem:s30], [sflag:$0x4], $0x80, $0x38  }
0x1e4: {  	v7 =	vld [tilespmem:$0x1FF40];
	s12 =	sadd.s32 $0xC8A8, s0;
	s13 =	sadd.s32 $0x50, s28  }
0x1e5: {  	v5 =	vld [tilespmem:$0x1FFC0];
	[hbm4b:s13+s3] =	stream.linear.scatter [tilespmem:s12], [sflag:$0x4], $0x80, $0x38  }
0x1e6: {  	v8 =	vld [tilespmem:$0x1FF50];
	s20 =	sadd.s32 $0xC930, s0;
	s29 =	sadd.s32 $0x60, s28  }
0x1e7: {  	v14 =	vld [tilespmem:$0x1FF80];
	[hbm4b:s29+s3] =	stream.linear.scatter [tilespmem:s20], [sflag:$0x4], $0x80, $0x38  }
0x1e8: {  	v17 =	vld [tilespmem:$0x1FFA0];
	s30 =	sadd.s32 $0xC9B8, s0;
	s31 =	sadd.s32 $0x70, s28;
	s28 =	simm.s32 $0x1  }
0x1e9: {  	v2 =	vlaneseq.u32;
	v13 =	vld [tilespmem:$0x1FF00];
	[hbm4b:s31+s3] =	stream.linear.scatter [tilespmem:s30], [sflag:$0x4], $0x80, $0x38  }
.LBB2_10:
0x1ea: {  	_ =	sdelay $0x2  }
0x1eb: {  	s0 =	simm.s32 $0x0;
	s31 =	simm.s32 $0x1  }
0x1ec: {  	s1 =	simm.s32 $0x2;
	v0 =	vadd.s32 s0, v13;
	v19 =	vadd.s32 s31, v13  }
0x1ed: {  	v20 =	vadd.s32 s1, v13;
	v1 =	vand.u32 $0x7, v0;
	v18 =	vand.u32 $0x3F, v19  }
0x1ee: {  	v41 =	vand.u32 $0x3F, v20;
	v21 =	vshrl.u32 v0, $0x3;
	v24 =	vand.u32 $0x7, v19  }
0x1ef: {  	s12 =	simm.s32 $0x3;
	v25 =	vshrl.u32 v20, $0x3;
	v47 =	vand.u32 $0x3F, v0;
	v0 =	vand.u32 $0x7, v20  }
0x1f0: {  	v20 =	vadd.s32 s12, v13;
	v19 =	vshrl.u32 v19, $0x3;
	v16 =	vor.u32 v10, v41  }
0x1f1: {  	v1 =	vmul.u32 $0x88, v1;
	v22 =	vor.u32 v49, v18;
	v26 =	vor.u32 v49, v47;
	[tilespmem:$0x1FD60] =	vst v16  }
0x1f2: {  	v27 =	vmul.u32 $0x88, v24;
	v24 =	vand.u32 $0x3F, v20;
	v25 =	vand.u32 $0x7, v25;
	_ =	swait.ge [sflag:s18], $0x2000  }
0x1f3: {  	v0 =	vmul.u32 $0x88, v0;
	v19 =	vand.u32 $0x7, v19;
	v29 =	vshrl.u32 v20, $0x3;
	[sflag:s18] =	ssyncset.done $0x0  }
0x1f4: {  	v21 =	vand.u32 $0x7, v21;
	v28 =	vor.u32 v49, v24;
	v19 =	vmul.u32 $0x440, v19;
	[sflag:s18] =	ssyncadd.s32 $0xFFFFE000  }
0x1f5: {  	v20 =	vand.u32 $0x7, v20;
	v29 =	vand.u32 $0x7, v29;
	v21 =	vmul.u32 $0x440, v21;
	_ =	swait.ge [sflag:s24], $0x2000  }
0x1f6: {  	v20 =	vmul.u32 $0x88, v20;
	v36 =	vadd.s32 v27, v19;
	v19 =	vmul.u32 $0x440, v29;
	[sflag:s24] =	ssyncset.done $0x0  }
0x1f7: {  	v25 =	vmul.u32 $0x440, v25;
	v35 =	vadd.s32 v1, v21;
	v1 =	vor.u32 v10, v47;
	[sflag:s24] =	ssyncadd.s32 $0xFFFFE000  }
0x1f8: {  	v39 =	vadd.s32 v20, v19;
	v22 =	vld.idx.msk [tilespmem:v22+s16+$0x0], $0xffff;
	[tilespmem:$0x1FD70] =	vst v1  }
0x1f9: {  	v23 =	vor.u32 v49, v41;
	v27 =	vadd.s32 v0, v25;
	v25 =	vadd.s32 v2, v39;
	v0 =	vld.idx.msk [tilespmem:v28+s16+$0x0], $0xffff  }
0x1fa: {  	v29 =	vadd.s32 v2, v36;
	v28 =	vor.u32 v9, v24  }
0x1fb: {  	v16 =	vadd.s32 v3, v27  }
0x1fc: {  	v1 =	vld.idx.msk [tilespmem:v26+s16+$0x0], $0xffff;
	v26 =	vadd.s32 v2, v35;
	[tilespmem:$0x1FD80] =	vst v16;
	v16 =	vadd.s32 v3, v36  }
0x1fd: {  	[tilespmem:$0x1FD90] =	vst v16  }
0x1fe: {  	v31 =	vadd.s32 v2, v27;
	v23 =	vld.idx.msk [tilespmem:v23+s16+$0x0], $0xffff;
	[tilespmem:v25+s19+$0x0] =	vst.idx.msk $0xffff, v0  }
0x1ff: {  	[tilespmem:v29+s19+$0x0] =	vst.idx.msk $0xffff, v22;
	v22 =	vor.u32 v9, v47;
	v25 =	vadd.s32 v14, v39;
	v0 =	vld.idx.msk [tilespmem:v28+s16+$0x0], $0xffff;
	_ =	sdelay $0x1  }
0x200: {  	v32 =	vor.u32 v9, v18;
	v16 =	vor.u32 v4, v41;
	[tilespmem:v26+s19+$0x0] =	vst.idx.msk $0xffff, v1  }
0x201: {  	v30 =	vor.u32 v9, v41;
	[tilespmem:$0x1FDA0] =	vst v16  }
0x202: {  	v34 =	vor.u32 v12, v24;
	[tilespmem:v31+s19+$0x0] =	vst.idx.msk $0xffff, v23  }
0x203: {  	v28 =	vadd.s32 v14, v35;
	v22 =	vld.idx.msk [tilespmem:v22+s16+$0x0], $0xffff;
	[tilespmem:v25+s19+$0x0] =	vst.idx.msk $0xffff, v0;
	v0 =	vor.u32 v6, v41  }
0x204: {  	v38 =	vor.u32 v12, v47;
	[tilespmem:$0x1FDB0] =	vst v0  }
0x205: {  	v48 =	vor.u32 v12, v41;
	v0 =	vadd.s32 v5, v36;
	v23 =	vld.idx.msk [tilespmem:v32+s16+$0x0], $0xffff  }
0x206: {  	v53 =	vor.u32 v6, v47;
	v1 =	vadd.s32 v14, v36;
	v25 =	vld.idx.msk [tilespmem:v30+s16+$0x0], $0xffff;
	[tilespmem:$0x1FDC0] =	vst v0  }
0x207: {  	v59 =	vor.u32 v6, v18;
	v46 =	vadd.s32 v15, v39;
	v29 =	vor.u32 v12, v18;
	v55 =	vld.idx.msk [tilespmem:v34+s16+$0x0], $0xffff  }
0x208: {  	v45 =	vadd.s32 v14, v27;
	v31 =	vor.u32 v17, v24;
	[tilespmem:v28+s19+$0x0] =	vst.idx.msk $0xffff, v22  }
0x209: {  	v44 =	vor.u32 v17, v18;
	v52 =	vor.u32 v17, v41;
	v32 =	vadd.s32 v15, v35;
	v28 =	vld.idx.msk [tilespmem:v38+s16+$0x0], $0xffff  }
0x20a: {  	s13 =	simm.s32 $0x4;
	v51 =	vor.u32 v17, v47;
	v61 =	vor.u32 v4, v24;
	v54 =	vor.u32 v6, v24  }
0x20b: {  	v58 =	vadd.s32 s13, v13;
	v21 =	vadd.s32 v5, v35;
	v33 =	vadd.s32 v15, v36;
	[tilespmem:v1+s19+$0x0] =	vst.idx.msk $0xffff, v23  }
0x20c: {  	v50 =	vadd.s32 v15, v27;
	v56 =	vadd.s32 v11, v35;
	v29 =	vld.idx.msk [tilespmem:v29+s16+$0x0], $0xffff;
	[tilespmem:v46+s19+$0x0] =	vst.idx.msk $0xffff, v55  }
0x20d: {  	s20 =	simm.s32 $0x5;
	s30 =	simm.s32 $0x6;
	v57 =	vadd.s32 v11, v36;
	v60 =	vadd.s32 v11, v39;
	[tilespmem:v45+s19+$0x0] =	vst.idx.msk $0xffff, v25;
	v31 =	vld.idx.msk [tilespmem:v31+s16+$0x0], $0xffff  }
0x20e: {  	v63 =	vadd.s32 s20, v13;
	v62 =	vadd.s32 v11, v27;
	v0 =	vadd.s32 s30, v13;
	[tilespmem:v32+s19+$0x0] =	vst.idx.msk $0xffff, v28;
	v32 =	vld.idx.msk [tilespmem:v48+s16+$0x0], $0xffff  }
0x20f: {  	v26 =	vadd.s32 v5, v39;
	v34 =	vand.u32 $0x3F, v63;
	v6 =	vshrl.u32 v0, $0x3;
	v48 =	vld.idx.msk [tilespmem:v51+s16+$0x0], $0xffff  }
0x210: {  	v23 =	vand.u32 $0x3F, v0;
	v0 =	vand.u32 $0x7, v0;
	v46 =	vand.u32 $0x7, v6  }
0x211: {  	v30 =	vor.u32 v49, v23;
	v0 =	vmul.u32 $0x88, v0;
	v46 =	vmul.u32 $0x440, v46;
	[tilespmem:v33+s19+$0x0] =	vst.idx.msk $0xffff, v29  }
0x212: {  	v42 =	vor.u32 v49, v34;
	v1 =	vand.u32 $0x7, v63;
	v6 =	vshrl.u32 v63, $0x3;
	v63 =	vld.idx.msk [tilespmem:v44+s16+$0x0], $0xffff;
	[tilespmem:v60+s19+$0x0] =	vst.idx.msk $0xffff, v31  }
0x213: {  	v37 =	vshrl.u32 v58, $0x3;
	v33 =	vadd.s32 v0, v46;
	v0 =	vand.u32 $0x7, v6;
	[tilespmem:v50+s19+$0x0] =	vst.idx.msk $0xffff, v32;
	v54 =	vld.idx.msk [tilespmem:v54+s16+$0x0], $0xffff  }
0x214: {  	v38 =	vand.u32 $0x3F, v58;
	v1 =	vmul.u32 $0x88, v1;
	v0 =	vmul.u32 $0x440, v0;
	[tilespmem:v56+s19+$0x0] =	vst.idx.msk $0xffff, v48;
	v6 =	vld.idx.msk [tilespmem:v52+s16+$0x0], $0xffff  }
0x215: {  	v40 =	vadd.s32 v5, v27;
	v20 =	vor.u32 v4, v47;
	v55 =	vor.u32 v49, v38;
	v48 =	vld.idx.msk [tilespmem:v53+s16+$0x0], $0xffff  }
0x216: {  	v16 =	vor.u32 v4, v18;
	v46 =	vld.idx.msk [tilespmem:v30+s16+$0x0], $0xffff;
	v30 =	vand.u32 $0x7, v37;
	v37 =	vadd.s32 v1, v0  }
0x217: {  	s31 =	simm.s32 $0x7;
	v22 =	vand.u32 $0x7, v58;
	v1 =	vld.idx.msk [tilespmem:v42+s16+$0x0], $0xffff;
	v42 =	vadd.s32 v2, v37;
	[tilespmem:v57+s19+$0x0] =	vst.idx.msk $0xffff, v63  }
0x218: {  	v43 =	vmul.u32 $0x88, v22;
	v45 =	vadd.s32 s31, v13;
	v25 =	vor.u32 v10, v38;
	[tilespmem:v26+s19+$0x0] =	vst.idx.msk $0xffff, v54  }
0x219: {  	v22 =	vor.u32 v10, v23;
	v29 =	vand.u32 $0x7, v45;
	v30 =	vmul.u32 $0x440, v30;
	[tilespmem:v62+s19+$0x0] =	vst.idx.msk $0xffff, v6  }
0x21a: {  	v28 =	vand.u32 $0x3F, v45;
	v60 =	vmul.u32 $0x88, v29;
	v29 =	vshrl.u32 v45, $0x3;
	v63 =	vld.idx.msk [tilespmem:v55+s16+$0x0], $0xffff;
	[tilespmem:v21+s19+$0x0] =	vst.idx.msk $0xffff, v48  }
0x21b: {  	v58 =	vor.u32 v49, v28;
	v29 =	vand.u32 $0x7, v29;
	v30 =	vadd.s32 v43, v30;
	v62 =	vld [tilespmem:$0x1FDB0]  }
0x21c: {  	v19 =	vmov v11;
	v0 =	vmul.u32 $0x440, v29;
	v53 =	vld.idx.msk [tilespmem:v59+s16+$0x0], $0xffff;
	v54 =	vadd.s32 v2, v30;
	[tilespmem:v42+s19+$0x0] =	vst.idx.msk $0xffff, v1  }
0x21d: {  	v11 =	vmovc v49;
	v10 =	vadd.s32 v7, v39;
	v51 =	vor.u32 v9, v28;
	v59 =	vor.u32 v9, v38;
	v1 =	vld [tilespmem:$0x1FDC0]  }
0x21e: {  	v49 =	vor.u32 v9, v34;
	v44 =	vor.u32 v9, v23;
	v32 =	vadd.s32 v60, v0;
	v0 =	vld.idx.msk [tilespmem:v61+s16+$0x0], $0xffff  }
0x21f: {  	v50 =	vadd.s32 v2, v33;
	v31 =	vadd.s32 v3, v33;
	v45 =	vor.u32 v12, v23  }
0x220: {  	v56 =	vor.u32 v12, v28;
	v52 =	vadd.s32 v7, v36;
	v43 =	vadd.s32 v14, v33;
	v57 =	vld.idx.msk [tilespmem:v58+s16+$0x0], $0xffff  }
0x221: {  	v29 =	vadd.s32 v3, v37;
	v55 =	vor.u32 v8, v18;
	v48 =	vld.idx.msk [tilespmem:v20+s16+$0x0], $0xffff;
	[tilespmem:v54+s19+$0x0] =	vst.idx.msk $0xffff, v63  }
0x222: {  	v58 =	vadd.s32 v7, v27;
	v61 =	vadd.s32 v7, v35;
	v42 =	vadd.s32 v3, v39;
	v59 =	vld.idx.msk [tilespmem:v59+s16+$0x0], $0xffff  }
0x223: {  	v54 =	vor.u32 v8, v24;
	v63 =	vadd.s32 v14, v37;
	[tilespmem:v10+s19+$0x0] =	vst.idx.msk $0xffff, v0;
	v60 =	vld.idx.msk [tilespmem:v62+s16+$0x0], $0xffff  }
0x224: {  	v21 =	vmovc v4;
	v0 =	vor.u32 v12, v34;
	v10 =	vmov v5;
	v62 =	vld.idx.msk [tilespmem:v49+s16+$0x0], $0xffff;
	v49 =	vor.u32 v8, v47  }
0x225: {  	[tilespmem:v1+s19+$0x0] =	vst.idx.msk $0xffff, v53;
	v1 =	vadd.s32 v2, v32;
	v53 =	vor.u32 v8, v41;
	v2 =	vmov v13  }
0x226: {  	s29 =	simm.s32 $0x8;
	v41 =	vadd.s32 v5, v30;
	v13 =	vmovc v9;
	v47 =	vld.idx.msk [tilespmem:v16+s16+$0x0], $0xffff;
	v16 =	vmovc v15;
	v15 =	vmov v12;
	v12 =	vmov v2  }
.LBB2_11:
0x227: {  	v4 =	vld [tilespmem:$0x1FDA0]  }
0x228: {  	v5 =	vld [tilespmem:$0x1FFD0];
	_ =	sdelay $0x1  }
0x229: {  	v20 =	vmov v29;
	v29 =	vld [tilespmem:$0x1FFF0];
	[tilespmem:v1+s19+$0x0] =	vst.idx.msk $0xffff, v57  }
0x22a: {  	v26 =	vld [tilespmem:$0x1FFE0];
	[tilespmem:v63+s19+$0x0] =	vst.idx.msk $0xffff, v62  }
0x22b: {  	[tilespmem:v61+s19+$0x0] =	vst.idx.msk $0xffff, v48;
	v0 =	vld.idx.msk [tilespmem:v0+s16+$0x0], $0xffff  }
0x22c: {  	[tilespmem:v40+s19+$0x0] =	vst.idx.msk $0xffff, v60;
	v1 =	vadd.s32 v5, v36;
	v36 =	vld.idx.msk [tilespmem:v51+s16+$0x0], $0xffff  }
0x22d: {  	v40 =	vadd.s32 v14, v32;
	[tilespmem:v52+s19+$0x0] =	vst.idx.msk $0xffff, v47;
	v51 =	vld.idx.msk [tilespmem:v54+s16+$0x0], $0xffff  }
0x22e: {  	v3 =	vor.u32 v29, v18;
	v18 =	vmov v34;
	v54 =	vadd.s32 v14, v30;
	v34 =	vld.idx.msk [tilespmem:v4+s16+$0x0], $0xffff  }
0x22f: {  	v60 =	vor.u32 v21, v23;
	[tilespmem:v50+s19+$0x0] =	vst.idx.msk $0xffff, v46;
	v46 =	vld.idx.msk [tilespmem:v55+s16+$0x0], $0xffff  }
0x230: {  	[tilespmem:$0x1FDA0] =	vst v60;
	v61 =	vor.u32 v21, v18  }
0x231: {  	v6 =	vld [tilespmem:$0x1FD70];
	v62 =	vadd.s32 v16, v37;
	v2 =	vadd.s32 v26, v35;
	[tilespmem:$0x1FD50] =	vst v61  }
0x232: {  	v35 =	vadd.s32 v5, v35;
	v60 =	vld.idx.msk [tilespmem:v49+s16+$0x0], $0xffff;
	v61 =	vor.u32 v15, v38;
	[tilespmem:v40+s19+$0x0] =	vst.idx.msk $0xffff, v36  }
0x233: {  	v27 =	vadd.s32 v5, v27;
	v39 =	vadd.s32 v5, v39;
	v5 =	vld [tilespmem:$0x1FF20];
	[tilespmem:v54+s19+$0x0] =	vst.idx.msk $0xffff, v59  }
0x234: {  	v36 =	vld.idx.msk [tilespmem:v56+s16+$0x0], $0xffff;
	[tilespmem:v1+s19+$0x0] =	vst.idx.msk $0xffff, v46  }
0x235: {  	v24 =	vor.u32 v29, v24;
	[tilespmem:v58+s19+$0x0] =	vst.idx.msk $0xffff, v34;
	v3 =	vld.idx.msk [tilespmem:v3+s16+$0x0], $0xffff  }
0x236: {  	v34 =	vadd.s32 v16, v32;
	[tilespmem:v62+s19+$0x0] =	vst.idx.msk $0xffff, v0;
	v62 =	vld [tilespmem:$0x1FD60]  }
0x237: {  	s0 =	smov.u32 s29;
	v48 =	vor.u32 v21, v38;
	v61 =	vld.idx.msk [tilespmem:v61+s16+$0x0], $0xffff  }
0x238: {  	s1 =	sadd.s32 $0x1, s0;
	v49 =	vmov v38;
	v63 =	vor.u32 v5, v38;
	[tilespmem:v35+s19+$0x0] =	vst.idx.msk $0xffff, v60;
	v38 =	vld.idx.msk [tilespmem:v53+s16+$0x0], $0xffff  }
0x239: {  	[tilespmem:v39+s19+$0x0] =	vst.idx.msk $0xffff, v51;
	v46 =	vld.idx.msk [tilespmem:v6+s16+$0x0], $0xffff;
	v6 =	vadd.s32 s1, v12  }
0x23a: {  	v8 =	vmovc v25;
	v54 =	vadd.s32 v10, v37;
	v39 =	vadd.s32 v16, v30;
	v51 =	vld.idx.msk [tilespmem:v24+s16+$0x0], $0xffff;
	v25 =	vand.u32 $0x7, v6  }
0x23b: {  	v60 =	vadd.s32 v19, v37;
	[tilespmem:v34+s19+$0x0] =	vst.idx.msk $0xffff, v36;
	v36 =	vmov v37;
	v37 =	vmul.u32 $0x88, v25;
	v25 =	vld [tilespmem:$0x1FD80]  }
0x23c: {  	v1 =	vor.u32 v17, v49;
	v44 =	vld.idx.msk [tilespmem:v44+s16+$0x0], $0xffff  }
0x23d: {  	[tilespmem:v27+s19+$0x0] =	vst.idx.msk $0xffff, v38  }
0x23e: {  	s12 =	sadd.s32 $0x2, s0;
	v50 =	vor.u32 v17, v18;
	v62 =	vld.idx.msk [tilespmem:v62+s16+$0x0], $0xffff  }
0x23f: {  	v7 =	vadd.s32 s12, v12  }
0x240: {  	v9 =	vand.u32 $0x3F, v7;
	[tilespmem:v39+s19+$0x0] =	vst.idx.msk $0xffff, v61  }
0x241: {  	v52 =	vadd.s32 v10, v32;
	v56 =	vor.u32 v17, v28;
	v1 =	vld.idx.msk [tilespmem:v1+s16+$0x0], $0xffff;
	[tilespmem:v43+s19+$0x0] =	vst.idx.msk $0xffff, v44  }
0x242: {  	v47 =	vadd.s32 v10, v33;
	v4 =	vor.u32 v17, v23;
	v43 =	vshrl.u32 v7, $0x3;
	v39 =	vld.idx.msk [tilespmem:v45+s16+$0x0], $0xffff  }
0x243: {  	v57 =	vor.u32 v5, v18;
	[tilespmem:v25+s19+$0x0] =	vst.idx.msk $0xffff, v62;
	v25 =	vmov v31;
	v31 =	vand.u32 $0x7, v43;
	v43 =	vld.idx.msk [tilespmem:v50+s16+$0x0], $0xffff  }
0x244: {  	[tilespmem:$0x1FD70] =	vst v8;
	v59 =	vor.u32 v5, v28;
	v53 =	vor.u32 v5, v23;
	v5 =	vadd.s32 v19, v30;
	v50 =	vld [tilespmem:$0x1FD90]  }
0x245: {  	v55 =	vor.u32 v21, v28;
	v40 =	vmovc v22;
	v35 =	vadd.s32 v19, v32;
	v24 =	vor.u32 v29, v9  }
0x246: {  	v58 =	vadd.s32 v16, v33;
	v56 =	vld.idx.msk [tilespmem:v56+s16+$0x0], $0xffff;
	[tilespmem:v42+s19+$0x0] =	vst.idx.msk $0xffff, v51;
	v51 =	vor.u32 v11, v9  }
0x247: {  	v0 =	vadd.s32 v19, v33;
	[tilespmem:$0x1FD60] =	vst v40;
	v34 =	vand.u32 $0x3F, v6;
	v38 =	vadd.s32 s0, v12  }
0x248: {  	[tilespmem:v2+s19+$0x0] =	vst.idx.msk $0xffff, v46;
	v27 =	vmov v33;
	v33 =	vor.u32 v11, v34;
	v22 =	vand.u32 $0x7, v38  }
0x249: {  	s0 =	sadd.s32 $0x3, s0;
	v42 =	vshrl.u32 v38, $0x3;
	v38 =	vand.u32 $0x3F, v38;
	v8 =	vmul.u32 $0x88, v22;
	[tilespmem:v5+s19+$0x0] =	vst.idx.msk $0xffff, v1  }
0x24a: {  	v40 =	vmovc v28;
	v2 =	vor.u32 v11, v38;
	v7 =	vand.u32 $0x7, v7;
	v45 =	vadd.s32 s0, v12;
	[tilespmem:$0x1FD80] =	vst v25  }
0x24b: {  	v7 =	vmul.u32 $0x88, v7;
	v28 =	vand.u32 $0x3F, v45;
	v25 =	vor.u32 v29, v38;
	v46 =	vld.idx.msk [tilespmem:v51+s16+$0x0], $0xffff;
	[tilespmem:v58+s19+$0x0] =	vst.idx.msk $0xffff, v39  }
0x24c: {  	v29 =	vshrl.u32 v45, $0x3;
	v1 =	vld.idx.msk [tilespmem:v4+s16+$0x0], $0xffff;
	v4 =	vand.u32 $0x7, v42;
	[tilespmem:v50+s19+$0x0] =	vst.idx.msk $0xffff, v3;
	v3 =	vmul.u32 $0x440, v31  }
0x24d: {  	v58 =	vld.idx.msk [tilespmem:v63+s16+$0x0], $0xffff;
	v4 =	vmul.u32 $0x440, v4;
	v31 =	vand.u32 $0x7, v45;
	v45 =	vand.u32 $0x7, v29  }
0x24e: {  	v62 =	vld.idx.msk [tilespmem:v33+s16+$0x0], $0xffff;
	v63 =	vmul.u32 $0x440, v45;
	v33 =	vadd.s32 v7, v3;
	v3 =	vmul.u32 $0x88, v31  }
0x24f: {  	v6 =	vshrl.u32 v6, $0x3;
	v22 =	vlaneseq.u32;
	[tilespmem:v35+s19+$0x0] =	vst.idx.msk $0xffff, v56;
	v56 =	vmovc v20;
	v35 =	vmovc v30;
	v20 =	vld [tilespmem:$0x1FF40];
	v30 =	vadd.s32 v8, v4  }
0x250: {  	v6 =	vand.u32 $0x7, v6;
	v2 =	vld.idx.msk [tilespmem:v2+s16+$0x0], $0xffff;
	v39 =	vmovc v32;
	v32 =	vadd.s32 v3, v63;
	v3 =	vadd.s32 v22, v30  }
0x251: {  	v6 =	vmul.u32 $0x440, v6;
	[tilespmem:$0x1FD90] =	vst v56;
	v8 =	vld [tilespmem:$0x1FF50]  }
0x252: {  	v44 =	vor.u32 v13, v9;
	v61 =	vor.u32 v11, v28;
	[tilespmem:v41+s19+$0x0] =	vst.idx.msk $0xffff, v58;
	v7 =	vld.idx.msk [tilespmem:v59+s16+$0x0], $0xffff  }
0x253: {  	v37 =	vadd.s32 v37, v6;
	v5 =	vor.u32 v13, v34;
	[tilespmem:v0+s19+$0x0] =	vst.idx.msk $0xffff, v1;
	v48 =	vld.idx.msk [tilespmem:v48+s16+$0x0], $0xffff  }
0x254: {  	v6 =	vadd.s32 v22, v37;
	v56 =	vor.u32 v15, v28;
	[tilespmem:v60+s19+$0x0] =	vst.idx.msk $0xffff, v43;
	v60 =	vld.idx.msk [tilespmem:v53+s16+$0x0], $0xffff  }
0x255: {  	v51 =	vor.u32 v13, v28;
	v42 =	vadd.s32 v26, v39;
	[tilespmem:v3+s19+$0x0] =	vst.idx.msk $0xffff, v2;
	v2 =	vld [tilespmem:$0x1FD50]  }
0x256: {  	v4 =	vadd.s32 v20, v39;
	v58 =	vadd.s32 v20, v27;
	v41 =	vadd.s32 v10, v30;
	v59 =	vld.idx.msk [tilespmem:v57+s16+$0x0], $0xffff  }
0x257: {  	v0 =	vor.u32 v13, v38;
	v29 =	vadd.s32 v26, v37;
	v57 =	vld.idx.msk [tilespmem:v61+s16+$0x0], $0xffff;
	[tilespmem:v52+s19+$0x0] =	vst.idx.msk $0xffff, v7  }
0x258: {  	p0 =	slt.u32 s29, $0x3C;
	v45 =	vor.u32 v15, v9;
	v53 =	vor.u32 v8, v23;
	v61 =	vadd.s32 v20, v35;
	v7 =	vld.idx.msk [tilespmem:v55+s16+$0x0], $0xffff  }
.Ltmp4:
0x259: {  	v49 =	vor.u32 v8, v49;
	v50 =	vadd.s32 v22, v33;
	v31 =	vadd.s32 v26, v33;
	(pc) =	sbr.rel @p0 .LBB2_11-.Ltmp4, $4  }
0x25a: {  	v43 =	vadd.s32 v14, v33;
	v63 =	vadd.s32 v14, v37;
	[tilespmem:v6+s19+$0x0] =	vst.idx.msk $0xffff, v62  }
0x25b: {  	v23 =	vmovc v9;
	v1 =	vadd.s32 v22, v32;
	v22 =	vmovc v24;
	v24 =	vmov v40;
	v40 =	vmov v47;
	v62 =	vld.idx.msk [tilespmem:v5+s16+$0x0], $0xffff  }
0x25c: {  	v52 =	vadd.s32 v20, v36;
	[tilespmem:v54+s19+$0x0] =	vst.idx.msk $0xffff, v59;
	v54 =	vor.u32 v8, v24;
	v59 =	vld.idx.msk [tilespmem:v0+s16+$0x0], $0xffff  }
0x25d: {  	s29 =	sadd.s32 $0x4, s29;
	v55 =	vor.u32 v8, v18;
	v0 =	vor.u32 v15, v34;
	[tilespmem:v4+s19+$0x0] =	vst.idx.msk $0xffff, v7;
	v47 =	vld.idx.msk [tilespmem:v2+s16+$0x0], $0xffff  }
0x25e: {  	_ =	sdelay $0x3  }
0x25f: {  	[tilespmem:v1+s19+$0x0] =	vst.idx.msk $0xffff, v57;
	v3 =	vadd.s32 v14, v30  }
0x260: {  	v2 =	vadd.s32 v14, v32;
	[tilespmem:v50+s19+$0x0] =	vst.idx.msk $0xffff, v46;
	v4 =	vor.u32 v15, v38;
	v1 =	vld.idx.msk [tilespmem:v51+s16+$0x0], $0xffff  }
0x261: {  	v5 =	vld.idx.msk [tilespmem:v44+s16+$0x0], $0xffff  }
0x262: {  	[tilespmem:v40+s19+$0x0] =	vst.idx.msk $0xffff, v60  }
0x263: {  	[tilespmem:v63+s19+$0x0] =	vst.idx.msk $0xffff, v62  }
0x264: {  	v0 =	vld.idx.msk [tilespmem:v0+s16+$0x0], $0xffff;
	[tilespmem:v3+s19+$0x0] =	vst.idx.msk $0xffff, v59  }
0x265: {  	v6 =	vadd.s32 v16, v30;
	[tilespmem:v2+s19+$0x0] =	vst.idx.msk $0xffff, v1;
	v4 =	vld.idx.msk [tilespmem:v4+s16+$0x0], $0xffff  }
0x266: {  	v51 =	vadd.s32 v16, v32;
	[tilespmem:v43+s19+$0x0] =	vst.idx.msk $0xffff, v5;
	v2 =	vld.idx.msk [tilespmem:v56+s16+$0x0], $0xffff  }
0x267: {  	[tilespmem:v61+s19+$0x0] =	vst.idx.msk $0xffff, v48;
	v59 =	vadd.s32 v16, v33;
	v8 =	vld.idx.msk [tilespmem:v45+s16+$0x0], $0xffff  }
0x268: {  	v9 =	vadd.s32 v16, v37;
	v11 =	vld [tilespmem:$0x1FDA0]  }
0x269: {  	v57 =	vor.u32 v17, v28  }
0x26a: {  	[tilespmem:v6+s19+$0x0] =	vst.idx.msk $0xffff, v4  }
0x26b: {  	[tilespmem:v51+s19+$0x0] =	vst.idx.msk $0xffff, v2  }
0x26c: {  	v7 =	vor.u32 v17, v38;
	v12 =	vld [tilespmem:$0x1FF20];
	[tilespmem:v59+s19+$0x0] =	vst.idx.msk $0xffff, v8  }
0x26d: {  	v60 =	vor.u32 v17, v23;
	v54 =	vld.idx.msk [tilespmem:v54+s16+$0x0], $0xffff;
	[tilespmem:v9+s19+$0x0] =	vst.idx.msk $0xffff, v0  }
0x26e: {  	v62 =	vor.u32 v17, v34;
	v2 =	vld.idx.msk [tilespmem:v57+s16+$0x0], $0xffff;
	[tilespmem:v52+s19+$0x0] =	vst.idx.msk $0xffff, v47  }
0x26f: {  	v63 =	vadd.s32 v19, v32;
	v13 =	vld [tilespmem:$0x1FFD0]  }
0x270: {  	v11 =	vld.idx.msk [tilespmem:v11+s16+$0x0], $0xffff  }
0x271: {  	v26 =	vadd.s32 v19, v30;
	v6 =	vld.idx.msk [tilespmem:v7+s16+$0x0], $0xffff;
	v20 =	vor.u32 v12, v28  }
0x272: {  	v50 =	vadd.s32 v19, v33;
	v51 =	vld.idx.msk [tilespmem:v60+s16+$0x0], $0xffff;
	v48 =	vor.u32 v12, v38  }
0x273: {  	v9 =	vadd.s32 v19, v37;
	v52 =	vld.idx.msk [tilespmem:v62+s16+$0x0], $0xffff;
	v8 =	vor.u32 v12, v23  }
0x274: {  	v45 =	vld.idx.msk [tilespmem:v49+s16+$0x0], $0xffff;
	v56 =	vor.u32 v12, v34;
	[tilespmem:v63+s19+$0x0] =	vst.idx.msk $0xffff, v2;
	v39 =	vadd.s32 v13, v39  }
0x275: {  	v57 =	vld.idx.msk [tilespmem:v55+s16+$0x0], $0xffff;
	[tilespmem:v58+s19+$0x0] =	vst.idx.msk $0xffff, v11;
	v11 =	vadd.s32 v13, v36  }
0x276: {  	[tilespmem:v26+s19+$0x0] =	vst.idx.msk $0xffff, v6;
	v58 =	vadd.s32 v10, v32;
	v2 =	vld.idx.msk [tilespmem:v20+s16+$0x0], $0xffff  }
0x277: {  	[tilespmem:v50+s19+$0x0] =	vst.idx.msk $0xffff, v51;
	v4 =	vld.idx.msk [tilespmem:v48+s16+$0x0], $0xffff  }
0x278: {  	v61 =	vadd.s32 v10, v33;
	[tilespmem:v9+s19+$0x0] =	vst.idx.msk $0xffff, v52;
	v62 =	vld.idx.msk [tilespmem:v8+s16+$0x0], $0xffff  }
0x279: {  	v8 =	vadd.s32 v10, v37;
	v9 =	vld.idx.msk [tilespmem:v56+s16+$0x0], $0xffff;
	[tilespmem:v39+s19+$0x0] =	vst.idx.msk $0xffff, v54  }
0x27a: {  	v46 =	vld.idx.msk [tilespmem:v53+s16+$0x0], $0xffff;
	v20 =	vadd.s32 v13, v35;
	[tilespmem:v11+s19+$0x0] =	vst.idx.msk $0xffff, v57  }
0x27b: {  	v10 =	vadd.s32 v13, v27;
	v11 =	vld [tilespmem:$0x1FFF0];
	[tilespmem:v58+s19+$0x0] =	vst.idx.msk $0xffff, v2  }
0x27c: {  	v15 =	vld [tilespmem:$0x1FF40];
	[tilespmem:v41+s19+$0x0] =	vst.idx.msk $0xffff, v4  }
0x27d: {  	v14 =	vld [tilespmem:$0x1FF50];
	[tilespmem:v61+s19+$0x0] =	vst.idx.msk $0xffff, v62  }
0x27e: {  	v59 =	vor.u32 v21, v28;
	[tilespmem:v8+s19+$0x0] =	vst.idx.msk $0xffff, v9  }
0x27f: {  	[tilespmem:v20+s19+$0x0] =	vst.idx.msk $0xffff, v45  }
0x280: {  	v60 =	vor.u32 v21, v38;
	[tilespmem:v10+s19+$0x0] =	vst.idx.msk $0xffff, v46  }
0x281: {  	v63 =	vor.u32 v21, v23;
	v10 =	vld [tilespmem:$0x1FD70]  }
0x282: {  	v21 =	vor.u32 v21, v34  }
0x283: {  	v2 =	vld.idx.msk [tilespmem:v59+s16+$0x0], $0xffff;
	v24 =	vor.u32 v11, v24;
	v47 =	vadd.s32 v15, v32;
	v49 =	vor.u32 v14, v28  }
0x284: {  	v51 =	vor.u32 v14, v38;
	v9 =	vor.u32 v14, v23;
	v26 =	vor.u32 v14, v34;
	v14 =	vld [tilespmem:$0x1FFE0]  }
0x285: {  	v0 =	vld.idx.msk [tilespmem:v60+s16+$0x0], $0xffff;
	v48 =	vadd.s32 v15, v30  }
0x286: {  	v7 =	vld.idx.msk [tilespmem:v63+s16+$0x0], $0xffff;
	v50 =	vadd.s32 v15, v33  }
0x287: {  	v52 =	vld.idx.msk [tilespmem:v21+s16+$0x0], $0xffff;
	v8 =	vadd.s32 v15, v37  }
0x288: {  	v24 =	vld.idx.msk [tilespmem:v24+s16+$0x0], $0xffff  }
0x289: {  	v54 =	vld.idx.msk [tilespmem:v10+s16+$0x0], $0xffff;
	[tilespmem:v47+s19+$0x0] =	vst.idx.msk $0xffff, v2;
	v53 =	vadd.s32 v14, v35  }
0x28a: {  	v57 =	vadd.s32 v13, v32;
	[tilespmem:v48+s19+$0x0] =	vst.idx.msk $0xffff, v0;
	v56 =	vld.idx.msk [tilespmem:v49+s16+$0x0], $0xffff  }
0x28b: {  	v59 =	vadd.s32 v13, v30;
	[tilespmem:v50+s19+$0x0] =	vst.idx.msk $0xffff, v7;
	v6 =	vld.idx.msk [tilespmem:v51+s16+$0x0], $0xffff  }
0x28c: {  	v60 =	vadd.s32 v13, v33;
	[tilespmem:v8+s19+$0x0] =	vst.idx.msk $0xffff, v52;
	v7 =	vld.idx.msk [tilespmem:v9+s16+$0x0], $0xffff  }
0x28d: {  	v8 =	vadd.s32 v13, v37;
	v9 =	vld.idx.msk [tilespmem:v26+s16+$0x0], $0xffff;
	[tilespmem:v42+s19+$0x0] =	vst.idx.msk $0xffff, v24  }
0x28e: {  	v10 =	vld [tilespmem:$0x1FD60];
	[tilespmem:v53+s19+$0x0] =	vst.idx.msk $0xffff, v54  }
0x28f: {  	[tilespmem:v57+s19+$0x0] =	vst.idx.msk $0xffff, v56  }
0x290: {  	[tilespmem:v59+s19+$0x0] =	vst.idx.msk $0xffff, v6  }
0x291: {  	[tilespmem:v60+s19+$0x0] =	vst.idx.msk $0xffff, v7  }
0x292: {  	[tilespmem:v8+s19+$0x0] =	vst.idx.msk $0xffff, v9  }
0x293: {  	v6 =	vld [tilespmem:$0x1FD80];
	_ =	sdelay $0x1  }
0x294: {  	v58 =	vor.u32 v11, v28  }
0x295: {  	v17 =	vld.idx.msk [tilespmem:v10+s16+$0x0], $0xffff;
	_ =	sdelay $0x2  }
0x296: {  	v55 =	vor.u32 v11, v18;
	v18 =	vor.u32 v11, v34  }
0x297: {  	v2 =	vld.idx.msk [tilespmem:v58+s16+$0x0], $0xffff  }
0x298: {  	v61 =	vadd.s32 v14, v32;
	v4 =	vld.idx.msk [tilespmem:v25+s16+$0x0], $0xffff;
	[tilespmem:v6+s19+$0x0] =	vst.idx.msk $0xffff, v17  }
0x299: {  	v62 =	vadd.s32 v14, v30;
	v7 =	vld [tilespmem:$0x1FD90]  }
0x29a: {  	v5 =	vld.idx.msk [tilespmem:v22+s16+$0x0], $0xffff  }
0x29b: {  	v63 =	vld.idx.msk [tilespmem:v18+s16+$0x0], $0xffff  }
0x29c: {  	v1 =	vld.idx.msk [tilespmem:v55+s16+$0x0], $0xffff  }
0x29d: {  	[tilespmem:v61+s19+$0x0] =	vst.idx.msk $0xffff, v2  }
0x29e: {  	s29 =	sshll.u32 s28, $0xA;
	[tilespmem:v62+s19+$0x0] =	vst.idx.msk $0xffff, v4  }
0x29f: {  	s0 =	sadd.s32 $0x400, s29;
	[tilespmem:v31+s19+$0x0] =	vst.idx.msk $0xffff, v5  }
0x2a0: {  	s0 =	sand.u32 $0x3FC00, s0;
	[tilespmem:v29+s19+$0x0] =	vst.idx.msk $0xffff, v63  }
0x2a1: {  	s20 =	sshll.u32 s28, $0x8;
	s1 =	sshll.u32 s28, $0x10;
	s0 =	sshrl.u32 s0, $0x2;
	[tilespmem:v7+s19+$0x0] =	vst.idx.msk $0xffff, v1  }
0x2a2: {  	[tilespmem:s16], [sflag:$0x1] =	stream.indirect.gather [hbm4b:s5+s15], $0x40, s0, s15, $0xb8;
	[tilespmem:$0xE800] =	vst v63  }
0x2a3: {  	s1 =	sand.u32 $0x7E0000, s1;
	s0 =	sand.u32 $0x100, s20  }
0x2a4: {  	s1 =	sadd.s32 s2, s1;
	s0 =	sor.u32 s4, s0  }
0x2a5: {  	s30 =	sadd.s32 s0, s1;
	s1 =	simm.s32 $0xA400  }
0x2a6: {  	[hbm4b:s30+s3] =	stream.linear.scatter [tilespmem:s1], [sflag:$0x3], $0x80, $0x38;
	[tilespmem:$0xE800] =	vst v63  }
0x2a7: {  	s12 =	simm.s32 $0xA488;
	s1 =	sadd.s32 $0x10, s30  }
0x2a8: {  	[hbm4b:s1+s3] =	stream.linear.scatter [tilespmem:s12], [sflag:$0x3], $0x80, $0x38;
	[tilespmem:$0xE800] =	vst v63  }
0x2a9: {  	s13 =	simm.s32 $0xA510;
	s20 =	sadd.s32 $0x20, s30  }
0x2aa: {  	[hbm4b:s20+s3] =	stream.linear.scatter [tilespmem:s13], [sflag:$0x3], $0x80, $0x38;
	[tilespmem:$0xE800] =	vst v63  }
0x2ab: {  	s1 =	simm.s32 $0xA598;
	s12 =	sadd.s32 $0x30, s30  }
0x2ac: {  	[hbm4b:s12+s3] =	stream.linear.scatter [tilespmem:s1], [sflag:$0x3], $0x80, $0x38;
	[tilespmem:$0xE800] =	vst v63  }
0x2ad: {  	s13 =	simm.s32 $0xA620;
	s20 =	sadd.s32 $0x40, s30  }
0x2ae: {  	[hbm4b:s20+s3] =	stream.linear.scatter [tilespmem:s13], [sflag:$0x3], $0x80, $0x38;
	[tilespmem:$0xE800] =	vst v63  }
0x2af: {  	s31 =	simm.s32 $0x440;
	s1 =	simm.s32 $0xA6A8;
	s12 =	sadd.s32 $0x50, s30  }
0x2b0: {  	[hbm4b:s12+s3] =	stream.linear.scatter [tilespmem:s1], [sflag:$0x3], $0x80, $0x38;
	[tilespmem:$0xE800] =	vst v63  }
0x2b1: {  	s0 =	sadd.s32 $0x4000, s30;
	s13 =	simm.s32 $0xA730;
	s20 =	sadd.s32 $0x60, s30  }
0x2b2: {  	[hbm4b:s20+s3] =	stream.linear.scatter [tilespmem:s13], [sflag:$0x3], $0x80, $0x38;
	[tilespmem:$0xE800] =	vst v63  }
0x2b3: {  	v10 =	vmov v11;
	v17 =	vmov v12;
	s1 =	simm.s32 $0x2200;
	s12 =	simm.s32 $0xA7B8;
	s13 =	sadd.s32 $0x70, s30  }
.LBB2_13:
0x2b4: {  	[hbm4b:s13+s3] =	stream.linear.scatter [tilespmem:s12], [sflag:$0x3], $0x80, $0x38;
	[tilespmem:$0xE800] =	vst v63  }
0x2b5: {  	s12 =	smov.u32 s31;
	s13 =	smov.u32 s1  }
0x2b6: {  	s20 =	sadd.s32 $0x1100, s1;
	s31 =	sshra.s32 s13, $0x2;
	s13 =	sadd.s32 $0xA400, s12  }
0x2b7: {  	[hbm4b:s0+s3] =	stream.linear.scatter [tilespmem:s13], [sflag:$0x3], $0x80, $0x38;
	[tilespmem:$0xE800] =	vst v63  }
0x2b8: {  	p0 =	sne.s32 s1, $0x7700;
	s1 =	sadd.s32 $0xA488, s12;
	s13 =	sadd.s32 $0x10, s0  }
0x2b9: {  	[hbm4b:s13+s3] =	stream.linear.scatter [tilespmem:s1], [sflag:$0x3], $0x80, $0x38;
	[tilespmem:$0xE800] =	vst v63  }
0x2ba: {  	s1 =	sadd.s32 $0xA510, s12;
	s13 =	sadd.s32 $0x20, s0  }
0x2bb: {  	[hbm4b:s13+s3] =	stream.linear.scatter [tilespmem:s1], [sflag:$0x3], $0x80, $0x38;
	[tilespmem:$0xE800] =	vst v63  }
0x2bc: {  	s1 =	sadd.s32 $0xA598, s12;
	s13 =	sadd.s32 $0x30, s0  }
0x2bd: {  	[hbm4b:s13+s3] =	stream.linear.scatter [tilespmem:s1], [sflag:$0x3], $0x80, $0x38;
	[tilespmem:$0xE800] =	vst v63  }
0x2be: {  	s1 =	sadd.s32 $0xA620, s12;
	s13 =	sadd.s32 $0x40, s0  }
0x2bf: {  	[hbm4b:s13+s3] =	stream.linear.scatter [tilespmem:s1], [sflag:$0x3], $0x80, $0x38;
	[tilespmem:$0xE800] =	vst v63  }
.Ltmp5:
0x2c0: {  	s1 =	sadd.s32 $0xA6A8, s12;
	s13 =	sadd.s32 $0x50, s0;
	(pc) =	sbr.rel @p0 .LBB2_13-.Ltmp5, $4  }
0x2c1: {  	[hbm4b:s13+s3] =	stream.linear.scatter [tilespmem:s1], [sflag:$0x3], $0x80, $0x38;
	[tilespmem:$0xE800] =	vst v63  }
0x2c2: {  	s1 =	sadd.s32 $0xA730, s12;
	s13 =	sadd.s32 $0x60, s0;
	s12 =	sadd.s32 $0xA7B8, s12  }
0x2c3: {  	[hbm4b:s13+s3] =	stream.linear.scatter [tilespmem:s1], [sflag:$0x3], $0x80, $0x38;
	[tilespmem:$0xE800] =	vst v63  }
0x2c4: {  	s13 =	sadd.s32 $0x70, s0;
	s0 =	sadd.s32 $0x4000, s0;
	s1 =	smov.u32 s20  }
0x2c5: {  	[hbm4b:s13+s3] =	stream.linear.scatter [tilespmem:s12], [sflag:$0x3], $0x80, $0x38;
	[tilespmem:$0xE800] =	vst v63  }
0x2c6: {  	s1 =	sadd.s32 $0xA400, s31  }
0x2c7: {  	[hbm4b:s0+s3] =	stream.linear.scatter [tilespmem:s1], [sflag:$0x3], $0x80, $0x38;
	[tilespmem:$0xE800] =	vst v63  }
0x2c8: {  	s13 =	sadd.s32 $0xA488, s31;
	s20 =	sadd.s32 $0x10, s0  }
0x2c9: {  	[hbm4b:s20+s3] =	stream.linear.scatter [tilespmem:s13], [sflag:$0x3], $0x80, $0x38;
	[tilespmem:$0xE800] =	vst v63  }
0x2ca: {  	s13 =	sadd.s32 $0xA510, s31;
	s20 =	sadd.s32 $0x20, s0  }
0x2cb: {  	[hbm4b:s20+s3] =	stream.linear.scatter [tilespmem:s13], [sflag:$0x3], $0x80, $0x38;
	[tilespmem:$0xE800] =	vst v63  }
0x2cc: {  	s13 =	sadd.s32 $0xA598, s31;
	s20 =	sadd.s32 $0x30, s0  }
0x2cd: {  	[hbm4b:s20+s3] =	stream.linear.scatter [tilespmem:s13], [sflag:$0x3], $0x80, $0x38;
	[tilespmem:$0xE800] =	vst v63  }
0x2ce: {  	v21 =	vld [tilespmem:$0x1FF00];
	s13 =	sadd.s32 $0xA620, s31;
	s20 =	sadd.s32 $0x40, s0  }
0x2cf: {  	[hbm4b:s20+s3] =	stream.linear.scatter [tilespmem:s13], [sflag:$0x3], $0x80, $0x38;
	[tilespmem:$0xE800] =	vst v63  }
0x2d0: {  	s13 =	sadd.s32 $0xA6A8, s31;
	s20 =	sadd.s32 $0x50, s0  }
0x2d1: {  	[hbm4b:s20+s3] =	stream.linear.scatter [tilespmem:s13], [sflag:$0x3], $0x80, $0x38;
	[tilespmem:$0xE800] =	vst v63  }
0x2d2: {  	v62 =	vld [tilespmem:$0x1FF60];
	s13 =	simm.s32 $0x0  }
0x2d3: {  	s20 =	simm.s32 $0x1;
	v0 =	vadd.s32 s13, v21  }
0x2d4: {  	v1 =	vadd.s32 s20, v21;
	s20 =	simm.s32 $0x2;
	v2 =	vand.u32 $0x7, v0  }
0x2d5: {  	s12 =	sadd.s32 $0xA730, s31;
	s13 =	sadd.s32 $0x60, s0;
	v3 =	vadd.s32 s20, v21;
	v18 =	vand.u32 $0x3F, v1;
	v4 =	vshrl.u32 v0, $0x3  }
0x2d6: {  	[hbm4b:s13+s3] =	stream.linear.scatter [tilespmem:s12], [sflag:$0x3], $0x80, $0x38;
	v7 =	vand.u32 $0x7, v1;
	v47 =	vand.u32 $0x3F, v0;
	v1 =	vshrl.u32 v1, $0x3;
	[tilespmem:$0xE800] =	vst v63  }
0x2d7: {  	s12 =	sadd.s32 $0xA7B8, s31;
	s13 =	sadd.s32 $0x70, s0;
	s20 =	simm.s32 $0x3;
	v2 =	vmul.u32 $0x88, v2;
	v41 =	vand.u32 $0x3F, v3;
	v5 =	vor.u32 v62, v18  }
0x2d8: {  	v8 =	vshrl.u32 v3, $0x3;
	v0 =	vand.u32 $0x7, v3;
	[hbm4b:s13+s3] =	stream.linear.scatter [tilespmem:s12], [sflag:$0x3], $0x80, $0x38;
	v9 =	vor.u32 v10, v41;
	[tilespmem:$0xE800] =	vst v63  }
0x2d9: {  	v3 =	vadd.s32 s20, v21;
	v7 =	vmul.u32 $0x88, v7;
	v1 =	vand.u32 $0x7, v1;
	[tilespmem:$0x1FD00] =	vst v9  }
0x2da: {  	v4 =	vand.u32 $0x7, v4;
	v24 =	vand.u32 $0x3F, v3;
	v8 =	vand.u32 $0x7, v8;
	_ =	swait.ge [sflag:s21], $0x2000  }
0x2db: {  	v0 =	vmul.u32 $0x88, v0;
	v1 =	vmul.u32 $0x440, v1;
	v20 =	vshrl.u32 v3, $0x3;
	[sflag:s21] =	ssyncset.done $0x0  }
0x2dc: {  	v3 =	vand.u32 $0x7, v3;
	v4 =	vmul.u32 $0x440, v4;
	v9 =	vor.u32 v62, v47;
	[sflag:s21] =	ssyncadd.s32 $0xFFFFE000  }
0x2dd: {  	v19 =	vor.u32 v62, v24;
	v20 =	vand.u32 $0x7, v20;
	v3 =	vmul.u32 $0x88, v3;
	_ =	swait.ge [sflag:s25], $0x2000  }
0x2de: {  	v54 =	vmul.u32 $0x440, v8;
	v36 =	vadd.s32 v7, v1;
	v1 =	vmul.u32 $0x440, v20;
	[sflag:s25] =	ssyncset.done $0x0  }
0x2df: {  	v20 =	vlaneseq.u32;
	v35 =	vadd.s32 v2, v4;
	v2 =	vor.u32 v10, v47;
	[sflag:s25] =	ssyncadd.s32 $0xFFFFE000  }
0x2e0: {  	v8 =	vadd.s32 v20, v36;
	v5 =	vld.idx.msk [tilespmem:v5+s17+$0x0], $0xffff;
	[tilespmem:$0x1FD10] =	vst v2  }
0x2e1: {  	v27 =	vadd.s32 v0, v54;
	v39 =	vadd.s32 v3, v1;
	v1 =	vadd.s32 v20, v35;
	v2 =	vld.idx.msk [tilespmem:v9+s17+$0x0], $0xffff  }
0x2e2: {  	v16 =	vmov v10;
	v10 =	vadd.s32 v14, v27;
	v55 =	vadd.s32 v20, v39;
	v0 =	vld.idx.msk [tilespmem:v19+s17+$0x0], $0xffff  }
0x2e3: {  	v13 =	vld [tilespmem:$0x1FF70];
	[tilespmem:$0x1FD20] =	vst v10;
	v10 =	vadd.s32 v14, v36  }
0x2e4: {  	v12 =	vld [tilespmem:$0x1FF80];
	[tilespmem:$0x1FD30] =	vst v10  }
0x2e5: {  	v6 =	vor.u32 v62, v41;
	v15 =	vld [tilespmem:$0x1FF90];
	[tilespmem:v8+s22+$0x0] =	vst.idx.msk $0xffff, v5  }
0x2e6: {  	[tilespmem:v1+s22+$0x0] =	vst.idx.msk $0xffff, v2  }
0x2e7: {  	v11 =	vld [tilespmem:$0x1FFC0];
	[tilespmem:v55+s22+$0x0] =	vst.idx.msk $0xffff, v0  }
0x2e8: {  	v60 =	vor.u32 v13, v24;
	v2 =	vld [tilespmem:$0x1FF30];
	_ =	sdelay $0x1  }
0x2e9: {  	v9 =	vadd.s32 v20, v27;
	v6 =	vld.idx.msk [tilespmem:v6+s17+$0x0], $0xffff;
	v61 =	vor.u32 v13, v47;
	_ =	sdelay $0x2  }
0x2ea: {  	v22 =	vor.u32 v13, v18;
	v0 =	vld.idx.msk [tilespmem:v60+s17+$0x0], $0xffff;
	v10 =	vor.u32 v2, v18  }
0x2eb: {  	v19 =	vmov v14;
	v3 =	vor.u32 v13, v41;
	v63 =	vadd.s32 v12, v39;
	v14 =	vld [tilespmem:$0x1FF10];
	[tilespmem:$0x1FD40] =	vst v10  }
0x2ec: {  	v23 =	vor.u32 v15, v24;
	[tilespmem:v9+s22+$0x0] =	vst.idx.msk $0xffff, v6;
	v5 =	vld.idx.msk [tilespmem:v61+s17+$0x0], $0xffff  }
0x2ed: {  	v29 =	vadd.s32 v12, v35;
	v10 =	vld [tilespmem:$0x1FFA0]  }
0x2ee: {  	v30 =	vor.u32 v15, v47  }
0x2ef: {  	v48 =	vor.u32 v17, v24;
	v1 =	vadd.s32 v12, v36;
	v22 =	vld.idx.msk [tilespmem:v22+s17+$0x0], $0xffff  }
0x2f0: {  	v25 =	vadd.s32 v12, v27;
	v8 =	vor.u32 v15, v18;
	[tilespmem:v63+s22+$0x0] =	vst.idx.msk $0xffff, v0;
	v3 =	vld.idx.msk [tilespmem:v3+s17+$0x0], $0xffff  }
0x2f1: {  	s1 =	simm.s32 $0x4;
	v31 =	vadd.s32 v14, v36;
	v37 =	vadd.s32 v14, v27;
	v33 =	vadd.s32 v14, v39;
	v38 =	vld.idx.msk [tilespmem:v23+s17+$0x0], $0xffff  }
0x2f2: {  	v50 =	vadd.s32 s1, v21;
	s13 =	simm.s32 $0x6;
	v45 =	vadd.s32 v14, v35;
	v14 =	vld [tilespmem:$0x1FFB0];
	[tilespmem:v29+s22+$0x0] =	vst.idx.msk $0xffff, v5;
	v44 =	vor.u32 v10, v24  }
0x2f3: {  	s20 =	simm.s32 $0x7;
	v51 =	vadd.s32 s13, v21;
	v28 =	vor.u32 v15, v41;
	v59 =	vadd.s32 v11, v35;
	v29 =	vld.idx.msk [tilespmem:v30+s17+$0x0], $0xffff  }
0x2f4: {  	v60 =	vadd.s32 s20, v21;
	v42 =	vadd.s32 v11, v39;
	v49 =	vadd.s32 v11, v36;
	[tilespmem:v1+s22+$0x0] =	vst.idx.msk $0xffff, v22  }
0x2f5: {  	v6 =	vor.u32 v17, v47;
	v9 =	vor.u32 v17, v18;
	v46 =	vor.u32 v10, v47;
	v8 =	vld.idx.msk [tilespmem:v8+s17+$0x0], $0xffff  }
0x2f6: {  	v23 =	vand.u32 $0x7, v50;
	v32 =	vor.u32 v10, v18;
	v43 =	vor.u32 v10, v41;
	[tilespmem:v33+s22+$0x0] =	vst.idx.msk $0xffff, v38  }
0x2f7: {  	s12 =	simm.s32 $0x5;
	v1 =	vshrl.u32 v50, $0x3;
	[tilespmem:v25+s22+$0x0] =	vst.idx.msk $0xffff, v3;
	v5 =	vadd.s32 v14, v39;
	v38 =	vand.u32 $0x3F, v50;
	v50 =	vld.idx.msk [tilespmem:v44+s17+$0x0], $0xffff  }
0x2f8: {  	v30 =	vadd.s32 s12, v21;
	v3 =	vand.u32 $0x7, v51;
	v52 =	vadd.s32 v14, v35;
	[tilespmem:v45+s22+$0x0] =	vst.idx.msk $0xffff, v29;
	v29 =	vld.idx.msk [tilespmem:v28+s17+$0x0], $0xffff  }
0x2f9: {  	v34 =	vand.u32 $0x3F, v30;
	v58 =	vand.u32 $0x7, v30;
	v33 =	vshrl.u32 v51, $0x3  }
0x2fa: {  	v56 =	vor.u32 v62, v34;
	v33 =	vand.u32 $0x7, v33;
	v45 =	vmul.u32 $0x88, v58;
	[tilespmem:v31+s22+$0x0] =	vst.idx.msk $0xffff, v8;
	v58 =	vld.idx.msk [tilespmem:v46+s17+$0x0], $0xffff  }
0x2fb: {  	v53 =	vadd.s32 v14, v36;
	v3 =	vmul.u32 $0x88, v3;
	v33 =	vmul.u32 $0x440, v33;
	v31 =	vld.idx.msk [tilespmem:v32+s17+$0x0], $0xffff  }
0x2fc: {  	v55 =	vmul.u32 $0x88, v23;
	v30 =	vshrl.u32 v30, $0x3;
	v8 =	vand.u32 $0x7, v60;
	[tilespmem:v5+s22+$0x0] =	vst.idx.msk $0xffff, v50  }
0x2fd: {  	v33 =	vadd.s32 v3, v33;
	v3 =	vand.u32 $0x7, v30;
	v5 =	vmul.u32 $0x88, v8;
	[tilespmem:v37+s22+$0x0] =	vst.idx.msk $0xffff, v29;
	v8 =	vld.idx.msk [tilespmem:v48+s17+$0x0], $0xffff  }
0x2fe: {  	v23 =	vand.u32 $0x3F, v51;
	v61 =	vor.u32 v62, v38;
	v3 =	vmul.u32 $0x440, v3;
	v48 =	vld.idx.msk [tilespmem:v43+s17+$0x0], $0xffff  }
0x2ff: {  	v1 =	vand.u32 $0x7, v1;
	v54 =	vadd.s32 v14, v27;
	v29 =	vshrl.u32 v60, $0x3;
	[tilespmem:v52+s22+$0x0] =	vst.idx.msk $0xffff, v58;
	v58 =	vld.idx.msk [tilespmem:v56+s17+$0x0], $0xffff  }
0x300: {  	v1 =	vmul.u32 $0x440, v1;
	v37 =	vadd.s32 v45, v3;
	v29 =	vand.u32 $0x7, v29;
	[tilespmem:v53+s22+$0x0] =	vst.idx.msk $0xffff, v31;
	v6 =	vld.idx.msk [tilespmem:v6+s17+$0x0], $0xffff  }
0x301: {  	v57 =	vor.u32 v62, v23;
	v53 =	vadd.s32 v20, v37;
	v3 =	vmul.u32 $0x440, v29;
	v9 =	vld.idx.msk [tilespmem:v9+s17+$0x0], $0xffff  }
0x302: {  	v22 =	vor.u32 v16, v23;
	v25 =	vor.u32 v16, v38;
	v30 =	vadd.s32 v55, v1;
	v16 =	vld [tilespmem:$0x1FF40]  }
0x303: {  	v31 =	vadd.s32 v5, v3;
	v3 =	vld.idx.msk [tilespmem:v61+s17+$0x0], $0xffff;
	[tilespmem:v42+s22+$0x0] =	vst.idx.msk $0xffff, v8;
	v8 =	vadd.s32 v20, v30  }
0x304: {  	[tilespmem:v54+s22+$0x0] =	vst.idx.msk $0xffff, v48  }
0x305: {  	v0 =	vor.u32 v2, v24;
	v28 =	vand.u32 $0x3F, v60;
	[tilespmem:v59+s22+$0x0] =	vst.idx.msk $0xffff, v6  }
0x306: {  	v7 =	vor.u32 v17, v41;
	v62 =	vor.u32 v62, v28;
	v17 =	vld [tilespmem:$0x1FF50];
	[tilespmem:v53+s22+$0x0] =	vst.idx.msk $0xffff, v58  }
0x307: {  	[tilespmem:v49+s22+$0x0] =	vst.idx.msk $0xffff, v9  }
0x308: {  	v4 =	vor.u32 v2, v47;
	v46 =	vld.idx.msk [tilespmem:v57+s17+$0x0], $0xffff;
	[tilespmem:v8+s22+$0x0] =	vst.idx.msk $0xffff, v3  }
0x309: {  	v40 =	vadd.s32 v11, v27;
	v63 =	vor.u32 v13, v34;
	v3 =	vld [tilespmem:$0x1FD40]  }
0x30a: {  	v26 =	vor.u32 v2, v41;
	v5 =	vadd.s32 v16, v39;
	v2 =	vld.idx.msk [tilespmem:v0+s17+$0x0], $0xffff;
	v0 =	vor.u32 v13, v38  }
0x30b: {  	v44 =	vor.u32 v13, v23;
	v51 =	vor.u32 v13, v28;
	v32 =	vadd.s32 v19, v33;
	v57 =	vld.idx.msk [tilespmem:v62+s17+$0x0], $0xffff  }
0x30c: {  	v50 =	vadd.s32 v20, v33;
	v45 =	vor.u32 v15, v23;
	v43 =	vadd.s32 v12, v33;
	v60 =	vld.idx.msk [tilespmem:v7+s17+$0x0], $0xffff  }
0x30d: {  	v56 =	vor.u32 v15, v28;
	v29 =	vadd.s32 v19, v37;
	v1 =	vadd.s32 v20, v31;
	v48 =	vld.idx.msk [tilespmem:v4+s17+$0x0], $0xffff  }
0x30e: {  	v42 =	vadd.s32 v19, v39;
	v52 =	vadd.s32 v16, v36;
	v61 =	vadd.s32 v16, v35;
	v62 =	vld.idx.msk [tilespmem:v63+s17+$0x0], $0xffff  }
0x30f: {  	v58 =	vadd.s32 v16, v27;
	v63 =	vadd.s32 v12, v37;
	v59 =	vld.idx.msk [tilespmem:v0+s17+$0x0], $0xffff;
	[tilespmem:v5+s22+$0x0] =	vst.idx.msk $0xffff, v2  }
0x310: {  	v0 =	vor.u32 v15, v34;
	v55 =	vor.u32 v17, v18;
	v53 =	vor.u32 v17, v41;
	v19 =	vld [tilespmem:$0x1FFD0]  }
0x311: {  	s31 =	simm.s32 $0x8;
	v54 =	vor.u32 v17, v24;
	v49 =	vor.u32 v17, v47;
	v41 =	vadd.s32 v11, v30;
	v47 =	vld.idx.msk [tilespmem:v3+s17+$0x0], $0xffff  }
.LBB2_15:
0x312: {  	v12 =	vld [tilespmem:$0x1FF80]  }
0x313: {  	v21 =	vld [tilespmem:$0x1FFE0]  }
0x314: {  	v20 =	vld [tilespmem:$0x1FFF0];
	_ =	sdelay $0x1  }
0x315: {  	[tilespmem:v1+s22+$0x0] =	vst.idx.msk $0xffff, v57  }
0x316: {  	v6 =	vld.idx.msk [tilespmem:v51+s17+$0x0], $0xffff;
	[tilespmem:v61+s22+$0x0] =	vst.idx.msk $0xffff, v48;
	v9 =	vadd.s32 v12, v31  }
0x317: {  	v7 =	vadd.s32 v19, v35;
	[tilespmem:v63+s22+$0x0] =	vst.idx.msk $0xffff, v62;
	v61 =	vld [tilespmem:$0x1FF20]  }
0x318: {  	v2 =	vadd.s32 v21, v35;
	v5 =	vor.u32 v20, v24;
	v24 =	vld.idx.msk [tilespmem:v54+s17+$0x0], $0xffff;
	v35 =	vadd.s32 v19, v39  }
0x319: {  	[tilespmem:v40+s22+$0x0] =	vst.idx.msk $0xffff, v60;
	v40 =	vld [tilespmem:$0x1FF30]  }
0x31a: {  	v0 =	vld.idx.msk [tilespmem:v0+s17+$0x0], $0xffff  }
0x31b: {  	v4 =	vld.idx.msk [tilespmem:v26+s17+$0x0], $0xffff;
	[tilespmem:v9+s22+$0x0] =	vst.idx.msk $0xffff, v6  }
0x31c: {  	v6 =	vld.idx.msk [tilespmem:v56+s17+$0x0], $0xffff  }
0x31d: {  	v8 =	vadd.s32 v19, v27;
	[tilespmem:v35+s22+$0x0] =	vst.idx.msk $0xffff, v24;
	v24 =	vld [tilespmem:$0x1FD10]  }
0x31e: {  	v3 =	vor.u32 v20, v18;
	v18 =	vmov v34;
	v27 =	vadd.s32 v12, v30;
	v34 =	vld.idx.msk [tilespmem:v49+s17+$0x0], $0xffff  }
0x31f: {  	v1 =	vadd.s32 v19, v36;
	v36 =	vor.u32 v15, v38;
	[tilespmem:v52+s22+$0x0] =	vst.idx.msk $0xffff, v47;
	v54 =	vld [tilespmem:$0x1FF10]  }
0x320: {  	[tilespmem:v50+s22+$0x0] =	vst.idx.msk $0xffff, v46;
	v46 =	vld.idx.msk [tilespmem:v55+s17+$0x0], $0xffff  }
0x321: {  	v11 =	vld [tilespmem:$0x1FFC0]  }
0x322: {  	v16 =	vld [tilespmem:$0x1FF00];
	[tilespmem:v58+s22+$0x0] =	vst.idx.msk $0xffff, v4  }
0x323: {  	[tilespmem:v27+s22+$0x0] =	vst.idx.msk $0xffff, v59;
	v51 =	vld.idx.msk [tilespmem:v53+s17+$0x0], $0xffff  }
0x324: {  	v49 =	vmov v38;
	v60 =	vor.u32 v61, v38;
	v36 =	vld.idx.msk [tilespmem:v36+s17+$0x0], $0xffff;
	[tilespmem:v7+s22+$0x0] =	vst.idx.msk $0xffff, v34  }
0x325: {  	v48 =	vor.u32 v40, v38;
	v38 =	vadd.s32 v54, v31;
	[tilespmem:v1+s22+$0x0] =	vst.idx.msk $0xffff, v46;
	v46 =	vld.idx.msk [tilespmem:v24+s17+$0x0], $0xffff  }
0x326: {  	v35 =	vadd.s32 v54, v30;
	v24 =	vld [tilespmem:$0x1FD00]  }
0x327: {  	s0 =	smov.u32 s31  }
0x328: {  	s1 =	sadd.s32 $0x1, s0;
	v39 =	vadd.s32 v54, v37;
	v50 =	vadd.s32 v54, v33;
	v9 =	vor.u32 v10, v28  }
0x329: {  	v1 =	vor.u32 v10, v49;
	v44 =	vld.idx.msk [tilespmem:v44+s17+$0x0], $0xffff;
	[tilespmem:v8+s22+$0x0] =	vst.idx.msk $0xffff, v51;
	v51 =	vadd.s32 s1, v16  }
0x32a: {  	v54 =	vadd.s32 v11, v37;
	v5 =	vld.idx.msk [tilespmem:v5+s17+$0x0], $0xffff;
	[tilespmem:v38+s22+$0x0] =	vst.idx.msk $0xffff, v6;
	v38 =	vmov v25;
	v25 =	vand.u32 $0x7, v51  }
0x32b: {  	v7 =	vadd.s32 v14, v37;
	[tilespmem:v35+s22+$0x0] =	vst.idx.msk $0xffff, v36;
	v36 =	vmov v37;
	v37 =	vmul.u32 $0x88, v25;
	v25 =	vld [tilespmem:$0x1FD20]  }
0x32c: {  	v3 =	vld.idx.msk [tilespmem:v3+s17+$0x0], $0xffff  }
0x32d: {  	v8 =	vadd.s32 s0, v16;
	v9 =	vld.idx.msk [tilespmem:v9+s17+$0x0], $0xffff  }
0x32e: {  	v52 =	vadd.s32 v11, v31;
	v27 =	vmov v22;
	[tilespmem:v39+s22+$0x0] =	vst.idx.msk $0xffff, v0;
	v22 =	vand.u32 $0x7, v8;
	v39 =	vld.idx.msk [tilespmem:v24+s17+$0x0], $0xffff  }
0x32f: {  	v57 =	vor.u32 v61, v18;
	v26 =	vor.u32 v40, v23;
	[tilespmem:$0x1FD10] =	vst v38;
	v6 =	vmul.u32 $0x88, v22;
	v22 =	vld [tilespmem:$0x1FF60]  }
0x330: {  	s12 =	sadd.s32 $0x2, s0;
	v47 =	vor.u32 v40, v18;
	v59 =	vadd.s32 v14, v30;
	[tilespmem:v42+s22+$0x0] =	vst.idx.msk $0xffff, v5;
	v1 =	vld.idx.msk [tilespmem:v1+s17+$0x0], $0xffff  }
0x331: {  	v62 =	vadd.s32 s12, v16;
	v55 =	vor.u32 v40, v28;
	v4 =	vor.u32 v10, v18;
	[tilespmem:v2+s22+$0x0] =	vst.idx.msk $0xffff, v46  }
0x332: {  	v63 =	vand.u32 $0x3F, v62;
	v53 =	vor.u32 v61, v23;
	v56 =	vor.u32 v61, v28;
	[tilespmem:v43+s22+$0x0] =	vst.idx.msk $0xffff, v44  }
0x333: {  	v61 =	vadd.s32 v14, v31;
	v38 =	vand.u32 $0x3F, v8;
	v35 =	vld.idx.msk [tilespmem:v45+s17+$0x0], $0xffff;
	[tilespmem:v25+s22+$0x0] =	vst.idx.msk $0xffff, v39;
	v25 =	vmov v32  }
0x334: {  	v42 =	vor.u32 v22, v63;
	v44 =	vor.u32 v20, v63;
	[tilespmem:$0x1FD20] =	vst v25;
	v25 =	vor.u32 v20, v38;
	v20 =	vld [tilespmem:$0x1FD30]  }
0x335: {  	v40 =	vadd.s32 v11, v33;
	v58 =	vor.u32 v10, v23;
	[tilespmem:v59+s22+$0x0] =	vst.idx.msk $0xffff, v1  }
0x336: {  	v49 =	vor.u32 v17, v49;
	v0 =	vadd.s32 v14, v33;
	v2 =	vor.u32 v22, v38;
	v60 =	vld.idx.msk [tilespmem:v60+s17+$0x0], $0xffff  }
0x337: {  	s0 =	sadd.s32 $0x3, s0;
	v4 =	vld.idx.msk [tilespmem:v4+s17+$0x0], $0xffff;
	v34 =	vand.u32 $0x3F, v51;
	v5 =	vshrl.u32 v8, $0x3;
	v8 =	vand.u32 $0x7, v62;
	[tilespmem:$0x1FD00] =	vst v27  }
0x338: {  	v27 =	vmovc v33;
	[tilespmem:v61+s22+$0x0] =	vst.idx.msk $0xffff, v9;
	v9 =	vshrl.u32 v51, $0x3;
	v33 =	vor.u32 v22, v34;
	v45 =	vadd.s32 s0, v16;
	v16 =	vld [tilespmem:$0x1FF40]  }
0x339: {  	v8 =	vmul.u32 $0x88, v8;
	v5 =	vand.u32 $0x7, v5;
	v9 =	vand.u32 $0x7, v9;
	v46 =	vld.idx.msk [tilespmem:v42+s17+$0x0], $0xffff;
	[tilespmem:v50+s22+$0x0] =	vst.idx.msk $0xffff, v35  }
0x33a: {  	v9 =	vmul.u32 $0x440, v9;
	v59 =	vor.u32 v13, v34;
	v43 =	vshrl.u32 v62, $0x3;
	v1 =	vld.idx.msk [tilespmem:v58+s17+$0x0], $0xffff  }
0x33b: {  	v5 =	vmul.u32 $0x440, v5;
	v24 =	vmovc v28;
	v62 =	vand.u32 $0x7, v43;
	v28 =	vand.u32 $0x3F, v45;
	v2 =	vld.idx.msk [tilespmem:v2+s17+$0x0], $0xffff;
	[tilespmem:v41+s22+$0x0] =	vst.idx.msk $0xffff, v60  }
0x33c: {  	v37 =	vadd.s32 v37, v9;
	v51 =	vor.u32 v13, v28;
	[tilespmem:v20+s22+$0x0] =	vst.idx.msk $0xffff, v3;
	v3 =	vmul.u32 $0x440, v62  }
0x33d: {  	v42 =	vor.u32 v22, v28;
	v22 =	vmovc v44;
	v44 =	vor.u32 v13, v63;
	v35 =	vmov v30;
	v61 =	vld.idx.msk [tilespmem:v33+s17+$0x0], $0xffff  }
0x33e: {  	v30 =	vadd.s32 v6, v5;
	v58 =	vadd.s32 v16, v27;
	v33 =	vadd.s32 v8, v3;
	v8 =	vld.idx.msk [tilespmem:v56+s17+$0x0], $0xffff  }
0x33f: {  	v39 =	vand.u32 $0x7, v45;
	v41 =	vadd.s32 v11, v30;
	[tilespmem:v0+s22+$0x0] =	vst.idx.msk $0xffff, v1;
	v20 =	vmovc v29;
	v29 =	vshrl.u32 v45, $0x3  }
0x340: {  	v0 =	vor.u32 v13, v38;
	[tilespmem:$0x1FD30] =	vst v20;
	v20 =	vlaneseq.u32;
	v45 =	vand.u32 $0x7, v29  }
0x341: {  	v60 =	vld.idx.msk [tilespmem:v53+s17+$0x0], $0xffff;
	[tilespmem:v7+s22+$0x0] =	vst.idx.msk $0xffff, v4;
	v3 =	vmul.u32 $0x88, v39;
	v4 =	vadd.s32 v20, v37;
	v62 =	vmul.u32 $0x440, v45  }
0x342: {  	v53 =	vor.u32 v17, v23;
	v29 =	vadd.s32 v21, v37;
	v39 =	vmov v31;
	v9 =	vld.idx.msk [tilespmem:v57+s17+$0x0], $0xffff  }
0x343: {  	v57 =	vld.idx.msk [tilespmem:v42+s17+$0x0], $0xffff;
	v31 =	vadd.s32 v3, v62;
	v3 =	vadd.s32 v20, v30;
	[tilespmem:v52+s22+$0x0] =	vst.idx.msk $0xffff, v8  }
0x344: {  	p0 =	slt.u32 s31, $0x3C;
	v56 =	vor.u32 v15, v28;
	v45 =	vor.u32 v15, v63;
	v5 =	vadd.s32 v16, v39;
	v6 =	vld.idx.msk [tilespmem:v55+s17+$0x0], $0xffff  }
.Ltmp6:
0x345: {  	v23 =	vmovc v63;
	v63 =	vadd.s32 v12, v37;
	v50 =	vadd.s32 v20, v33;
	v32 =	vadd.s32 v21, v33;
	(pc) =	sbr.rel @p0 .LBB2_15-.Ltmp6, $4  }
0x346: {  	v48 =	vld.idx.msk [tilespmem:v48+s17+$0x0], $0xffff;
	v43 =	vadd.s32 v12, v33;
	v42 =	vadd.s32 v21, v39;
	[tilespmem:v4+s22+$0x0] =	vst.idx.msk $0xffff, v61  }
0x347: {  	v1 =	vadd.s32 v20, v31;
	v52 =	vadd.s32 v16, v36;
	v62 =	vld.idx.msk [tilespmem:v59+s17+$0x0], $0xffff;
	[tilespmem:v54+s22+$0x0] =	vst.idx.msk $0xffff, v9  }
0x348: {  	v61 =	vadd.s32 v16, v35;
	v55 =	vor.u32 v17, v18;
	[tilespmem:v3+s22+$0x0] =	vst.idx.msk $0xffff, v2;
	v47 =	vld.idx.msk [tilespmem:v47+s17+$0x0], $0xffff  }
0x349: {  	s31 =	sadd.s32 $0x4, s31;
	v54 =	vor.u32 v17, v24;
	v59 =	vld.idx.msk [tilespmem:v0+s17+$0x0], $0xffff;
	v0 =	vor.u32 v15, v34;
	[tilespmem:v5+s22+$0x0] =	vst.idx.msk $0xffff, v6  }
0x34a: {  	_ =	sdelay $0x3  }
0x34b: {  	[tilespmem:v1+s22+$0x0] =	vst.idx.msk $0xffff, v57  }
0x34c: {  	v13 =	vld [tilespmem:$0x1FF80];
	_ =	sdelay $0x4  }
0x34d: {  	v1 =	vld.idx.msk [tilespmem:v51+s17+$0x0], $0xffff;
	v2 =	vadd.s32 v13, v31;
	_ =	sdelay $0x3  }
0x34e: {  	[tilespmem:v50+s22+$0x0] =	vst.idx.msk $0xffff, v46  }
0x34f: {  	[tilespmem:v2+s22+$0x0] =	vst.idx.msk $0xffff, v1  }
0x350: {  	v4 =	vor.u32 v15, v38;
	v3 =	vadd.s32 v13, v30;
	v15 =	vld [tilespmem:$0x1FF10]  }
0x351: {  	v5 =	vld.idx.msk [tilespmem:v44+s17+$0x0], $0xffff;
	_ =	sdelay $0x3  }
0x352: {  	v2 =	vld.idx.msk [tilespmem:v56+s17+$0x0], $0xffff;
	[tilespmem:v3+s22+$0x0] =	vst.idx.msk $0xffff, v59;
	v1 =	vadd.s32 v15, v31  }
0x353: {  	v3 =	vor.u32 v10, v28;
	[tilespmem:v43+s22+$0x0] =	vst.idx.msk $0xffff, v5;
	v4 =	vld.idx.msk [tilespmem:v4+s17+$0x0], $0xffff;
	v6 =	vadd.s32 v15, v30  }
0x354: {  	[tilespmem:v63+s22+$0x0] =	vst.idx.msk $0xffff, v62;
	v8 =	vld.idx.msk [tilespmem:v45+s17+$0x0], $0xffff;
	v5 =	vadd.s32 v15, v33  }
0x355: {  	[tilespmem:v40+s22+$0x0] =	vst.idx.msk $0xffff, v60;
	v0 =	vld.idx.msk [tilespmem:v0+s17+$0x0], $0xffff;
	v9 =	vadd.s32 v15, v37  }
0x356: {  	[tilespmem:v61+s22+$0x0] =	vst.idx.msk $0xffff, v48  }
0x357: {  	v7 =	vor.u32 v10, v38;
	v26 =	vld.idx.msk [tilespmem:v26+s17+$0x0], $0xffff;
	[tilespmem:v1+s22+$0x0] =	vst.idx.msk $0xffff, v2  }
0x358: {  	v1 =	vadd.s32 v14, v31;
	[tilespmem:v6+s22+$0x0] =	vst.idx.msk $0xffff, v4;
	v2 =	vld.idx.msk [tilespmem:v3+s17+$0x0], $0xffff  }
0x359: {  	v46 =	vld [tilespmem:$0x1FF20];
	[tilespmem:v5+s22+$0x0] =	vst.idx.msk $0xffff, v8  }
0x35a: {  	v60 =	vor.u32 v10, v23;
	[tilespmem:v9+s22+$0x0] =	vst.idx.msk $0xffff, v0  }
0x35b: {  	v62 =	vor.u32 v10, v34;
	v48 =	vld.idx.msk [tilespmem:v54+s17+$0x0], $0xffff;
	[tilespmem:v52+s22+$0x0] =	vst.idx.msk $0xffff, v47  }
0x35c: {  	v4 =	vadd.s32 v14, v30;
	v6 =	vld.idx.msk [tilespmem:v7+s17+$0x0], $0xffff;
	[tilespmem:v58+s22+$0x0] =	vst.idx.msk $0xffff, v26  }
0x35d: {  	v57 =	vld.idx.msk [tilespmem:v49+s17+$0x0], $0xffff;
	[tilespmem:v1+s22+$0x0] =	vst.idx.msk $0xffff, v2  }
0x35e: {  	v3 =	vor.u32 v46, v28;
	v20 =	vld [tilespmem:$0x1FFC0]  }
0x35f: {  	v0 =	vadd.s32 v14, v33;
	v7 =	vld.idx.msk [tilespmem:v60+s17+$0x0], $0xffff;
	v5 =	vor.u32 v46, v38  }
0x360: {  	v9 =	vadd.s32 v14, v37;
	v63 =	vld.idx.msk [tilespmem:v62+s17+$0x0], $0xffff;
	v8 =	vor.u32 v46, v23  }
0x361: {  	v39 =	vadd.s32 v19, v39;
	v52 =	vld.idx.msk [tilespmem:v55+s17+$0x0], $0xffff;
	v50 =	vor.u32 v46, v34;
	[tilespmem:v4+s22+$0x0] =	vst.idx.msk $0xffff, v6  }
0x362: {  	v51 =	vadd.s32 v19, v36;
	v54 =	vld [tilespmem:$0x1FF30]  }
0x363: {  	v2 =	vld.idx.msk [tilespmem:v3+s17+$0x0], $0xffff;
	v1 =	vadd.s32 v20, v31  }
0x364: {  	[tilespmem:v0+s22+$0x0] =	vst.idx.msk $0xffff, v7;
	v4 =	vld.idx.msk [tilespmem:v5+s17+$0x0], $0xffff  }
0x365: {  	[tilespmem:v9+s22+$0x0] =	vst.idx.msk $0xffff, v63;
	v6 =	vld.idx.msk [tilespmem:v8+s17+$0x0], $0xffff;
	v5 =	vadd.s32 v20, v33  }
0x366: {  	[tilespmem:v39+s22+$0x0] =	vst.idx.msk $0xffff, v48;
	v9 =	vld.idx.msk [tilespmem:v50+s17+$0x0], $0xffff;
	v8 =	vadd.s32 v20, v37  }
0x367: {  	v55 =	vadd.s32 v19, v35;
	v59 =	vld.idx.msk [tilespmem:v53+s17+$0x0], $0xffff;
	[tilespmem:v51+s22+$0x0] =	vst.idx.msk $0xffff, v52  }
0x368: {  	v58 =	vadd.s32 v19, v27;
	v11 =	vld [tilespmem:$0x1FFF0];
	[tilespmem:v1+s22+$0x0] =	vst.idx.msk $0xffff, v2  }
0x369: {  	v16 =	vld [tilespmem:$0x1FF40];
	[tilespmem:v41+s22+$0x0] =	vst.idx.msk $0xffff, v4  }
0x36a: {  	[tilespmem:v5+s22+$0x0] =	vst.idx.msk $0xffff, v6  }
0x36b: {  	v3 =	vor.u32 v54, v28;
	[tilespmem:v8+s22+$0x0] =	vst.idx.msk $0xffff, v9  }
0x36c: {  	[tilespmem:v55+s22+$0x0] =	vst.idx.msk $0xffff, v57  }
0x36d: {  	v0 =	vor.u32 v54, v38;
	[tilespmem:v58+s22+$0x0] =	vst.idx.msk $0xffff, v59  }
0x36e: {  	v7 =	vor.u32 v54, v23;
	v10 =	vld [tilespmem:$0x1FD10]  }
0x36f: {  	v56 =	vor.u32 v54, v34  }
0x370: {  	v24 =	vor.u32 v11, v24;
	v2 =	vld.idx.msk [tilespmem:v3+s17+$0x0], $0xffff  }
0x371: {  	v12 =	vld [tilespmem:$0x1FFE0];
	v1 =	vadd.s32 v16, v31  }
0x372: {  	v4 =	vor.u32 v17, v28;
	v0 =	vld.idx.msk [tilespmem:v0+s17+$0x0], $0xffff;
	v3 =	vadd.s32 v16, v30  }
0x373: {  	v6 =	vor.u32 v17, v38;
	v7 =	vld.idx.msk [tilespmem:v7+s17+$0x0], $0xffff;
	v5 =	vadd.s32 v16, v33  }
0x374: {  	v9 =	vor.u32 v17, v23;
	v60 =	vld.idx.msk [tilespmem:v56+s17+$0x0], $0xffff;
	v8 =	vadd.s32 v16, v37  }
0x375: {  	v61 =	vor.u32 v17, v34;
	v24 =	vld.idx.msk [tilespmem:v24+s17+$0x0], $0xffff  }
0x376: {  	v62 =	vadd.s32 v12, v35;
	v21 =	vld.idx.msk [tilespmem:v10+s17+$0x0], $0xffff;
	[tilespmem:v1+s22+$0x0] =	vst.idx.msk $0xffff, v2  }
0x377: {  	[tilespmem:v3+s22+$0x0] =	vst.idx.msk $0xffff, v0;
	v2 =	vadd.s32 v19, v31;
	v0 =	vld.idx.msk [tilespmem:v4+s17+$0x0], $0xffff  }
0x378: {  	[tilespmem:v5+s22+$0x0] =	vst.idx.msk $0xffff, v7;
	v4 =	vadd.s32 v19, v30;
	v6 =	vld.idx.msk [tilespmem:v6+s17+$0x0], $0xffff  }
0x379: {  	v5 =	vadd.s32 v19, v33;
	[tilespmem:v8+s22+$0x0] =	vst.idx.msk $0xffff, v60;
	v7 =	vld.idx.msk [tilespmem:v9+s17+$0x0], $0xffff  }
0x37a: {  	[tilespmem:v42+s22+$0x0] =	vst.idx.msk $0xffff, v24;
	v8 =	vadd.s32 v19, v37;
	v9 =	vld.idx.msk [tilespmem:v61+s17+$0x0], $0xffff  }
0x37b: {  	v10 =	vld [tilespmem:$0x1FD00];
	[tilespmem:v62+s22+$0x0] =	vst.idx.msk $0xffff, v21  }
0x37c: {  	[tilespmem:v2+s22+$0x0] =	vst.idx.msk $0xffff, v0  }
0x37d: {  	[tilespmem:v4+s22+$0x0] =	vst.idx.msk $0xffff, v6  }
0x37e: {  	[tilespmem:v5+s22+$0x0] =	vst.idx.msk $0xffff, v7  }
0x37f: {  	[tilespmem:v8+s22+$0x0] =	vst.idx.msk $0xffff, v9  }
0x380: {  	v6 =	vld [tilespmem:$0x1FD20];
	_ =	sdelay $0x1  }
0x381: {  	v3 =	vor.u32 v11, v28  }
0x382: {  	v10 =	vld.idx.msk [tilespmem:v10+s17+$0x0], $0xffff;
	_ =	sdelay $0x2  }
0x383: {  	v63 =	vor.u32 v11, v34  }
0x384: {  	v1 =	vor.u32 v11, v18;
	v2 =	vld.idx.msk [tilespmem:v3+s17+$0x0], $0xffff  }
0x385: {  	v0 =	vadd.s32 v12, v31;
	v4 =	vld.idx.msk [tilespmem:v25+s17+$0x0], $0xffff;
	[tilespmem:v6+s22+$0x0] =	vst.idx.msk $0xffff, v10  }
0x386: {  	v3 =	vadd.s32 v12, v30;
	v7 =	vld [tilespmem:$0x1FD30]  }
0x387: {  	v5 =	vld.idx.msk [tilespmem:v22+s17+$0x0], $0xffff  }
0x388: {  	v6 =	vld.idx.msk [tilespmem:v63+s17+$0x0], $0xffff  }
0x389: {  	v1 =	vld.idx.msk [tilespmem:v1+s17+$0x0], $0xffff  }
0x38a: {  	[tilespmem:v0+s22+$0x0] =	vst.idx.msk $0xffff, v2  }
0x38b: {  	[tilespmem:v3+s22+$0x0] =	vst.idx.msk $0xffff, v4  }
0x38c: {  	s0 =	sadd.s32 $0x600, s29;
	[tilespmem:v32+s22+$0x0] =	vst.idx.msk $0xffff, v5  }
0x38d: {  	s0 =	sand.u32 $0x3FE00, s0;
	[tilespmem:v29+s22+$0x0] =	vst.idx.msk $0xffff, v6  }
0x38e: {  	s0 =	sshrl.u32 s0, $0x2;
	[tilespmem:v7+s22+$0x0] =	vst.idx.msk $0xffff, v1  }
0x38f: {  	[tilespmem:s17], [sflag:$0x2] =	stream.indirect.gather [hbm4b:s5+s15], $0x40, s0, s15, $0xb8;
	[tilespmem:$0xE800] =	vst v63  }
0x390: {  	s20 =	sadd.s32 $0x80, s30;
	s12 =	simm.s32 $0xC600  }
0x391: {  	[hbm4b:s20+s3] =	stream.linear.scatter [tilespmem:s12], [sflag:$0x4], $0x80, $0x38;
	[tilespmem:$0xE800] =	vst v63  }
0x392: {  	s13 =	simm.s32 $0xC688;
	s1 =	sadd.s32 $0x10, s20  }
0x393: {  	[hbm4b:s1+s3] =	stream.linear.scatter [tilespmem:s13], [sflag:$0x4], $0x80, $0x38;
	[tilespmem:$0xE800] =	vst v63  }
0x394: {  	s30 =	simm.s32 $0xC710;
	s31 =	sadd.s32 $0x20, s20;
	s29 =	sadd.s32 $0x4000, s20  }
0x395: {  	[hbm4b:s31+s3] =	stream.linear.scatter [tilespmem:s30], [sflag:$0x4], $0x80, $0x38;
	[tilespmem:$0xE800] =	vst v63  }
0x396: {  	s0 =	simm.s32 $0x440;
	s12 =	simm.s32 $0xC798;
	s13 =	sadd.s32 $0x30, s20  }
0x397: {  	[hbm4b:s13+s3] =	stream.linear.scatter [tilespmem:s12], [sflag:$0x4], $0x80, $0x38;
	[tilespmem:$0xE800] =	vst v63  }
0x398: {  	s1 =	simm.s32 $0x2200;
	s30 =	simm.s32 $0xC820;
	s31 =	sadd.s32 $0x40, s20  }
0x399: {  	[hbm4b:s31+s3] =	stream.linear.scatter [tilespmem:s30], [sflag:$0x4], $0x80, $0x38;
	[tilespmem:$0xE800] =	vst v63  }
0x39a: {  	s12 =	simm.s32 $0xC8A8;
	s13 =	sadd.s32 $0x50, s20;
	s30 =	simm.s32 $0xC930  }
0x39b: {  	[hbm4b:s13+s3] =	stream.linear.scatter [tilespmem:s12], [sflag:$0x4], $0x80, $0x38;
	[tilespmem:$0xE800] =	vst v63  }
0x39c: {  	v14 =	vmov v13;
	v8 =	vmov v17;
	v10 =	vmov v11;
	s31 =	sadd.s32 $0x60, s20;
	s12 =	simm.s32 $0xC9B8;
	s13 =	sadd.s32 $0x70, s20  }
0x39d: {  	v5 =	vmovc v20;
	v4 =	vmovc v54;
	v3 =	vmov v12;
	v6 =	vmov v46;
	v7 =	vmov v16;
	[hbm4b:s31+s3] =	stream.linear.scatter [tilespmem:s30], [sflag:$0x4], $0x80, $0x38;
	[tilespmem:$0xE800] =	vst v63  }
.LBB2_17:
0x39e: {  	[hbm4b:s13+s3] =	stream.linear.scatter [tilespmem:s12], [sflag:$0x4], $0x80, $0x38;
	[tilespmem:$0xE800] =	vst v63  }
0x39f: {  	s12 =	smov.u32 s0;
	s0 =	smov.u32 s1  }
0x3a0: {  	s20 =	sadd.s32 $0x1100, s1;
	s0 =	sshra.s32 s0, $0x2;
	s13 =	sadd.s32 $0xC600, s12  }
0x3a1: {  	[hbm4b:s29+s3] =	stream.linear.scatter [tilespmem:s13], [sflag:$0x4], $0x80, $0x38;
	[tilespmem:$0xE800] =	vst v63  }
0x3a2: {  	p0 =	sne.s32 s1, $0x7700;
	s1 =	sadd.s32 $0xC688, s12;
	s13 =	sadd.s32 $0x10, s29  }
0x3a3: {  	[hbm4b:s13+s3] =	stream.linear.scatter [tilespmem:s1], [sflag:$0x4], $0x80, $0x38;
	[tilespmem:$0xE800] =	vst v63  }
0x3a4: {  	s1 =	sadd.s32 $0xC710, s12;
	s13 =	sadd.s32 $0x20, s29  }
0x3a5: {  	[hbm4b:s13+s3] =	stream.linear.scatter [tilespmem:s1], [sflag:$0x4], $0x80, $0x38;
	[tilespmem:$0xE800] =	vst v63  }
0x3a6: {  	s1 =	sadd.s32 $0xC798, s12;
	s13 =	sadd.s32 $0x30, s29  }
0x3a7: {  	[hbm4b:s13+s3] =	stream.linear.scatter [tilespmem:s1], [sflag:$0x4], $0x80, $0x38;
	[tilespmem:$0xE800] =	vst v63  }
0x3a8: {  	s1 =	sadd.s32 $0xC820, s12;
	s13 =	sadd.s32 $0x40, s29  }
0x3a9: {  	[hbm4b:s13+s3] =	stream.linear.scatter [tilespmem:s1], [sflag:$0x4], $0x80, $0x38;
	[tilespmem:$0xE800] =	vst v63  }
.Ltmp7:
0x3aa: {  	s1 =	sadd.s32 $0xC8A8, s12;
	s13 =	sadd.s32 $0x50, s29;
	(pc) =	sbr.rel @p0 .LBB2_17-.Ltmp7, $4  }
0x3ab: {  	[hbm4b:s13+s3] =	stream.linear.scatter [tilespmem:s1], [sflag:$0x4], $0x80, $0x38;
	[tilespmem:$0xE800] =	vst v63  }
0x3ac: {  	s1 =	sadd.s32 $0xC930, s12;
	s13 =	sadd.s32 $0x60, s29;
	s12 =	sadd.s32 $0xC9B8, s12  }
0x3ad: {  	[hbm4b:s13+s3] =	stream.linear.scatter [tilespmem:s1], [sflag:$0x4], $0x80, $0x38;
	[tilespmem:$0xE800] =	vst v63  }
0x3ae: {  	s13 =	sadd.s32 $0x70, s29;
	s29 =	sadd.s32 $0x4000, s29;
	s1 =	smov.u32 s20  }
0x3af: {  	[hbm4b:s13+s3] =	stream.linear.scatter [tilespmem:s12], [sflag:$0x4], $0x80, $0x38;
	[tilespmem:$0xE800] =	vst v63  }
0x3b0: {  	s1 =	sadd.s32 $0xC600, s0  }
0x3b1: {  	[hbm4b:s29+s3] =	stream.linear.scatter [tilespmem:s1], [sflag:$0x4], $0x80, $0x38;
	[tilespmem:$0xE800] =	vst v63  }
0x3b2: {  	s30 =	sadd.s32 $0xC688, s0;
	s31 =	sadd.s32 $0x10, s29  }
0x3b3: {  	[hbm4b:s31+s3] =	stream.linear.scatter [tilespmem:s30], [sflag:$0x4], $0x80, $0x38;
	[tilespmem:$0xE800] =	vst v63  }
0x3b4: {  	s13 =	sadd.s32 $0xC710, s0;
	s20 =	sadd.s32 $0x20, s29  }
0x3b5: {  	[hbm4b:s20+s3] =	stream.linear.scatter [tilespmem:s13], [sflag:$0x4], $0x80, $0x38;
	[tilespmem:$0xE800] =	vst v63  }
0x3b6: {  	s30 =	sadd.s32 $0xC798, s0;
	s31 =	sadd.s32 $0x30, s29  }
0x3b7: {  	[hbm4b:s31+s3] =	stream.linear.scatter [tilespmem:s30], [sflag:$0x4], $0x80, $0x38;
	[tilespmem:$0xE800] =	vst v63  }
0x3b8: {  	s28 =	sadd.s32 $0x1, s28;
	s13 =	sadd.s32 $0xC820, s0;
	s20 =	sadd.s32 $0x40, s29  }
0x3b9: {  	[hbm4b:s20+s3] =	stream.linear.scatter [tilespmem:s13], [sflag:$0x4], $0x80, $0x38;
	[tilespmem:$0xE800] =	vst v63  }
0x3ba: {  	p0 =	sne.s32 s28, $0x63;
	s30 =	sadd.s32 $0xC8A8, s0;
	s31 =	sadd.s32 $0x50, s29  }
0x3bb: {  	v49 =	vld [tilespmem:$0x1FF60];
	[hbm4b:s31+s3] =	stream.linear.scatter [tilespmem:s30], [sflag:$0x4], $0x80, $0x38  }
.Ltmp8:
0x3bc: {  	v13 =	vld [tilespmem:$0x1FF00];
	(pc) =	sbr.rel @p0 .LBB2_10-.Ltmp8, $4  }
0x3bd: {  	v9 =	vld [tilespmem:$0x1FF70];
	s13 =	sadd.s32 $0xC930, s0;
	s20 =	sadd.s32 $0x60, s29  }
0x3be: {  	v12 =	vld [tilespmem:$0x1FF90];
	[hbm4b:s20+s3] =	stream.linear.scatter [tilespmem:s13], [sflag:$0x4], $0x80, $0x38  }
0x3bf: {  	v17 =	vld [tilespmem:$0x1FFA0];
	s30 =	sadd.s32 $0xC9B8, s0;
	s31 =	sadd.s32 $0x70, s29  }
0x3c0: {  	v2 =	vlaneseq.u32;
	v11 =	vld [tilespmem:$0x1FFB0];
	[hbm4b:s31+s3] =	stream.linear.scatter [tilespmem:s30], [sflag:$0x4], $0x80, $0x38  }
0x3c1: {  	s0 =	simm.s32 $0x0  }
0x3c2: {  	s12 =	simm.s32 $0x1;
	s1 =	simm.s32 $0x2;
	v0 =	vadd.s32 s0, v13  }
0x3c3: {  	v59 =	vmovc v3;
	v2 =	vadd.s32 s12, v13;
	v3 =	vadd.s32 s1, v13;
	v1 =	vand.u32 $0x7, v0  }
0x3c4: {  	v18 =	vand.u32 $0x3F, v2;
	v41 =	vand.u32 $0x3F, v3;
	v51 =	vshrl.u32 v0, $0x3  }
0x3c5: {  	v62 =	vmovc v10;
	s13 =	simm.s32 $0x3;
	v55 =	vand.u32 $0x7, v2;
	v8 =	vshrl.u32 v3, $0x3;
	v47 =	vand.u32 $0x3F, v0  }
0x3c6: {  	v0 =	vand.u32 $0x7, v3;
	v3 =	vadd.s32 s13, v13;
	v16 =	vmovc v11;
	v11 =	vor.u32 v62, v41  }
0x3c7: {  	v54 =	vmovc v7;
	v2 =	vshrl.u32 v2, $0x3;
	v1 =	vmul.u32 $0x88, v1;
	v52 =	vor.u32 v49, v18;
	[tilespmem:$0x1FCB0] =	vst v11  }
0x3c8: {  	v38 =	vmovc v17;
	v17 =	vmovc v9;
	v9 =	vor.u32 v49, v47;
	v7 =	vmul.u32 $0x88, v55;
	v24 =	vand.u32 $0x3F, v3;
	_ =	swait.ge [sflag:s18], $0x2000  }
0x3c9: {  	v8 =	vand.u32 $0x7, v8;
	v0 =	vmul.u32 $0x88, v0;
	v2 =	vand.u32 $0x7, v2;
	[sflag:s18] =	ssyncset.done $0x0  }
0x3ca: {  	v34 =	vmovc v4;
	v20 =	vshrl.u32 v3, $0x3;
	v4 =	vand.u32 $0x7, v51;
	v3 =	vand.u32 $0x7, v3;
	[sflag:s18] =	ssyncadd.s32 $0xFFFFE000  }
0x3cb: {  	v2 =	vmul.u32 $0x440, v2;
	v20 =	vand.u32 $0x7, v20;
	v11 =	vor.u32 v49, v24;
	_ =	swait.ge [sflag:s24], $0x2000  }
0x3cc: {  	v4 =	vmul.u32 $0x440, v4;
	v3 =	vmul.u32 $0x88, v3;
	v56 =	vmul.u32 $0x440, v8;
	[sflag:s24] =	ssyncset.done $0x0  }
0x3cd: {  	v36 =	vadd.s32 v7, v2;
	v2 =	vmul.u32 $0x440, v20;
	v20 =	vlaneseq.u32;
	[sflag:s24] =	ssyncadd.s32 $0xFFFFE000  }
0x3ce: {  	v19 =	vmov v5;
	v35 =	vadd.s32 v1, v4;
	v8 =	vadd.s32 v20, v36;
	v5 =	vld.idx.msk [tilespmem:v52+s16+$0x0], $0xffff  }
0x3cf: {  	v27 =	vadd.s32 v0, v56;
	v39 =	vadd.s32 v3, v2;
	v2 =	vadd.s32 v20, v35;
	v1 =	vld.idx.msk [tilespmem:v9+s16+$0x0], $0xffff  }
0x3d0: {  	v53 =	vor.u32 v49, v41;
	v0 =	vld.idx.msk [tilespmem:v11+s16+$0x0], $0xffff;
	v11 =	vadd.s32 v59, v27  }
0x3d1: {  	v57 =	vadd.s32 v20, v39;
	[tilespmem:$0x1FCC0] =	vst v11;
	v11 =	vadd.s32 v59, v36  }
0x3d2: {  	v58 =	vor.u32 v17, v24;
	[tilespmem:$0x1FCD0] =	vst v11  }
0x3d3: {  	[tilespmem:v8+s19+$0x0] =	vst.idx.msk $0xffff, v5  }
0x3d4: {  	v60 =	vor.u32 v17, v47;
	[tilespmem:v2+s19+$0x0] =	vst.idx.msk $0xffff, v1;
	v2 =	vadd.s32 v19, v35  }
0x3d5: {  	v10 =	vmov v6;
	v6 =	vld.idx.msk [tilespmem:v53+s16+$0x0], $0xffff;
	[tilespmem:$0x1FCE0] =	vst v2  }
0x3d6: {  	[tilespmem:v57+s19+$0x0] =	vst.idx.msk $0xffff, v0  }
0x3d7: {  	v22 =	vor.u32 v17, v18;
	v61 =	vadd.s32 v14, v39;
	v2 =	vor.u32 v34, v18;
	v0 =	vld.idx.msk [tilespmem:v58+s16+$0x0], $0xffff  }
0x3d8: {  	v23 =	vor.u32 v12, v24;
	v9 =	vadd.s32 v20, v27;
	[tilespmem:$0x1FCF0] =	vst v2  }
0x3d9: {  	v29 =	vadd.s32 v14, v35;
	v3 =	vor.u32 v17, v41;
	v5 =	vld.idx.msk [tilespmem:v60+s16+$0x0], $0xffff  }
0x3da: {  	v30 =	vor.u32 v12, v47;
	_ =	sdelay $0x1  }
0x3db: {  	v1 =	vadd.s32 v14, v36;
	v22 =	vld.idx.msk [tilespmem:v22+s16+$0x0], $0xffff;
	[tilespmem:v61+s19+$0x0] =	vst.idx.msk $0xffff, v0  }
0x3dc: {  	v33 =	vadd.s32 v15, v39;
	v8 =	vor.u32 v12, v18;
	[tilespmem:v9+s19+$0x0] =	vst.idx.msk $0xffff, v6;
	v63 =	vld.idx.msk [tilespmem:v23+s16+$0x0], $0xffff  }
0x3dd: {  	v44 =	vor.u32 v38, v24;
	v25 =	vadd.s32 v14, v27;
	v3 =	vld.idx.msk [tilespmem:v3+s16+$0x0], $0xffff;
	[tilespmem:v29+s19+$0x0] =	vst.idx.msk $0xffff, v5  }
0x3de: {  	v28 =	vor.u32 v12, v41;
	v45 =	vadd.s32 v15, v35;
	v29 =	vld.idx.msk [tilespmem:v30+s16+$0x0], $0xffff  }
0x3df: {  	s20 =	simm.s32 $0x4;
	v32 =	vor.u32 v38, v18  }
0x3e0: {  	v50 =	vadd.s32 s20, v13;
	v43 =	vor.u32 v38, v41;
	v46 =	vor.u32 v38, v47;
	[tilespmem:v1+s19+$0x0] =	vst.idx.msk $0xffff, v22  }
0x3e1: {  	v38 =	vand.u32 $0x3F, v50;
	v31 =	vadd.s32 v15, v36;
	v8 =	vld.idx.msk [tilespmem:v8+s16+$0x0], $0xffff;
	[tilespmem:v33+s19+$0x0] =	vst.idx.msk $0xffff, v63  }
0x3e2: {  	v5 =	vadd.s32 v16, v39;
	v23 =	vand.u32 $0x7, v50;
	v1 =	vshrl.u32 v50, $0x3;
	[tilespmem:v25+s19+$0x0] =	vst.idx.msk $0xffff, v3;
	v50 =	vld.idx.msk [tilespmem:v44+s16+$0x0], $0xffff  }
0x3e3: {  	s29 =	simm.s32 $0x5;
	v48 =	vor.u32 v10, v24;
	v37 =	vadd.s32 v15, v27;
	[tilespmem:v45+s19+$0x0] =	vst.idx.msk $0xffff, v29;
	v29 =	vld.idx.msk [tilespmem:v28+s16+$0x0], $0xffff  }
0x3e4: {  	v26 =	vor.u32 v34, v41;
	v30 =	vadd.s32 s29, v13  }
0x3e5: {  	s31 =	simm.s32 $0x7;
	v4 =	vor.u32 v34, v47;
	v42 =	vadd.s32 v19, v39;
	v58 =	vand.u32 $0x7, v30  }
0x3e6: {  	s30 =	simm.s32 $0x6;
	v52 =	vadd.s32 v16, v35;
	v60 =	vadd.s32 s31, v13;
	v45 =	vmul.u32 $0x88, v58;
	[tilespmem:v31+s19+$0x0] =	vst.idx.msk $0xffff, v8;
	v58 =	vld.idx.msk [tilespmem:v46+s16+$0x0], $0xffff  }
0x3e7: {  	v51 =	vadd.s32 s30, v13;
	v53 =	vadd.s32 v16, v36;
	v8 =	vand.u32 $0x7, v60;
	v31 =	vld.idx.msk [tilespmem:v32+s16+$0x0], $0xffff;
	[tilespmem:v5+s19+$0x0] =	vst.idx.msk $0xffff, v50  }
0x3e8: {  	v2 =	vadd.s32 v16, v27;
	v33 =	vshrl.u32 v51, $0x3;
	v5 =	vmul.u32 $0x88, v8;
	[tilespmem:v37+s19+$0x0] =	vst.idx.msk $0xffff, v29;
	v8 =	vld.idx.msk [tilespmem:v48+s16+$0x0], $0xffff  }
0x3e9: {  	v6 =	vor.u32 v10, v47;
	v3 =	vand.u32 $0x7, v51;
	v33 =	vand.u32 $0x7, v33;
	v48 =	vld.idx.msk [tilespmem:v43+s16+$0x0], $0xffff  }
0x3ea: {  	v0 =	vor.u32 v34, v24;
	v3 =	vmul.u32 $0x88, v3;
	v33 =	vmul.u32 $0x440, v33  }
0x3eb: {  	v55 =	vmul.u32 $0x88, v23;
	v34 =	vand.u32 $0x3F, v30;
	v30 =	vshrl.u32 v30, $0x3;
	[tilespmem:v52+s19+$0x0] =	vst.idx.msk $0xffff, v58  }
0x3ec: {  	v1 =	vand.u32 $0x7, v1;
	v33 =	vadd.s32 v3, v33;
	v3 =	vand.u32 $0x7, v30;
	[tilespmem:v53+s19+$0x0] =	vst.idx.msk $0xffff, v31  }
0x3ed: {  	v11 =	vmovc v49;
	v1 =	vmul.u32 $0x440, v1;
	v3 =	vmul.u32 $0x440, v3;
	v29 =	vshrl.u32 v60, $0x3;
	[tilespmem:v42+s19+$0x0] =	vst.idx.msk $0xffff, v8  }
0x3ee: {  	v9 =	vor.u32 v10, v18;
	v56 =	vor.u32 v11, v34;
	v29 =	vand.u32 $0x7, v29;
	[tilespmem:v2+s19+$0x0] =	vst.idx.msk $0xffff, v48  }
0x3ef: {  	v37 =	vadd.s32 v45, v3;
	v3 =	vmul.u32 $0x440, v29;
	v29 =	vadd.s32 v55, v1;
	v1 =	vld [tilespmem:$0x1FCE0]  }
0x3f0: {  	v61 =	vor.u32 v11, v38;
	_ =	sdelay $0x1  }
0x3f1: {  	v20 =	vlaneseq.u32;
	v6 =	vld.idx.msk [tilespmem:v6+s16+$0x0], $0xffff  }
0x3f2: {  	v58 =	vld.idx.msk [tilespmem:v56+s16+$0x0], $0xffff;
	v53 =	vadd.s32 v20, v37  }
0x3f3: {  	v49 =	vadd.s32 v19, v36;
	v23 =	vand.u32 $0x3F, v51;
	v9 =	vld.idx.msk [tilespmem:v9+s16+$0x0], $0xffff  }
0x3f4: {  	v57 =	vor.u32 v11, v23;
	v31 =	vadd.s32 v5, v3;
	v3 =	vld.idx.msk [tilespmem:v61+s16+$0x0], $0xffff;
	v8 =	vadd.s32 v20, v29;
	_ =	sdelay $0x1  }
0x3f5: {  	v21 =	vor.u32 v62, v47;
	v25 =	vor.u32 v62, v38;
	v28 =	vand.u32 $0x3F, v60;
	[tilespmem:v1+s19+$0x0] =	vst.idx.msk $0xffff, v6  }
0x3f6: {  	v22 =	vor.u32 v62, v23;
	v62 =	vor.u32 v11, v28;
	v6 =	vld [tilespmem:$0x1FF50];
	[tilespmem:v53+s19+$0x0] =	vst.idx.msk $0xffff, v58  }
0x3f7: {  	v7 =	vor.u32 v10, v41;
	[tilespmem:v49+s19+$0x0] =	vst.idx.msk $0xffff, v9  }
0x3f8: {  	v46 =	vld.idx.msk [tilespmem:v57+s16+$0x0], $0xffff;
	[tilespmem:v8+s19+$0x0] =	vst.idx.msk $0xffff, v3  }
0x3f9: {  	v40 =	vadd.s32 v19, v27;
	v63 =	vor.u32 v17, v34;
	v3 =	vld [tilespmem:$0x1FCF0]  }
0x3fa: {  	v44 =	vor.u32 v17, v23;
	v5 =	vadd.s32 v54, v39;
	v2 =	vld.idx.msk [tilespmem:v0+s16+$0x0], $0xffff;
	v0 =	vor.u32 v17, v38  }
0x3fb: {  	v51 =	vor.u32 v17, v28;
	v32 =	vadd.s32 v59, v33;
	v50 =	vadd.s32 v20, v33;
	v57 =	vld.idx.msk [tilespmem:v62+s16+$0x0], $0xffff  }
0x3fc: {  	v43 =	vadd.s32 v14, v33;
	v56 =	vor.u32 v12, v28;
	v45 =	vor.u32 v12, v23;
	v60 =	vld.idx.msk [tilespmem:v7+s16+$0x0], $0xffff  }
0x3fd: {  	v52 =	vadd.s32 v54, v36;
	v30 =	vadd.s32 v59, v37;
	v61 =	vadd.s32 v54, v35;
	v48 =	vld.idx.msk [tilespmem:v4+s16+$0x0], $0xffff  }
0x3fe: {  	v42 =	vadd.s32 v59, v39;
	v1 =	vadd.s32 v20, v31;
	v20 =	vmov v12;
	v62 =	vld.idx.msk [tilespmem:v63+s16+$0x0], $0xffff  }
0x3ff: {  	v58 =	vadd.s32 v54, v27;
	v63 =	vadd.s32 v14, v37;
	v59 =	vld.idx.msk [tilespmem:v0+s16+$0x0], $0xffff;
	[tilespmem:v5+s19+$0x0] =	vst.idx.msk $0xffff, v2  }
0x400: {  	v0 =	vor.u32 v12, v34;
	v12 =	vmovc v11;
	v11 =	vld [tilespmem:$0x1FFD0];
	v55 =	vor.u32 v6, v18;
	v53 =	vor.u32 v6, v41  }
0x401: {  	s28 =	simm.s32 $0x8;
	v54 =	vor.u32 v6, v24;
	v49 =	vor.u32 v6, v47;
	v41 =	vadd.s32 v19, v29;
	v47 =	vld.idx.msk [tilespmem:v3+s16+$0x0], $0xffff  }
.LBB2_20:
0x402: {  	_ = 	snop  }
0x403: {  	v10 =	vld [tilespmem:$0x1FFF0]  }
0x404: {  	v19 =	vld [tilespmem:$0x1FFE0];
	[tilespmem:v1+s19+$0x0] =	vst.idx.msk $0xffff, v57  }
0x405: {  	v1 =	vadd.s32 v11, v36;
	v16 =	vld [tilespmem:$0x1FFC0];
	[tilespmem:v63+s19+$0x0] =	vst.idx.msk $0xffff, v62  }
0x406: {  	v7 =	vadd.s32 v11, v35;
	v8 =	vadd.s32 v11, v27;
	[tilespmem:v40+s19+$0x0] =	vst.idx.msk $0xffff, v60;
	v0 =	vld.idx.msk [tilespmem:v0+s16+$0x0], $0xffff  }
0x407: {  	v27 =	vadd.s32 v14, v29;
	v36 =	vor.u32 v20, v38;
	[tilespmem:v61+s19+$0x0] =	vst.idx.msk $0xffff, v48;
	v4 =	vld.idx.msk [tilespmem:v26+s16+$0x0], $0xffff  }
0x408: {  	[tilespmem:v52+s19+$0x0] =	vst.idx.msk $0xffff, v47;
	v3 =	vor.u32 v10, v18;
	v18 =	vmov v34;
	v34 =	vld.idx.msk [tilespmem:v49+s16+$0x0], $0xffff  }
0x409: {  	[tilespmem:v50+s19+$0x0] =	vst.idx.msk $0xffff, v46;
	v46 =	vld.idx.msk [tilespmem:v55+s16+$0x0], $0xffff  }
0x40a: {  	v6 =	vld.idx.msk [tilespmem:v51+s16+$0x0], $0xffff  }
0x40b: {  	v61 =	vld [tilespmem:$0x1FF30]  }
0x40c: {  	v9 =	vadd.s32 v14, v31;
	v5 =	vor.u32 v10, v24;
	v24 =	vld.idx.msk [tilespmem:v54+s16+$0x0], $0xffff;
	[tilespmem:v27+s19+$0x0] =	vst.idx.msk $0xffff, v59  }
0x40d: {  	v36 =	vld.idx.msk [tilespmem:v36+s16+$0x0], $0xffff;
	[tilespmem:v7+s19+$0x0] =	vst.idx.msk $0xffff, v34  }
0x40e: {  	v2 =	vadd.s32 v19, v35;
	v35 =	vadd.s32 v11, v39;
	[tilespmem:v1+s19+$0x0] =	vst.idx.msk $0xffff, v46;
	v46 =	vld.idx.msk [tilespmem:v21+s16+$0x0], $0xffff  }
0x40f: {  	v21 =	vld [tilespmem:$0x1FCB0]  }
0x410: {  	v40 =	vld [tilespmem:$0x1FF20];
	[tilespmem:v58+s19+$0x0] =	vst.idx.msk $0xffff, v4  }
0x411: {  	[tilespmem:v9+s19+$0x0] =	vst.idx.msk $0xffff, v6;
	v51 =	vld.idx.msk [tilespmem:v53+s16+$0x0], $0xffff  }
0x412: {  	v39 =	vadd.s32 v15, v37;
	v6 =	vld.idx.msk [tilespmem:v56+s16+$0x0], $0xffff  }
0x413: {  	[tilespmem:v35+s19+$0x0] =	vst.idx.msk $0xffff, v24;
	v35 =	vadd.s32 v15, v29;
	v24 =	vld [tilespmem:$0x1FFB0]  }
0x414: {  	s0 =	smov.u32 s28;
	v62 =	vld [tilespmem:$0x1FFA0]  }
0x415: {  	s1 =	sadd.s32 $0x1, s0;
	v54 =	vadd.s32 v16, v37;
	v48 =	vor.u32 v61, v38;
	v44 =	vld.idx.msk [tilespmem:v44+s16+$0x0], $0xffff  }
0x416: {  	v49 =	vmov v38;
	v60 =	vor.u32 v40, v38;
	v3 =	vld.idx.msk [tilespmem:v3+s16+$0x0], $0xffff;
	[tilespmem:v8+s19+$0x0] =	vst.idx.msk $0xffff, v51;
	v51 =	vadd.s32 s1, v13  }
0x417: {  	v38 =	vadd.s32 v15, v31;
	[tilespmem:v39+s19+$0x0] =	vst.idx.msk $0xffff, v0;
	v39 =	vld.idx.msk [tilespmem:v21+s16+$0x0], $0xffff;
	v21 =	vmov v25;
	v25 =	vand.u32 $0x7, v51  }
0x418: {  	v7 =	vadd.s32 v24, v37;
	[tilespmem:v35+s19+$0x0] =	vst.idx.msk $0xffff, v36;
	v36 =	vmov v37;
	v37 =	vmul.u32 $0x88, v25;
	v25 =	vld [tilespmem:$0x1FCC0]  }
0x419: {  	v52 =	vadd.s32 v16, v31;
	v9 =	vor.u32 v62, v28  }
0x41a: {  	v50 =	vadd.s32 v15, v33;
	v26 =	vor.u32 v61, v23;
	v47 =	vor.u32 v61, v18;
	v5 =	vld.idx.msk [tilespmem:v5+s16+$0x0], $0xffff  }
0x41b: {  	s12 =	sadd.s32 $0x2, s0;
	v27 =	vmovc v22;
	v55 =	vor.u32 v61, v28;
	v57 =	vor.u32 v40, v18;
	v1 =	vor.u32 v62, v49  }
0x41c: {  	v4 =	vor.u32 v62, v18;
	v58 =	vor.u32 v62, v23;
	v62 =	vadd.s32 s12, v13;
	[tilespmem:$0x1FCB0] =	vst v27  }
0x41d: {  	v56 =	vor.u32 v40, v28;
	v53 =	vor.u32 v40, v23;
	v63 =	vand.u32 $0x3F, v62;
	[tilespmem:v38+s19+$0x0] =	vst.idx.msk $0xffff, v6  }
0x41e: {  	v59 =	vadd.s32 v24, v29;
	v61 =	vadd.s32 v24, v31;
	v9 =	vld.idx.msk [tilespmem:v9+s16+$0x0], $0xffff;
	[tilespmem:v43+s19+$0x0] =	vst.idx.msk $0xffff, v44  }
0x41f: {  	v8 =	vadd.s32 s0, v13;
	[tilespmem:v42+s19+$0x0] =	vst.idx.msk $0xffff, v5;
	v42 =	vor.u32 v12, v63;
	v35 =	vld.idx.msk [tilespmem:v45+s16+$0x0], $0xffff  }
0x420: {  	v1 =	vld.idx.msk [tilespmem:v1+s16+$0x0], $0xffff;
	v22 =	vand.u32 $0x7, v8;
	v38 =	vand.u32 $0x3F, v8;
	[tilespmem:v25+s19+$0x0] =	vst.idx.msk $0xffff, v39;
	v25 =	vmov v32  }
0x421: {  	v6 =	vmul.u32 $0x88, v22;
	v22 =	vor.u32 v10, v63;
	[tilespmem:$0x1FCC0] =	vst v25;
	v25 =	vor.u32 v10, v38;
	v10 =	vld [tilespmem:$0x1FCD0]  }
0x422: {  	v40 =	vadd.s32 v16, v33;
	v0 =	vadd.s32 v24, v33;
	[tilespmem:v2+s19+$0x0] =	vst.idx.msk $0xffff, v46;
	v34 =	vand.u32 $0x3F, v51  }
0x423: {  	v27 =	vmovc v33;
	v5 =	vshrl.u32 v8, $0x3;
	v8 =	vand.u32 $0x7, v62;
	v33 =	vor.u32 v12, v34;
	[tilespmem:v61+s19+$0x0] =	vst.idx.msk $0xffff, v9  }
0x424: {  	v2 =	vor.u32 v12, v38;
	v8 =	vmul.u32 $0x88, v8;
	v9 =	vshrl.u32 v51, $0x3;
	v46 =	vld.idx.msk [tilespmem:v42+s16+$0x0], $0xffff;
	[tilespmem:v50+s19+$0x0] =	vst.idx.msk $0xffff, v35  }
0x425: {  	s0 =	sadd.s32 $0x3, s0;
	v5 =	vand.u32 $0x7, v5;
	v43 =	vshrl.u32 v62, $0x3;
	v9 =	vand.u32 $0x7, v9;
	[tilespmem:v59+s19+$0x0] =	vst.idx.msk $0xffff, v1;
	v1 =	vld.idx.msk [tilespmem:v58+s16+$0x0], $0xffff  }
0x426: {  	v44 =	vor.u32 v17, v63;
	v45 =	vadd.s32 s0, v13;
	v9 =	vmul.u32 $0x440, v9;
	v58 =	vld.idx.msk [tilespmem:v60+s16+$0x0], $0xffff  }
0x427: {  	v24 =	vmovc v28;
	v5 =	vmul.u32 $0x440, v5;
	v62 =	vand.u32 $0x7, v43;
	v28 =	vand.u32 $0x3F, v45  }
0x428: {  	v4 =	vld.idx.msk [tilespmem:v4+s16+$0x0], $0xffff;
	v59 =	vor.u32 v17, v34;
	v51 =	vor.u32 v17, v28;
	v37 =	vadd.s32 v37, v9  }
0x429: {  	v2 =	vld.idx.msk [tilespmem:v2+s16+$0x0], $0xffff;
	v42 =	vor.u32 v12, v28;
	v35 =	vmov v29;
	[tilespmem:v10+s19+$0x0] =	vst.idx.msk $0xffff, v3;
	v3 =	vmul.u32 $0x440, v62  }
0x42a: {  	v29 =	vadd.s32 v6, v5;
	[tilespmem:v0+s19+$0x0] =	vst.idx.msk $0xffff, v1;
	v0 =	vor.u32 v17, v38;
	v61 =	vld.idx.msk [tilespmem:v33+s16+$0x0], $0xffff  }
0x42b: {  	v39 =	vand.u32 $0x7, v45;
	[tilespmem:v41+s19+$0x0] =	vst.idx.msk $0xffff, v58;
	v10 =	vmov v30;
	v33 =	vadd.s32 v8, v3;
	v8 =	vld.idx.msk [tilespmem:v56+s16+$0x0], $0xffff  }
0x42c: {  	v41 =	vadd.s32 v16, v29;
	v62 =	vlaneseq.u32;
	v30 =	vshrl.u32 v45, $0x3;
	[tilespmem:$0x1FCD0] =	vst v10;
	v10 =	vld [tilespmem:$0x1FF40]  }
0x42d: {  	v48 =	vld.idx.msk [tilespmem:v48+s16+$0x0], $0xffff;
	v45 =	vand.u32 $0x7, v30;
	[tilespmem:v7+s19+$0x0] =	vst.idx.msk $0xffff, v4;
	v4 =	vadd.s32 v62, v37  }
0x42e: {  	v30 =	vadd.s32 v19, v37;
	v7 =	vld [tilespmem:$0x1FF50];
	v3 =	vmul.u32 $0x88, v39;
	v39 =	vmovc v31;
	v60 =	vmul.u32 $0x440, v45  }
0x42f: {  	v9 =	vld.idx.msk [tilespmem:v57+s16+$0x0], $0xffff;
	v56 =	vor.u32 v20, v28;
	v45 =	vor.u32 v20, v63;
	v50 =	vadd.s32 v62, v33  }
0x430: {  	v57 =	vld.idx.msk [tilespmem:v42+s16+$0x0], $0xffff;
	v31 =	vadd.s32 v3, v60;
	v3 =	vadd.s32 v62, v29;
	[tilespmem:v52+s19+$0x0] =	vst.idx.msk $0xffff, v8  }
0x431: {  	p0 =	slt.u32 s28, $0x3C;
	v32 =	vadd.s32 v19, v33;
	v43 =	vadd.s32 v14, v33;
	v5 =	vadd.s32 v10, v39;
	v6 =	vld.idx.msk [tilespmem:v55+s16+$0x0], $0xffff  }
.Ltmp9:
0x432: {  	v42 =	vadd.s32 v19, v39;
	v60 =	vld.idx.msk [tilespmem:v53+s16+$0x0], $0xffff;
	v1 =	vadd.s32 v62, v31;
	v58 =	vadd.s32 v10, v27;
	(pc) =	sbr.rel @p0 .LBB2_20-.Ltmp9, $4  }
0x433: {  	[tilespmem:v4+s19+$0x0] =	vst.idx.msk $0xffff, v61;
	v53 =	vor.u32 v7, v23;
	v23 =	vmov v63;
	v61 =	vadd.s32 v10, v35  }
0x434: {  	v63 =	vadd.s32 v14, v37;
	v49 =	vor.u32 v7, v49;
	v62 =	vld.idx.msk [tilespmem:v59+s16+$0x0], $0xffff;
	[tilespmem:v54+s19+$0x0] =	vst.idx.msk $0xffff, v9  }
0x435: {  	v52 =	vadd.s32 v10, v36;
	v54 =	vor.u32 v7, v24;
	v47 =	vld.idx.msk [tilespmem:v47+s16+$0x0], $0xffff;
	[tilespmem:v3+s19+$0x0] =	vst.idx.msk $0xffff, v2  }
0x436: {  	s28 =	sadd.s32 $0x4, s28;
	v55 =	vor.u32 v7, v18;
	v59 =	vld.idx.msk [tilespmem:v0+s16+$0x0], $0xffff;
	v0 =	vor.u32 v20, v34;
	[tilespmem:v5+s19+$0x0] =	vst.idx.msk $0xffff, v6  }
0x437: {  	_ =	sdelay $0x3  }
0x438: {  	[tilespmem:v1+s19+$0x0] =	vst.idx.msk $0xffff, v57  }
0x439: {  	v2 =	vadd.s32 v14, v31;
	v1 =	vld.idx.msk [tilespmem:v51+s16+$0x0], $0xffff  }
0x43a: {  	v3 =	vadd.s32 v14, v29  }
0x43b: {  	[tilespmem:v50+s19+$0x0] =	vst.idx.msk $0xffff, v46  }
0x43c: {  	v5 =	vld.idx.msk [tilespmem:v44+s16+$0x0], $0xffff;
	_ =	sdelay $0x1  }
0x43d: {  	[tilespmem:v2+s19+$0x0] =	vst.idx.msk $0xffff, v1  }
0x43e: {  	[tilespmem:v3+s19+$0x0] =	vst.idx.msk $0xffff, v59;
	v2 =	vld.idx.msk [tilespmem:v56+s16+$0x0], $0xffff  }
0x43f: {  	v4 =	vor.u32 v20, v38;
	v51 =	vadd.s32 v15, v31;
	v10 =	vld [tilespmem:$0x1FFA0]  }
0x440: {  	[tilespmem:v43+s19+$0x0] =	vst.idx.msk $0xffff, v5  }
0x441: {  	[tilespmem:v63+s19+$0x0] =	vst.idx.msk $0xffff, v62  }
0x442: {  	[tilespmem:v40+s19+$0x0] =	vst.idx.msk $0xffff, v60  }
0x443: {  	[tilespmem:v61+s19+$0x0] =	vst.idx.msk $0xffff, v48  }
0x444: {  	v6 =	vadd.s32 v15, v29;
	v4 =	vld.idx.msk [tilespmem:v4+s16+$0x0], $0xffff;
	v56 =	vor.u32 v10, v28;
	[tilespmem:v51+s19+$0x0] =	vst.idx.msk $0xffff, v2  }
0x445: {  	v7 =	vor.u32 v10, v38;
	v59 =	vor.u32 v10, v23;
	v60 =	vor.u32 v10, v34;
	v10 =	vld [tilespmem:$0x1FFB0]  }
0x446: {  	v57 =	vadd.s32 v15, v33;
	v8 =	vld.idx.msk [tilespmem:v45+s16+$0x0], $0xffff  }
0x447: {  	v9 =	vadd.s32 v15, v37;
	v0 =	vld.idx.msk [tilespmem:v0+s16+$0x0], $0xffff;
	_ =	sdelay $0x1  }
0x448: {  	v26 =	vld.idx.msk [tilespmem:v26+s16+$0x0], $0xffff  }
0x449: {  	[tilespmem:v6+s19+$0x0] =	vst.idx.msk $0xffff, v4;
	v2 =	vld.idx.msk [tilespmem:v56+s16+$0x0], $0xffff;
	v61 =	vadd.s32 v10, v31  }
0x44a: {  	v14 =	vld [tilespmem:$0x1FF20];
	[tilespmem:v57+s19+$0x0] =	vst.idx.msk $0xffff, v8  }
0x44b: {  	[tilespmem:v9+s19+$0x0] =	vst.idx.msk $0xffff, v0  }
0x44c: {  	v51 =	vld.idx.msk [tilespmem:v54+s16+$0x0], $0xffff;
	[tilespmem:v52+s19+$0x0] =	vst.idx.msk $0xffff, v47  }
0x44d: {  	[tilespmem:v58+s19+$0x0] =	vst.idx.msk $0xffff, v26;
	v6 =	vld.idx.msk [tilespmem:v7+s16+$0x0], $0xffff;
	v63 =	vadd.s32 v10, v29  }
0x44e: {  	v48 =	vld.idx.msk [tilespmem:v59+s16+$0x0], $0xffff;
	[tilespmem:v61+s19+$0x0] =	vst.idx.msk $0xffff, v2  }
0x44f: {  	v20 =	vadd.s32 v10, v33;
	v62 =	vor.u32 v14, v28;
	v12 =	vld [tilespmem:$0x1FFC0]  }
0x450: {  	v50 =	vld.idx.msk [tilespmem:v60+s16+$0x0], $0xffff;
	v9 =	vadd.s32 v10, v37;
	v19 =	vor.u32 v14, v38  }
0x451: {  	v39 =	vadd.s32 v11, v39;
	v45 =	vld.idx.msk [tilespmem:v53+s16+$0x0], $0xffff  }
0x452: {  	v54 =	vadd.s32 v11, v36;
	v56 =	vld.idx.msk [tilespmem:v55+s16+$0x0], $0xffff;
	v8 =	vor.u32 v14, v23;
	[tilespmem:v63+s19+$0x0] =	vst.idx.msk $0xffff, v6  }
0x453: {  	v52 =	vor.u32 v14, v34;
	v10 =	vld [tilespmem:$0x1FF30]  }
0x454: {  	v2 =	vld.idx.msk [tilespmem:v62+s16+$0x0], $0xffff;
	[tilespmem:v20+s19+$0x0] =	vst.idx.msk $0xffff, v48;
	v57 =	vadd.s32 v12, v31  }
0x455: {  	v4 =	vld.idx.msk [tilespmem:v19+s16+$0x0], $0xffff;
	[tilespmem:v9+s19+$0x0] =	vst.idx.msk $0xffff, v50  }
0x456: {  	[tilespmem:v39+s19+$0x0] =	vst.idx.msk $0xffff, v51;
	v20 =	vld.idx.msk [tilespmem:v49+s16+$0x0], $0xffff  }
0x457: {  	v63 =	vadd.s32 v11, v35;
	[tilespmem:v54+s19+$0x0] =	vst.idx.msk $0xffff, v56;
	v61 =	vld.idx.msk [tilespmem:v8+s16+$0x0], $0xffff;
	v60 =	vadd.s32 v12, v33  }
0x458: {  	v9 =	vld.idx.msk [tilespmem:v52+s16+$0x0], $0xffff;
	v8 =	vadd.s32 v12, v37;
	v58 =	vor.u32 v10, v28;
	v59 =	vor.u32 v10, v38  }
0x459: {  	v62 =	vor.u32 v10, v23;
	v19 =	vor.u32 v10, v34;
	v10 =	vld [tilespmem:$0x1FFF0];
	[tilespmem:v57+s19+$0x0] =	vst.idx.msk $0xffff, v2  }
0x45a: {  	v44 =	vadd.s32 v11, v27;
	v15 =	vld [tilespmem:$0x1FF40]  }
0x45b: {  	[tilespmem:v41+s19+$0x0] =	vst.idx.msk $0xffff, v4  }
0x45c: {  	v12 =	vld [tilespmem:$0x1FF50];
	[tilespmem:v60+s19+$0x0] =	vst.idx.msk $0xffff, v61  }
0x45d: {  	[tilespmem:v8+s19+$0x0] =	vst.idx.msk $0xffff, v9  }
0x45e: {  	[tilespmem:v63+s19+$0x0] =	vst.idx.msk $0xffff, v20  }
0x45f: {  	v24 =	vor.u32 v10, v24;
	v2 =	vld.idx.msk [tilespmem:v58+s16+$0x0], $0xffff;
	[tilespmem:v44+s19+$0x0] =	vst.idx.msk $0xffff, v45;
	v46 =	vadd.s32 v15, v31  }
0x460: {  	v47 =	vadd.s32 v15, v29;
	v49 =	vadd.s32 v15, v33;
	v8 =	vadd.s32 v15, v37;
	v15 =	vld [tilespmem:$0x1FFE0]  }
0x461: {  	v0 =	vld.idx.msk [tilespmem:v59+s16+$0x0], $0xffff;
	v48 =	vor.u32 v12, v28  }
0x462: {  	v7 =	vld.idx.msk [tilespmem:v62+s16+$0x0], $0xffff;
	v50 =	vor.u32 v12, v38  }
0x463: {  	v51 =	vld.idx.msk [tilespmem:v19+s16+$0x0], $0xffff;
	v9 =	vor.u32 v12, v23  }
0x464: {  	v24 =	vld.idx.msk [tilespmem:v24+s16+$0x0], $0xffff;
	v52 =	vor.u32 v12, v34  }
0x465: {  	v21 =	vld.idx.msk [tilespmem:v21+s16+$0x0], $0xffff;
	v53 =	vadd.s32 v15, v35;
	[tilespmem:v46+s19+$0x0] =	vst.idx.msk $0xffff, v2  }
0x466: {  	v56 =	vadd.s32 v11, v31;
	[tilespmem:v47+s19+$0x0] =	vst.idx.msk $0xffff, v0;
	v55 =	vld.idx.msk [tilespmem:v48+s16+$0x0], $0xffff  }
0x467: {  	v58 =	vadd.s32 v11, v29;
	[tilespmem:v49+s19+$0x0] =	vst.idx.msk $0xffff, v7;
	v6 =	vld.idx.msk [tilespmem:v50+s16+$0x0], $0xffff  }
0x468: {  	v59 =	vadd.s32 v11, v33;
	[tilespmem:v8+s19+$0x0] =	vst.idx.msk $0xffff, v51;
	v7 =	vld.idx.msk [tilespmem:v9+s16+$0x0], $0xffff  }
0x469: {  	[tilespmem:v42+s19+$0x0] =	vst.idx.msk $0xffff, v24;
	v8 =	vadd.s32 v11, v37;
	v9 =	vld.idx.msk [tilespmem:v52+s16+$0x0], $0xffff  }
0x46a: {  	v11 =	vld [tilespmem:$0x1FCB0];
	[tilespmem:v53+s19+$0x0] =	vst.idx.msk $0xffff, v21  }
0x46b: {  	[tilespmem:v56+s19+$0x0] =	vst.idx.msk $0xffff, v55  }
0x46c: {  	[tilespmem:v58+s19+$0x0] =	vst.idx.msk $0xffff, v6  }
0x46d: {  	[tilespmem:v59+s19+$0x0] =	vst.idx.msk $0xffff, v7  }
0x46e: {  	[tilespmem:v8+s19+$0x0] =	vst.idx.msk $0xffff, v9  }
0x46f: {  	v6 =	vld [tilespmem:$0x1FCC0];
	_ =	sdelay $0x1  }
0x470: {  	v57 =	vor.u32 v10, v28  }
0x471: {  	v17 =	vld.idx.msk [tilespmem:v11+s16+$0x0], $0xffff;
	_ =	sdelay $0x2  }
0x472: {  	v60 =	vor.u32 v10, v34  }
0x473: {  	v54 =	vor.u32 v10, v18;
	v2 =	vld.idx.msk [tilespmem:v57+s16+$0x0], $0xffff  }
0x474: {  	v61 =	vadd.s32 v15, v31;
	v4 =	vld.idx.msk [tilespmem:v25+s16+$0x0], $0xffff;
	[tilespmem:v6+s19+$0x0] =	vst.idx.msk $0xffff, v17  }
0x475: {  	v62 =	vadd.s32 v15, v29;
	v7 =	vld [tilespmem:$0x1FCD0]  }
0x476: {  	v5 =	vld.idx.msk [tilespmem:v22+s16+$0x0], $0xffff  }
0x477: {  	v63 =	vld.idx.msk [tilespmem:v60+s16+$0x0], $0xffff  }
0x478: {  	v1 =	vld.idx.msk [tilespmem:v54+s16+$0x0], $0xffff  }
0x479: {  	[tilespmem:v61+s19+$0x0] =	vst.idx.msk $0xffff, v2  }
0x47a: {  	[tilespmem:v62+s19+$0x0] =	vst.idx.msk $0xffff, v4  }
0x47b: {  	[tilespmem:v32+s19+$0x0] =	vst.idx.msk $0xffff, v5  }
0x47c: {  	[tilespmem:v30+s19+$0x0] =	vst.idx.msk $0xffff, v63  }
0x47d: {  	s0 =	simm.s32 $0xA400;
	[tilespmem:v7+s19+$0x0] =	vst.idx.msk $0xffff, v1  }
0x47e: {  	[hbm4b:s9+s3] =	stream.linear.scatter [tilespmem:s0], [sflag:$0x3], $0x80, $0x38;
	[tilespmem:$0xE800] =	vst v63  }
0x47f: {  	s13 =	simm.s32 $0xA488;
	s1 =	sadd.s32 $0x10, s9  }
0x480: {  	[hbm4b:s1+s3] =	stream.linear.scatter [tilespmem:s13], [sflag:$0x3], $0x80, $0x38;
	[tilespmem:$0xE800] =	vst v63  }
0x481: {  	s20 =	simm.s32 $0xA510;
	s29 =	sadd.s32 $0x20, s9;
	s30 =	simm.s32 $0xA598  }
0x482: {  	[hbm4b:s29+s3] =	stream.linear.scatter [tilespmem:s20], [sflag:$0x3], $0x80, $0x38;
	[tilespmem:$0xE800] =	vst v63  }
0x483: {  	s31 =	sadd.s32 $0x30, s9;
	s12 =	simm.s32 $0xA620;
	s28 =	sadd.s32 $0x4000, s9  }
0x484: {  	[hbm4b:s31+s3] =	stream.linear.scatter [tilespmem:s30], [sflag:$0x3], $0x80, $0x38;
	[tilespmem:$0xE800] =	vst v63  }
0x485: {  	s0 =	simm.s32 $0x440;
	s13 =	sadd.s32 $0x40, s9;
	s1 =	simm.s32 $0x2200  }
0x486: {  	[hbm4b:s13+s3] =	stream.linear.scatter [tilespmem:s12], [sflag:$0x3], $0x80, $0x38;
	[tilespmem:$0xE800] =	vst v63  }
0x487: {  	s20 =	simm.s32 $0xA6A8;
	s29 =	sadd.s32 $0x50, s9;
	s30 =	simm.s32 $0xA730  }
0x488: {  	[hbm4b:s29+s3] =	stream.linear.scatter [tilespmem:s20], [sflag:$0x3], $0x80, $0x38;
	[tilespmem:$0xE800] =	vst v63  }
0x489: {  	s31 =	sadd.s32 $0x60, s9;
	s12 =	simm.s32 $0xA7B8;
	s13 =	sadd.s32 $0x70, s9  }
0x48a: {  	[hbm4b:s31+s3] =	stream.linear.scatter [tilespmem:s30], [sflag:$0x3], $0x80, $0x38;
	[tilespmem:$0xE800] =	vst v63  }
.LBB2_22:
0x48b: {  	[hbm4b:s13+s3] =	stream.linear.scatter [tilespmem:s12], [sflag:$0x3], $0x80, $0x38;
	[tilespmem:$0xE800] =	vst v63  }
0x48c: {  	s12 =	smov.u32 s0;
	s0 =	smov.u32 s1  }
0x48d: {  	s20 =	sadd.s32 $0x1100, s1;
	s0 =	sshra.s32 s0, $0x2;
	s13 =	sadd.s32 $0xA400, s12  }
0x48e: {  	[hbm4b:s28+s3] =	stream.linear.scatter [tilespmem:s13], [sflag:$0x3], $0x80, $0x38;
	[tilespmem:$0xE800] =	vst v63  }
0x48f: {  	p0 =	sne.s32 s1, $0x7700;
	s1 =	sadd.s32 $0xA488, s12;
	s13 =	sadd.s32 $0x10, s28  }
0x490: {  	[hbm4b:s13+s3] =	stream.linear.scatter [tilespmem:s1], [sflag:$0x3], $0x80, $0x38;
	[tilespmem:$0xE800] =	vst v63  }
0x491: {  	s1 =	sadd.s32 $0xA510, s12;
	s13 =	sadd.s32 $0x20, s28  }
0x492: {  	[hbm4b:s13+s3] =	stream.linear.scatter [tilespmem:s1], [sflag:$0x3], $0x80, $0x38;
	[tilespmem:$0xE800] =	vst v63  }
0x493: {  	s1 =	sadd.s32 $0xA598, s12;
	s13 =	sadd.s32 $0x30, s28  }
0x494: {  	[hbm4b:s13+s3] =	stream.linear.scatter [tilespmem:s1], [sflag:$0x3], $0x80, $0x38;
	[tilespmem:$0xE800] =	vst v63  }
0x495: {  	s1 =	sadd.s32 $0xA620, s12;
	s13 =	sadd.s32 $0x40, s28  }
0x496: {  	[hbm4b:s13+s3] =	stream.linear.scatter [tilespmem:s1], [sflag:$0x3], $0x80, $0x38;
	[tilespmem:$0xE800] =	vst v63  }
.Ltmp10:
0x497: {  	s1 =	sadd.s32 $0xA6A8, s12;
	s13 =	sadd.s32 $0x50, s28;
	(pc) =	sbr.rel @p0 .LBB2_22-.Ltmp10, $4  }
0x498: {  	[hbm4b:s13+s3] =	stream.linear.scatter [tilespmem:s1], [sflag:$0x3], $0x80, $0x38;
	[tilespmem:$0xE800] =	vst v63  }
0x499: {  	s1 =	sadd.s32 $0xA730, s12;
	s13 =	sadd.s32 $0x60, s28;
	s12 =	sadd.s32 $0xA7B8, s12  }
0x49a: {  	[hbm4b:s13+s3] =	stream.linear.scatter [tilespmem:s1], [sflag:$0x3], $0x80, $0x38;
	[tilespmem:$0xE800] =	vst v63  }
0x49b: {  	s13 =	sadd.s32 $0x70, s28;
	s28 =	sadd.s32 $0x4000, s28;
	s1 =	smov.u32 s20  }
0x49c: {  	[hbm4b:s13+s3] =	stream.linear.scatter [tilespmem:s12], [sflag:$0x3], $0x80, $0x38;
	[tilespmem:$0xE800] =	vst v63  }
0x49d: {  	s1 =	sadd.s32 $0xA400, s0  }
0x49e: {  	[hbm4b:s28+s3] =	stream.linear.scatter [tilespmem:s1], [sflag:$0x3], $0x80, $0x38;
	[tilespmem:$0xE800] =	vst v63  }
0x49f: {  	s20 =	sadd.s32 $0xA488, s0;
	s29 =	sadd.s32 $0x10, s28  }
0x4a0: {  	[hbm4b:s29+s3] =	stream.linear.scatter [tilespmem:s20], [sflag:$0x3], $0x80, $0x38;
	[tilespmem:$0xE800] =	vst v63  }
0x4a1: {  	s30 =	sadd.s32 $0xA510, s0;
	s31 =	sadd.s32 $0x20, s28  }
0x4a2: {  	[hbm4b:s31+s3] =	stream.linear.scatter [tilespmem:s30], [sflag:$0x3], $0x80, $0x38;
	[tilespmem:$0xE800] =	vst v63  }
0x4a3: {  	s12 =	sadd.s32 $0xA598, s0;
	s13 =	sadd.s32 $0x30, s28  }
0x4a4: {  	[hbm4b:s13+s3] =	stream.linear.scatter [tilespmem:s12], [sflag:$0x3], $0x80, $0x38;
	[tilespmem:$0xE800] =	vst v63  }
0x4a5: {  	s20 =	sadd.s32 $0xA620, s0;
	s29 =	sadd.s32 $0x40, s28;
	s13 =	simm.s32 $0x0  }
0x4a6: {  	[hbm4b:s29+s3] =	stream.linear.scatter [tilespmem:s20], [sflag:$0x3], $0x80, $0x38;
	[tilespmem:$0xE800] =	vst v63  }
0x4a7: {  	s30 =	sadd.s32 $0xA6A8, s0;
	s31 =	sadd.s32 $0x50, s28;
	v0 =	vadd.s32 s13, v13;
	s20 =	simm.s32 $0x1  }
0x4a8: {  	v11 =	vld [tilespmem:$0x1FF60];
	v49 =	vlaneseq.u32;
	v2 =	vand.u32 $0x7, v0;
	[hbm4b:s31+s3] =	stream.linear.scatter [tilespmem:s30], [sflag:$0x3], $0x80, $0x38  }
0x4a9: {  	s29 =	sadd.s32 $0xA730, s0;
	v4 =	vshrl.u32 v0, $0x3;
	v47 =	vand.u32 $0x3F, v0;
	v1 =	vadd.s32 s20, v13;
	s30 =	sadd.s32 $0x60, s28;
	s31 =	simm.s32 $0x2  }
0x4aa: {  	v2 =	vmul.u32 $0x88, v2;
	v4 =	vand.u32 $0x7, v4;
	v3 =	vadd.s32 s31, v13;
	[hbm4b:s30+s3] =	stream.linear.scatter [tilespmem:s29], [sflag:$0x3], $0x80, $0x38;
	[tilespmem:$0xE800] =	vst v63  }
0x4ab: {  	s1 =	sadd.s32 $0xA7B8, s0;
	s12 =	sadd.s32 $0x70, s28;
	v18 =	vand.u32 $0x3F, v1;
	v7 =	vand.u32 $0x7, v1;
	v41 =	vand.u32 $0x3F, v3  }
0x4ac: {  	v1 =	vshrl.u32 v1, $0x3;
	v4 =	vmul.u32 $0x440, v4;
	v9 =	vor.u32 v10, v41;
	[hbm4b:s12+s3] =	stream.linear.scatter [tilespmem:s1], [sflag:$0x3], $0x80, $0x38;
	[tilespmem:$0xE800] =	vst v63  }
0x4ad: {  	s13 =	simm.s32 $0x3;
	v5 =	vor.u32 v11, v18;
	v7 =	vmul.u32 $0x88, v7;
	v1 =	vand.u32 $0x7, v1;
	[tilespmem:$0x1FC50] =	vst v9  }
0x4ae: {  	v8 =	vshrl.u32 v3, $0x3;
	v0 =	vand.u32 $0x7, v3;
	v3 =	vadd.s32 s13, v13;
	_ =	swait.ge [sflag:s21], $0x2000  }
0x4af: {  	v1 =	vmul.u32 $0x440, v1;
	v35 =	vadd.s32 v2, v4;
	v2 =	vor.u32 v10, v47;
	[sflag:s21] =	ssyncset.done $0x0  }
0x4b0: {  	v24 =	vand.u32 $0x3F, v3;
	v8 =	vand.u32 $0x7, v8;
	v9 =	vor.u32 v11, v47;
	[sflag:s21] =	ssyncadd.s32 $0xFFFFE000  }
0x4b1: {  	v20 =	vshrl.u32 v3, $0x3;
	v3 =	vand.u32 $0x7, v3;
	v19 =	vor.u32 v11, v24;
	_ =	swait.ge [sflag:s25], $0x2000  }
0x4b2: {  	v0 =	vmul.u32 $0x88, v0;
	v20 =	vand.u32 $0x7, v20;
	v3 =	vmul.u32 $0x88, v3;
	[sflag:s25] =	ssyncset.done $0x0  }
0x4b3: {  	v36 =	vadd.s32 v7, v1;
	v53 =	vmul.u32 $0x440, v8;
	v1 =	vmul.u32 $0x440, v20;
	[sflag:s25] =	ssyncadd.s32 $0xFFFFE000  }
0x4b4: {  	v8 =	vadd.s32 v49, v36;
	v5 =	vld.idx.msk [tilespmem:v5+s17+$0x0], $0xffff;
	[tilespmem:$0x1FC60] =	vst v2  }
0x4b5: {  	v27 =	vadd.s32 v0, v53;
	v39 =	vadd.s32 v3, v1;
	v1 =	vadd.s32 v49, v35;
	v2 =	vld.idx.msk [tilespmem:v9+s17+$0x0], $0xffff  }
0x4b6: {  	v16 =	vmov v10;
	v10 =	vadd.s32 v15, v27;
	v54 =	vadd.s32 v49, v39;
	v0 =	vld.idx.msk [tilespmem:v19+s17+$0x0], $0xffff  }
0x4b7: {  	v12 =	vmov v13;
	v13 =	vld [tilespmem:$0x1FF70];
	[tilespmem:$0x1FC70] =	vst v10;
	v10 =	vadd.s32 v15, v36  }
0x4b8: {  	v20 =	vld [tilespmem:$0x1FF80];
	[tilespmem:$0x1FC80] =	vst v10  }
0x4b9: {  	v19 =	vmov v15;
	v15 =	vld [tilespmem:$0x1FF90];
	[tilespmem:v8+s22+$0x0] =	vst.idx.msk $0xffff, v5  }
0x4ba: {  	v6 =	vor.u32 v11, v41;
	[tilespmem:v1+s22+$0x0] =	vst.idx.msk $0xffff, v2  }
0x4bb: {  	v21 =	vld [tilespmem:$0x1FFC0];
	[tilespmem:v54+s22+$0x0] =	vst.idx.msk $0xffff, v0  }
0x4bc: {  	v2 =	vld [tilespmem:$0x1FF30]  }
0x4bd: {  	v55 =	vor.u32 v13, v24;
	_ =	sdelay $0x1  }
0x4be: {  	v9 =	vadd.s32 v49, v27;
	v6 =	vld.idx.msk [tilespmem:v6+s17+$0x0], $0xffff;
	v60 =	vor.u32 v13, v47;
	_ =	sdelay $0x1  }
0x4bf: {  	v61 =	vor.u32 v2, v47  }
0x4c0: {  	v22 =	vor.u32 v13, v18;
	v0 =	vld.idx.msk [tilespmem:v55+s17+$0x0], $0xffff;
	v63 =	vor.u32 v2, v18;
	[tilespmem:$0x1FC90] =	vst v61  }
0x4c1: {  	v3 =	vor.u32 v13, v41;
	v62 =	vadd.s32 v20, v39;
	v17 =	vld [tilespmem:$0x1FF10];
	[tilespmem:$0x1FCA0] =	vst v63  }
0x4c2: {  	v23 =	vor.u32 v15, v24;
	[tilespmem:v9+s22+$0x0] =	vst.idx.msk $0xffff, v6;
	v5 =	vld.idx.msk [tilespmem:v60+s17+$0x0], $0xffff  }
0x4c3: {  	v29 =	vadd.s32 v20, v35;
	v10 =	vld [tilespmem:$0x1FFA0]  }
0x4c4: {  	v30 =	vor.u32 v15, v47  }
0x4c5: {  	v1 =	vadd.s32 v20, v36;
	v22 =	vld.idx.msk [tilespmem:v22+s17+$0x0], $0xffff  }
0x4c6: {  	v25 =	vadd.s32 v20, v27;
	v8 =	vor.u32 v15, v18;
	[tilespmem:v62+s22+$0x0] =	vst.idx.msk $0xffff, v0;
	v3 =	vld.idx.msk [tilespmem:v3+s17+$0x0], $0xffff  }
0x4c7: {  	v31 =	vadd.s32 v17, v36;
	v37 =	vadd.s32 v17, v27;
	v33 =	vadd.s32 v17, v39;
	v38 =	vld.idx.msk [tilespmem:v23+s17+$0x0], $0xffff  }
0x4c8: {  	s20 =	simm.s32 $0x4;
	v45 =	vadd.s32 v17, v35;
	v17 =	vld [tilespmem:$0x1FFB0];
	[tilespmem:v29+s22+$0x0] =	vst.idx.msk $0xffff, v5;
	v44 =	vor.u32 v10, v24  }
0x4c9: {  	v50 =	vadd.s32 s20, v12;
	s30 =	simm.s32 $0x6;
	v48 =	vor.u32 v14, v24;
	v28 =	vor.u32 v15, v41;
	v29 =	vld.idx.msk [tilespmem:v30+s17+$0x0], $0xffff  }
0x4ca: {  	s31 =	simm.s32 $0x7;
	v51 =	vadd.s32 s30, v12;
	v59 =	vadd.s32 v21, v35;
	v42 =	vadd.s32 v21, v39;
	[tilespmem:v1+s22+$0x0] =	vst.idx.msk $0xffff, v22  }
0x4cb: {  	v6 =	vor.u32 v14, v47;
	v60 =	vadd.s32 s31, v12;
	v46 =	vor.u32 v10, v47;
	v8 =	vld.idx.msk [tilespmem:v8+s17+$0x0], $0xffff  }
0x4cc: {  	v23 =	vand.u32 $0x7, v50;
	v32 =	vor.u32 v10, v18;
	v43 =	vor.u32 v10, v41;
	[tilespmem:v33+s22+$0x0] =	vst.idx.msk $0xffff, v38  }
0x4cd: {  	s29 =	simm.s32 $0x5;
	v1 =	vshrl.u32 v50, $0x3;
	[tilespmem:v25+s22+$0x0] =	vst.idx.msk $0xffff, v3;
	v5 =	vadd.s32 v17, v39;
	v38 =	vand.u32 $0x3F, v50;
	v50 =	vld.idx.msk [tilespmem:v44+s17+$0x0], $0xffff  }
0x4ce: {  	v30 =	vadd.s32 s29, v12;
	v3 =	vand.u32 $0x7, v51;
	v52 =	vadd.s32 v17, v35;
	[tilespmem:v45+s22+$0x0] =	vst.idx.msk $0xffff, v29;
	v29 =	vld.idx.msk [tilespmem:v28+s17+$0x0], $0xffff  }
0x4cf: {  	v34 =	vand.u32 $0x3F, v30;
	v58 =	vand.u32 $0x7, v30;
	v33 =	vshrl.u32 v51, $0x3  }
0x4d0: {  	v56 =	vor.u32 v11, v34;
	v33 =	vand.u32 $0x7, v33;
	v45 =	vmul.u32 $0x88, v58;
	[tilespmem:v31+s22+$0x0] =	vst.idx.msk $0xffff, v8;
	v58 =	vld.idx.msk [tilespmem:v46+s17+$0x0], $0xffff  }
0x4d1: {  	v53 =	vadd.s32 v17, v36;
	v3 =	vmul.u32 $0x88, v3;
	v33 =	vmul.u32 $0x440, v33;
	v31 =	vld.idx.msk [tilespmem:v32+s17+$0x0], $0xffff  }
0x4d2: {  	v9 =	vor.u32 v14, v18;
	v30 =	vshrl.u32 v30, $0x3;
	v8 =	vand.u32 $0x7, v60;
	[tilespmem:v5+s22+$0x0] =	vst.idx.msk $0xffff, v50  }
0x4d3: {  	v33 =	vadd.s32 v3, v33;
	v3 =	vand.u32 $0x7, v30;
	v5 =	vmul.u32 $0x88, v8;
	[tilespmem:v37+s22+$0x0] =	vst.idx.msk $0xffff, v29;
	v8 =	vld.idx.msk [tilespmem:v48+s17+$0x0], $0xffff  }
0x4d4: {  	v55 =	vmul.u32 $0x88, v23;
	v61 =	vor.u32 v11, v38;
	v3 =	vmul.u32 $0x440, v3;
	v48 =	vld.idx.msk [tilespmem:v43+s17+$0x0], $0xffff  }
0x4d5: {  	v1 =	vand.u32 $0x7, v1;
	v54 =	vadd.s32 v17, v27;
	v29 =	vshrl.u32 v60, $0x3;
	[tilespmem:v52+s22+$0x0] =	vst.idx.msk $0xffff, v58;
	v58 =	vld.idx.msk [tilespmem:v56+s17+$0x0], $0xffff  }
0x4d6: {  	v1 =	vmul.u32 $0x440, v1;
	v37 =	vadd.s32 v45, v3;
	v29 =	vand.u32 $0x7, v29;
	[tilespmem:v53+s22+$0x0] =	vst.idx.msk $0xffff, v31;
	v6 =	vld.idx.msk [tilespmem:v6+s17+$0x0], $0xffff  }
0x4d7: {  	v7 =	vor.u32 v14, v41;
	v53 =	vadd.s32 v49, v37;
	v3 =	vmul.u32 $0x440, v29;
	v9 =	vld.idx.msk [tilespmem:v9+s17+$0x0], $0xffff  }
0x4d8: {  	v4 =	vadd.s32 v21, v36;
	v0 =	vor.u32 v2, v24;
	v29 =	vadd.s32 v55, v1;
	v14 =	vld [tilespmem:$0x1FF40]  }
0x4d9: {  	v31 =	vadd.s32 v5, v3;
	v3 =	vld.idx.msk [tilespmem:v61+s17+$0x0], $0xffff;
	[tilespmem:v42+s22+$0x0] =	vst.idx.msk $0xffff, v8;
	v8 =	vadd.s32 v49, v29  }
0x4da: {  	v23 =	vand.u32 $0x3F, v51;
	[tilespmem:v54+s22+$0x0] =	vst.idx.msk $0xffff, v48  }
0x4db: {  	v57 =	vor.u32 v11, v23;
	v28 =	vand.u32 $0x3F, v60;
	[tilespmem:v59+s22+$0x0] =	vst.idx.msk $0xffff, v6  }
0x4dc: {  	v62 =	vor.u32 v11, v28;
	v6 =	vld [tilespmem:$0x1FF50];
	[tilespmem:v53+s22+$0x0] =	vst.idx.msk $0xffff, v58  }
0x4dd: {  	v1 =	vld [tilespmem:$0x1FC90];
	[tilespmem:v4+s22+$0x0] =	vst.idx.msk $0xffff, v9  }
0x4de: {  	v26 =	vor.u32 v2, v41;
	v63 =	vor.u32 v13, v34;
	v2 =	vld.idx.msk [tilespmem:v0+s17+$0x0], $0xffff;
	[tilespmem:v8+s22+$0x0] =	vst.idx.msk $0xffff, v3  }
0x4df: {  	v5 =	vadd.s32 v14, v39;
	v0 =	vor.u32 v13, v38;
	v3 =	vld [tilespmem:$0x1FCA0]  }
0x4e0: {  	v40 =	vadd.s32 v21, v27;
	v22 =	vor.u32 v16, v23;
	v25 =	vor.u32 v16, v38;
	v46 =	vld.idx.msk [tilespmem:v57+s17+$0x0], $0xffff  }
0x4e1: {  	v44 =	vor.u32 v13, v23;
	v51 =	vor.u32 v13, v28;
	v32 =	vadd.s32 v19, v33;
	v57 =	vld.idx.msk [tilespmem:v62+s17+$0x0], $0xffff  }
0x4e2: {  	v50 =	vadd.s32 v49, v33;
	v45 =	vor.u32 v15, v23;
	v30 =	vadd.s32 v19, v37;
	v60 =	vld.idx.msk [tilespmem:v7+s17+$0x0], $0xffff  }
0x4e3: {  	v43 =	vadd.s32 v20, v33;
	v56 =	vor.u32 v15, v28;
	v42 =	vadd.s32 v19, v39;
	v62 =	vld.idx.msk [tilespmem:v63+s17+$0x0], $0xffff  }
0x4e4: {  	v52 =	vadd.s32 v14, v36;
	v61 =	vadd.s32 v14, v35;
	v59 =	vld.idx.msk [tilespmem:v0+s17+$0x0], $0xffff;
	[tilespmem:v5+s22+$0x0] =	vst.idx.msk $0xffff, v2  }
0x4e5: {  	v58 =	vadd.s32 v14, v27;
	v63 =	vadd.s32 v20, v37;
	v0 =	vor.u32 v15, v34;
	v19 =	vld [tilespmem:$0x1FFD0]  }
0x4e6: {  	v55 =	vor.u32 v6, v18;
	v53 =	vor.u32 v6, v41;
	v54 =	vor.u32 v6, v24;
	v48 =	vld.idx.msk [tilespmem:v1+s17+$0x0], $0xffff  }
0x4e7: {  	s28 =	simm.s32 $0x8;
	v41 =	vadd.s32 v21, v29;
	v1 =	vadd.s32 v49, v31;
	v49 =	vor.u32 v6, v47;
	v47 =	vld.idx.msk [tilespmem:v3+s17+$0x0], $0xffff  }
.LBB2_24:
0x4e8: {  	v16 =	vld [tilespmem:$0x1FF80]  }
0x4e9: {  	v21 =	vld [tilespmem:$0x1FFE0]  }
0x4ea: {  	v20 =	vld [tilespmem:$0x1FFF0];
	_ =	sdelay $0x1  }
0x4eb: {  	[tilespmem:v1+s22+$0x0] =	vst.idx.msk $0xffff, v57  }
0x4ec: {  	v6 =	vld.idx.msk [tilespmem:v51+s17+$0x0], $0xffff;
	[tilespmem:v61+s22+$0x0] =	vst.idx.msk $0xffff, v48;
	v9 =	vadd.s32 v16, v31  }
0x4ed: {  	v7 =	vadd.s32 v19, v35;
	[tilespmem:v63+s22+$0x0] =	vst.idx.msk $0xffff, v62;
	v61 =	vld [tilespmem:$0x1FF20]  }
0x4ee: {  	v2 =	vadd.s32 v21, v35;
	v5 =	vor.u32 v20, v24;
	v24 =	vld.idx.msk [tilespmem:v54+s17+$0x0], $0xffff;
	v35 =	vadd.s32 v19, v39  }
0x4ef: {  	[tilespmem:v40+s22+$0x0] =	vst.idx.msk $0xffff, v60;
	v40 =	vld [tilespmem:$0x1FF30]  }
0x4f0: {  	v0 =	vld.idx.msk [tilespmem:v0+s17+$0x0], $0xffff  }
0x4f1: {  	v4 =	vld.idx.msk [tilespmem:v26+s17+$0x0], $0xffff;
	[tilespmem:v9+s22+$0x0] =	vst.idx.msk $0xffff, v6  }
0x4f2: {  	v6 =	vld.idx.msk [tilespmem:v56+s17+$0x0], $0xffff  }
0x4f3: {  	v8 =	vadd.s32 v19, v27;
	[tilespmem:v35+s22+$0x0] =	vst.idx.msk $0xffff, v24;
	v24 =	vld [tilespmem:$0x1FC60]  }
0x4f4: {  	v3 =	vor.u32 v20, v18;
	v18 =	vmov v34;
	v27 =	vadd.s32 v16, v29;
	v34 =	vld.idx.msk [tilespmem:v49+s17+$0x0], $0xffff  }
0x4f5: {  	v1 =	vadd.s32 v19, v36;
	v36 =	vor.u32 v15, v38;
	[tilespmem:v52+s22+$0x0] =	vst.idx.msk $0xffff, v47;
	v54 =	vld [tilespmem:$0x1FF10]  }
0x4f6: {  	[tilespmem:v50+s22+$0x0] =	vst.idx.msk $0xffff, v46;
	v46 =	vld.idx.msk [tilespmem:v55+s17+$0x0], $0xffff;
	_ =	sdelay $0x1  }
0x4f7: {  	v14 =	vld [tilespmem:$0x1FFC0];
	[tilespmem:v58+s22+$0x0] =	vst.idx.msk $0xffff, v4  }
0x4f8: {  	[tilespmem:v27+s22+$0x0] =	vst.idx.msk $0xffff, v59;
	v51 =	vld.idx.msk [tilespmem:v53+s17+$0x0], $0xffff  }
0x4f9: {  	v49 =	vmov v38;
	v60 =	vor.u32 v61, v38;
	v36 =	vld.idx.msk [tilespmem:v36+s17+$0x0], $0xffff;
	[tilespmem:v7+s22+$0x0] =	vst.idx.msk $0xffff, v34  }
0x4fa: {  	v48 =	vor.u32 v40, v38;
	v38 =	vadd.s32 v54, v31;
	[tilespmem:v1+s22+$0x0] =	vst.idx.msk $0xffff, v46;
	v46 =	vld.idx.msk [tilespmem:v24+s17+$0x0], $0xffff  }
0x4fb: {  	v35 =	vadd.s32 v54, v29;
	v24 =	vld [tilespmem:$0x1FC50]  }
0x4fc: {  	s0 =	smov.u32 s28  }
0x4fd: {  	s1 =	sadd.s32 $0x1, s0;
	v39 =	vadd.s32 v54, v37;
	v50 =	vadd.s32 v54, v33  }
0x4fe: {  	v9 =	vor.u32 v10, v28;
	v44 =	vld.idx.msk [tilespmem:v44+s17+$0x0], $0xffff;
	[tilespmem:v8+s22+$0x0] =	vst.idx.msk $0xffff, v51;
	v51 =	vadd.s32 s1, v12  }
0x4ff: {  	s12 =	sadd.s32 $0x2, s0;
	v54 =	vadd.s32 v14, v37;
	v5 =	vld.idx.msk [tilespmem:v5+s17+$0x0], $0xffff;
	[tilespmem:v38+s22+$0x0] =	vst.idx.msk $0xffff, v6;
	v38 =	vmov v25;
	v25 =	vand.u32 $0x7, v51  }
0x500: {  	v62 =	vadd.s32 s12, v12;
	v7 =	vadd.s32 v17, v37;
	[tilespmem:v35+s22+$0x0] =	vst.idx.msk $0xffff, v36;
	v36 =	vmovc v37;
	v37 =	vmul.u32 $0x88, v25;
	v25 =	vld [tilespmem:$0x1FC70]  }
0x501: {  	v63 =	vand.u32 $0x3F, v62  }
0x502: {  	v52 =	vadd.s32 v14, v31;
	v57 =	vor.u32 v61, v18;
	v26 =	vor.u32 v40, v23;
	v3 =	vld.idx.msk [tilespmem:v3+s17+$0x0], $0xffff  }
0x503: {  	v47 =	vor.u32 v40, v18;
	v1 =	vor.u32 v10, v49;
	[tilespmem:v39+s22+$0x0] =	vst.idx.msk $0xffff, v0;
	v39 =	vld.idx.msk [tilespmem:v24+s17+$0x0], $0xffff  }
0x504: {  	v55 =	vor.u32 v40, v28;
	v40 =	vadd.s32 v14, v33;
	v53 =	vor.u32 v61, v23;
	[tilespmem:$0x1FC60] =	vst v38  }
0x505: {  	v56 =	vor.u32 v61, v28;
	v61 =	vadd.s32 v17, v31;
	v9 =	vld.idx.msk [tilespmem:v9+s17+$0x0], $0xffff;
	[tilespmem:v42+s22+$0x0] =	vst.idx.msk $0xffff, v5  }
0x506: {  	v4 =	vor.u32 v10, v18;
	v58 =	vor.u32 v10, v23;
	v27 =	vmov v22;
	[tilespmem:v43+s22+$0x0] =	vst.idx.msk $0xffff, v44  }
0x507: {  	v59 =	vadd.s32 v17, v29;
	v8 =	vadd.s32 s0, v12;
	v42 =	vor.u32 v11, v63;
	[tilespmem:$0x1FC50] =	vst v27;
	v35 =	vld.idx.msk [tilespmem:v45+s17+$0x0], $0xffff  }
0x508: {  	v22 =	vand.u32 $0x7, v8;
	v38 =	vand.u32 $0x3F, v8;
	v1 =	vld.idx.msk [tilespmem:v1+s17+$0x0], $0xffff;
	[tilespmem:v25+s22+$0x0] =	vst.idx.msk $0xffff, v39;
	v25 =	vmov v32  }
0x509: {  	v6 =	vmul.u32 $0x88, v22;
	v22 =	vor.u32 v20, v63;
	[tilespmem:$0x1FC70] =	vst v25;
	v25 =	vor.u32 v20, v38;
	v20 =	vld [tilespmem:$0x1FC80]  }
0x50a: {  	v0 =	vadd.s32 v17, v33;
	v5 =	vshrl.u32 v8, $0x3;
	v8 =	vand.u32 $0x7, v62;
	[tilespmem:v61+s22+$0x0] =	vst.idx.msk $0xffff, v9  }
0x50b: {  	v34 =	vand.u32 $0x3F, v51;
	v8 =	vmul.u32 $0x88, v8;
	v9 =	vshrl.u32 v51, $0x3;
	[tilespmem:v2+s22+$0x0] =	vst.idx.msk $0xffff, v46  }
0x50c: {  	v5 =	vand.u32 $0x7, v5;
	v9 =	vand.u32 $0x7, v9;
	v2 =	vor.u32 v11, v38;
	v46 =	vld.idx.msk [tilespmem:v42+s17+$0x0], $0xffff;
	[tilespmem:v50+s22+$0x0] =	vst.idx.msk $0xffff, v35  }
0x50d: {  	s0 =	sadd.s32 $0x3, s0;
	v27 =	vmov v33;
	v33 =	vor.u32 v11, v34;
	v9 =	vmul.u32 $0x440, v9;
	[tilespmem:v59+s22+$0x0] =	vst.idx.msk $0xffff, v1;
	v1 =	vld.idx.msk [tilespmem:v58+s17+$0x0], $0xffff  }
0x50e: {  	v5 =	vmul.u32 $0x440, v5;
	v59 =	vor.u32 v13, v34;
	v45 =	vadd.s32 s0, v12;
	v58 =	vld.idx.msk [tilespmem:v60+s17+$0x0], $0xffff  }
0x50f: {  	v37 =	vadd.s32 v37, v9;
	v24 =	vmovc v28;
	v43 =	vshrl.u32 v62, $0x3;
	v28 =	vand.u32 $0x3F, v45  }
0x510: {  	v4 =	vld.idx.msk [tilespmem:v4+s17+$0x0], $0xffff;
	v44 =	vor.u32 v13, v63;
	v62 =	vand.u32 $0x7, v43;
	v51 =	vor.u32 v13, v28  }
0x511: {  	v2 =	vld.idx.msk [tilespmem:v2+s17+$0x0], $0xffff;
	v42 =	vor.u32 v11, v28;
	v35 =	vmov v29;
	[tilespmem:v20+s22+$0x0] =	vst.idx.msk $0xffff, v3;
	v3 =	vmul.u32 $0x440, v62  }
0x512: {  	v29 =	vadd.s32 v6, v5;
	[tilespmem:v0+s22+$0x0] =	vst.idx.msk $0xffff, v1;
	v0 =	vor.u32 v13, v38;
	v61 =	vld.idx.msk [tilespmem:v33+s17+$0x0], $0xffff  }
0x513: {  	v39 =	vand.u32 $0x7, v45;
	[tilespmem:v41+s22+$0x0] =	vst.idx.msk $0xffff, v58;
	v20 =	vmov v30;
	v33 =	vadd.s32 v8, v3;
	v8 =	vld.idx.msk [tilespmem:v56+s17+$0x0], $0xffff  }
0x514: {  	v41 =	vadd.s32 v14, v29;
	v62 =	vlaneseq.u32;
	v30 =	vshrl.u32 v45, $0x3;
	[tilespmem:$0x1FC80] =	vst v20;
	v20 =	vld [tilespmem:$0x1FF40]  }
0x515: {  	v48 =	vld.idx.msk [tilespmem:v48+s17+$0x0], $0xffff;
	v45 =	vand.u32 $0x7, v30;
	[tilespmem:v7+s22+$0x0] =	vst.idx.msk $0xffff, v4;
	v4 =	vadd.s32 v62, v37  }
0x516: {  	v30 =	vadd.s32 v21, v37;
	v7 =	vld [tilespmem:$0x1FF50];
	v3 =	vmul.u32 $0x88, v39;
	v39 =	vmovc v31;
	v60 =	vmul.u32 $0x440, v45  }
0x517: {  	v9 =	vld.idx.msk [tilespmem:v57+s17+$0x0], $0xffff;
	v56 =	vor.u32 v15, v28;
	v45 =	vor.u32 v15, v63;
	v50 =	vadd.s32 v62, v33  }
0x518: {  	v57 =	vld.idx.msk [tilespmem:v42+s17+$0x0], $0xffff;
	v31 =	vadd.s32 v3, v60;
	v3 =	vadd.s32 v62, v29;
	[tilespmem:v52+s22+$0x0] =	vst.idx.msk $0xffff, v8  }
0x519: {  	p0 =	slt.u32 s28, $0x3C;
	v32 =	vadd.s32 v21, v33;
	v43 =	vadd.s32 v16, v33;
	v5 =	vadd.s32 v20, v39;
	v6 =	vld.idx.msk [tilespmem:v55+s17+$0x0], $0xffff  }
.Ltmp11:
0x51a: {  	v42 =	vadd.s32 v21, v39;
	v60 =	vld.idx.msk [tilespmem:v53+s17+$0x0], $0xffff;
	v1 =	vadd.s32 v62, v31;
	v58 =	vadd.s32 v20, v27;
	(pc) =	sbr.rel @p0 .LBB2_24-.Ltmp11, $4  }
0x51b: {  	[tilespmem:v4+s22+$0x0] =	vst.idx.msk $0xffff, v61;
	v53 =	vor.u32 v7, v23;
	v23 =	vmov v63;
	v61 =	vadd.s32 v20, v35  }
0x51c: {  	v63 =	vadd.s32 v16, v37;
	v49 =	vor.u32 v7, v49;
	v62 =	vld.idx.msk [tilespmem:v59+s17+$0x0], $0xffff;
	[tilespmem:v54+s22+$0x0] =	vst.idx.msk $0xffff, v9  }
0x51d: {  	v52 =	vadd.s32 v20, v36;
	v54 =	vor.u32 v7, v24;
	v47 =	vld.idx.msk [tilespmem:v47+s17+$0x0], $0xffff;
	[tilespmem:v3+s22+$0x0] =	vst.idx.msk $0xffff, v2  }
0x51e: {  	s28 =	sadd.s32 $0x4, s28;
	v55 =	vor.u32 v7, v18;
	v59 =	vld.idx.msk [tilespmem:v0+s17+$0x0], $0xffff;
	v0 =	vor.u32 v15, v34;
	[tilespmem:v5+s22+$0x0] =	vst.idx.msk $0xffff, v6  }
0x51f: {  	_ =	sdelay $0x3  }
0x520: {  	[tilespmem:v1+s22+$0x0] =	vst.idx.msk $0xffff, v57  }
0x521: {  	v13 =	vld [tilespmem:$0x1FF80];
	_ =	sdelay $0x4  }
0x522: {  	v1 =	vld.idx.msk [tilespmem:v51+s17+$0x0], $0xffff;
	v2 =	vadd.s32 v13, v31;
	_ =	sdelay $0x3  }
0x523: {  	[tilespmem:v50+s22+$0x0] =	vst.idx.msk $0xffff, v46  }
0x524: {  	[tilespmem:v2+s22+$0x0] =	vst.idx.msk $0xffff, v1  }
0x525: {  	v3 =	vadd.s32 v13, v29;
	v16 =	vld [tilespmem:$0x1FF10]  }
0x526: {  	v4 =	vor.u32 v15, v38;
	v5 =	vld.idx.msk [tilespmem:v44+s17+$0x0], $0xffff;
	_ =	sdelay $0x3  }
0x527: {  	v2 =	vld.idx.msk [tilespmem:v56+s17+$0x0], $0xffff;
	[tilespmem:v3+s22+$0x0] =	vst.idx.msk $0xffff, v59;
	v1 =	vadd.s32 v16, v31  }
0x528: {  	v3 =	vor.u32 v10, v28;
	[tilespmem:v43+s22+$0x0] =	vst.idx.msk $0xffff, v5;
	v4 =	vld.idx.msk [tilespmem:v4+s17+$0x0], $0xffff;
	v6 =	vadd.s32 v16, v29  }
0x529: {  	[tilespmem:v63+s22+$0x0] =	vst.idx.msk $0xffff, v62;
	v8 =	vld.idx.msk [tilespmem:v45+s17+$0x0], $0xffff;
	v5 =	vadd.s32 v16, v33  }
0x52a: {  	[tilespmem:v40+s22+$0x0] =	vst.idx.msk $0xffff, v60;
	v0 =	vld.idx.msk [tilespmem:v0+s17+$0x0], $0xffff;
	v9 =	vadd.s32 v16, v37  }
0x52b: {  	[tilespmem:v61+s22+$0x0] =	vst.idx.msk $0xffff, v48  }
0x52c: {  	v7 =	vor.u32 v10, v38;
	v26 =	vld.idx.msk [tilespmem:v26+s17+$0x0], $0xffff;
	[tilespmem:v1+s22+$0x0] =	vst.idx.msk $0xffff, v2  }
0x52d: {  	v1 =	vadd.s32 v17, v31;
	[tilespmem:v6+s22+$0x0] =	vst.idx.msk $0xffff, v4;
	v2 =	vld.idx.msk [tilespmem:v3+s17+$0x0], $0xffff  }
0x52e: {  	v20 =	vld [tilespmem:$0x1FF20];
	[tilespmem:v5+s22+$0x0] =	vst.idx.msk $0xffff, v8  }
0x52f: {  	v59 =	vor.u32 v10, v23;
	[tilespmem:v9+s22+$0x0] =	vst.idx.msk $0xffff, v0  }
0x530: {  	v60 =	vor.u32 v10, v34;
	v63 =	vld.idx.msk [tilespmem:v54+s17+$0x0], $0xffff;
	[tilespmem:v52+s22+$0x0] =	vst.idx.msk $0xffff, v47  }
0x531: {  	v4 =	vadd.s32 v17, v29;
	v6 =	vld.idx.msk [tilespmem:v7+s17+$0x0], $0xffff;
	[tilespmem:v58+s22+$0x0] =	vst.idx.msk $0xffff, v26  }
0x532: {  	v56 =	vld.idx.msk [tilespmem:v49+s17+$0x0], $0xffff;
	[tilespmem:v1+s22+$0x0] =	vst.idx.msk $0xffff, v2  }
0x533: {  	v3 =	vor.u32 v20, v28;
	v15 =	vld [tilespmem:$0x1FFC0]  }
0x534: {  	v0 =	vadd.s32 v17, v33;
	v61 =	vld.idx.msk [tilespmem:v59+s17+$0x0], $0xffff;
	v5 =	vor.u32 v20, v38  }
0x535: {  	v9 =	vadd.s32 v17, v37;
	v62 =	vld.idx.msk [tilespmem:v60+s17+$0x0], $0xffff;
	v8 =	vor.u32 v20, v23  }
0x536: {  	v39 =	vadd.s32 v19, v39;
	v50 =	vld.idx.msk [tilespmem:v55+s17+$0x0], $0xffff;
	v21 =	vor.u32 v20, v34;
	[tilespmem:v4+s22+$0x0] =	vst.idx.msk $0xffff, v6  }
0x537: {  	v48 =	vadd.s32 v19, v36;
	v14 =	vld [tilespmem:$0x1FF30]  }
0x538: {  	v2 =	vld.idx.msk [tilespmem:v3+s17+$0x0], $0xffff;
	v1 =	vadd.s32 v15, v31  }
0x539: {  	[tilespmem:v0+s22+$0x0] =	vst.idx.msk $0xffff, v61;
	v4 =	vld.idx.msk [tilespmem:v5+s17+$0x0], $0xffff  }
0x53a: {  	[tilespmem:v9+s22+$0x0] =	vst.idx.msk $0xffff, v62;
	v51 =	vld.idx.msk [tilespmem:v8+s17+$0x0], $0xffff;
	v5 =	vadd.s32 v15, v33  }
0x53b: {  	[tilespmem:v39+s22+$0x0] =	vst.idx.msk $0xffff, v63;
	v9 =	vld.idx.msk [tilespmem:v21+s17+$0x0], $0xffff;
	v8 =	vadd.s32 v15, v37  }
0x53c: {  	v54 =	vadd.s32 v19, v35;
	v58 =	vld.idx.msk [tilespmem:v53+s17+$0x0], $0xffff;
	[tilespmem:v48+s22+$0x0] =	vst.idx.msk $0xffff, v50  }
0x53d: {  	v57 =	vadd.s32 v19, v27;
	v16 =	vld [tilespmem:$0x1FFF0];
	[tilespmem:v1+s22+$0x0] =	vst.idx.msk $0xffff, v2  }
0x53e: {  	v36 =	vld [tilespmem:$0x1FF40];
	[tilespmem:v41+s22+$0x0] =	vst.idx.msk $0xffff, v4  }
0x53f: {  	v41 =	vld [tilespmem:$0x1FF50];
	[tilespmem:v5+s22+$0x0] =	vst.idx.msk $0xffff, v51  }
0x540: {  	v3 =	vor.u32 v14, v28;
	[tilespmem:v8+s22+$0x0] =	vst.idx.msk $0xffff, v9  }
0x541: {  	[tilespmem:v54+s22+$0x0] =	vst.idx.msk $0xffff, v56  }
0x542: {  	v0 =	vor.u32 v14, v38;
	[tilespmem:v57+s22+$0x0] =	vst.idx.msk $0xffff, v58  }
0x543: {  	v52 =	vor.u32 v14, v23;
	v10 =	vld [tilespmem:$0x1FC60]  }
0x544: {  	v55 =	vor.u32 v14, v34  }
0x545: {  	v24 =	vor.u32 v16, v24;
	v2 =	vld.idx.msk [tilespmem:v3+s17+$0x0], $0xffff  }
0x546: {  	v12 =	vld [tilespmem:$0x1FFE0];
	v1 =	vadd.s32 v36, v31  }
0x547: {  	v0 =	vld.idx.msk [tilespmem:v0+s17+$0x0], $0xffff;
	v3 =	vadd.s32 v36, v29;
	v4 =	vor.u32 v41, v28  }
0x548: {  	v7 =	vld.idx.msk [tilespmem:v52+s17+$0x0], $0xffff;
	v5 =	vadd.s32 v36, v33;
	v59 =	vor.u32 v41, v38  }
0x549: {  	v60 =	vld.idx.msk [tilespmem:v55+s17+$0x0], $0xffff;
	v8 =	vadd.s32 v36, v37;
	v9 =	vor.u32 v41, v23  }
0x54a: {  	v24 =	vld.idx.msk [tilespmem:v24+s17+$0x0], $0xffff;
	v61 =	vor.u32 v41, v34  }
0x54b: {  	v62 =	vadd.s32 v12, v35;
	v21 =	vld.idx.msk [tilespmem:v10+s17+$0x0], $0xffff;
	[tilespmem:v1+s22+$0x0] =	vst.idx.msk $0xffff, v2  }
0x54c: {  	[tilespmem:v3+s22+$0x0] =	vst.idx.msk $0xffff, v0;
	v2 =	vadd.s32 v19, v31;
	v0 =	vld.idx.msk [tilespmem:v4+s17+$0x0], $0xffff  }
0x54d: {  	[tilespmem:v5+s22+$0x0] =	vst.idx.msk $0xffff, v7;
	v4 =	vadd.s32 v19, v29;
	v6 =	vld.idx.msk [tilespmem:v59+s17+$0x0], $0xffff  }
0x54e: {  	v5 =	vadd.s32 v19, v33;
	[tilespmem:v8+s22+$0x0] =	vst.idx.msk $0xffff, v60;
	v7 =	vld.idx.msk [tilespmem:v9+s17+$0x0], $0xffff  }
0x54f: {  	[tilespmem:v42+s22+$0x0] =	vst.idx.msk $0xffff, v24;
	v8 =	vadd.s32 v19, v37;
	v9 =	vld.idx.msk [tilespmem:v61+s17+$0x0], $0xffff  }
0x550: {  	v10 =	vld [tilespmem:$0x1FC50];
	[tilespmem:v62+s22+$0x0] =	vst.idx.msk $0xffff, v21  }
0x551: {  	[tilespmem:v2+s22+$0x0] =	vst.idx.msk $0xffff, v0  }
0x552: {  	[tilespmem:v4+s22+$0x0] =	vst.idx.msk $0xffff, v6  }
0x553: {  	[tilespmem:v5+s22+$0x0] =	vst.idx.msk $0xffff, v7  }
0x554: {  	[tilespmem:v8+s22+$0x0] =	vst.idx.msk $0xffff, v9  }
0x555: {  	v6 =	vld [tilespmem:$0x1FC70];
	_ =	sdelay $0x1  }
0x556: {  	v3 =	vor.u32 v16, v28  }
0x557: {  	v17 =	vld.idx.msk [tilespmem:v10+s17+$0x0], $0xffff;
	_ =	sdelay $0x2  }
0x558: {  	v1 =	vor.u32 v16, v18;
	v18 =	vor.u32 v16, v34  }
0x559: {  	v2 =	vld.idx.msk [tilespmem:v3+s17+$0x0], $0xffff  }
0x55a: {  	v0 =	vadd.s32 v12, v31;
	v4 =	vld.idx.msk [tilespmem:v25+s17+$0x0], $0xffff;
	[tilespmem:v6+s22+$0x0] =	vst.idx.msk $0xffff, v17  }
0x55b: {  	v3 =	vadd.s32 v12, v29;
	v7 =	vld [tilespmem:$0x1FC80]  }
0x55c: {  	v5 =	vld.idx.msk [tilespmem:v22+s17+$0x0], $0xffff  }
0x55d: {  	v63 =	vld.idx.msk [tilespmem:v18+s17+$0x0], $0xffff  }
0x55e: {  	v1 =	vld.idx.msk [tilespmem:v1+s17+$0x0], $0xffff  }
0x55f: {  	[tilespmem:v0+s22+$0x0] =	vst.idx.msk $0xffff, v2  }
0x560: {  	[tilespmem:v3+s22+$0x0] =	vst.idx.msk $0xffff, v4  }
0x561: {  	[tilespmem:v32+s22+$0x0] =	vst.idx.msk $0xffff, v5  }
0x562: {  	[tilespmem:v30+s22+$0x0] =	vst.idx.msk $0xffff, v63  }
0x563: {  	s0 =	simm.s32 $0xC600;
	[tilespmem:v7+s22+$0x0] =	vst.idx.msk $0xffff, v1  }
0x564: {  	[hbm4b:s10+s3] =	stream.linear.scatter [tilespmem:s0], [sflag:$0x4], $0x80, $0x38;
	[tilespmem:$0xE800] =	vst v63  }
0x565: {  	s13 =	simm.s32 $0xC688;
	s1 =	sadd.s32 $0x10, s10  }
0x566: {  	[hbm4b:s1+s3] =	stream.linear.scatter [tilespmem:s13], [sflag:$0x4], $0x80, $0x38;
	[tilespmem:$0xE800] =	vst v63  }
0x567: {  	s20 =	simm.s32 $0xC710;
	s29 =	sadd.s32 $0x20, s10;
	s30 =	simm.s32 $0xC798  }
0x568: {  	[hbm4b:s29+s3] =	stream.linear.scatter [tilespmem:s20], [sflag:$0x4], $0x80, $0x38;
	[tilespmem:$0xE800] =	vst v63  }
0x569: {  	s31 =	sadd.s32 $0x30, s10;
	s12 =	simm.s32 $0xC820;
	s28 =	sadd.s32 $0x4000, s10  }
0x56a: {  	[hbm4b:s31+s3] =	stream.linear.scatter [tilespmem:s30], [sflag:$0x4], $0x80, $0x38;
	[tilespmem:$0xE800] =	vst v63  }
0x56b: {  	s0 =	simm.s32 $0x440;
	s13 =	sadd.s32 $0x40, s10;
	s1 =	simm.s32 $0x2200  }
0x56c: {  	[hbm4b:s13+s3] =	stream.linear.scatter [tilespmem:s12], [sflag:$0x4], $0x80, $0x38;
	[tilespmem:$0xE800] =	vst v63  }
0x56d: {  	s20 =	simm.s32 $0xC8A8;
	s29 =	sadd.s32 $0x50, s10;
	s30 =	simm.s32 $0xC930  }
0x56e: {  	[hbm4b:s29+s3] =	stream.linear.scatter [tilespmem:s20], [sflag:$0x4], $0x80, $0x38;
	[tilespmem:$0xE800] =	vst v63  }
0x56f: {  	s31 =	sadd.s32 $0x60, s10;
	s12 =	simm.s32 $0xC9B8;
	s13 =	sadd.s32 $0x70, s10  }
0x570: {  	v9 =	vmovc v19;
	v10 =	vmov v15;
	v0 =	vmov v13;
	v3 =	vmov v12;
	[hbm4b:s31+s3] =	stream.linear.scatter [tilespmem:s30], [sflag:$0x4], $0x80, $0x38;
	[tilespmem:$0xE800] =	vst v63  }
.LBB2_26:
0x571: {  	[hbm4b:s13+s3] =	stream.linear.scatter [tilespmem:s12], [sflag:$0x4], $0x80, $0x38;
	[tilespmem:$0xE800] =	vst v63  }
0x572: {  	s12 =	smov.u32 s0;
	s0 =	smov.u32 s1  }
0x573: {  	s20 =	sadd.s32 $0x1100, s1;
	s0 =	sshra.s32 s0, $0x2;
	s13 =	sadd.s32 $0xC600, s12  }
0x574: {  	[hbm4b:s28+s3] =	stream.linear.scatter [tilespmem:s13], [sflag:$0x4], $0x80, $0x38;
	[tilespmem:$0xE800] =	vst v63  }
0x575: {  	p0 =	sne.s32 s1, $0x7700;
	s1 =	sadd.s32 $0xC688, s12;
	s13 =	sadd.s32 $0x10, s28  }
0x576: {  	[hbm4b:s13+s3] =	stream.linear.scatter [tilespmem:s1], [sflag:$0x4], $0x80, $0x38;
	[tilespmem:$0xE800] =	vst v63  }
0x577: {  	s1 =	sadd.s32 $0xC710, s12;
	s13 =	sadd.s32 $0x20, s28  }
0x578: {  	[hbm4b:s13+s3] =	stream.linear.scatter [tilespmem:s1], [sflag:$0x4], $0x80, $0x38;
	[tilespmem:$0xE800] =	vst v63  }
0x579: {  	s1 =	sadd.s32 $0xC798, s12;
	s13 =	sadd.s32 $0x30, s28  }
0x57a: {  	[hbm4b:s13+s3] =	stream.linear.scatter [tilespmem:s1], [sflag:$0x4], $0x80, $0x38;
	[tilespmem:$0xE800] =	vst v63  }
0x57b: {  	s1 =	sadd.s32 $0xC820, s12;
	s13 =	sadd.s32 $0x40, s28  }
0x57c: {  	[hbm4b:s13+s3] =	stream.linear.scatter [tilespmem:s1], [sflag:$0x4], $0x80, $0x38;
	[tilespmem:$0xE800] =	vst v63  }
.Ltmp12:
0x57d: {  	s1 =	sadd.s32 $0xC8A8, s12;
	s13 =	sadd.s32 $0x50, s28;
	(pc) =	sbr.rel @p0 .LBB2_26-.Ltmp12, $4  }
0x57e: {  	[hbm4b:s13+s3] =	stream.linear.scatter [tilespmem:s1], [sflag:$0x4], $0x80, $0x38;
	[tilespmem:$0xE800] =	vst v63  }
0x57f: {  	s1 =	sadd.s32 $0xC930, s12;
	s13 =	sadd.s32 $0x60, s28;
	s12 =	sadd.s32 $0xC9B8, s12  }
0x580: {  	[hbm4b:s13+s3] =	stream.linear.scatter [tilespmem:s1], [sflag:$0x4], $0x80, $0x38;
	[tilespmem:$0xE800] =	vst v63  }
0x581: {  	s13 =	sadd.s32 $0x70, s28;
	s28 =	sadd.s32 $0x4000, s28;
	s1 =	smov.u32 s20  }
0x582: {  	[hbm4b:s13+s3] =	stream.linear.scatter [tilespmem:s12], [sflag:$0x4], $0x80, $0x38;
	[tilespmem:$0xE800] =	vst v63  }
0x583: {  	s1 =	sadd.s32 $0xC600, s0  }
0x584: {  	[hbm4b:s28+s3] =	stream.linear.scatter [tilespmem:s1], [sflag:$0x4], $0x80, $0x38;
	[tilespmem:$0xE800] =	vst v63  }
0x585: {  	s30 =	sadd.s32 $0xC688, s0;
	s31 =	sadd.s32 $0x10, s28  }
0x586: {  	[hbm4b:s31+s3] =	stream.linear.scatter [tilespmem:s30], [sflag:$0x4], $0x80, $0x38;
	[tilespmem:$0xE800] =	vst v63  }
0x587: {  	s12 =	sadd.s32 $0xC710, s0;
	s13 =	sadd.s32 $0x20, s28  }
0x588: {  	[hbm4b:s13+s3] =	stream.linear.scatter [tilespmem:s12], [sflag:$0x4], $0x80, $0x38;
	[tilespmem:$0xE800] =	vst v63  }
0x589: {  	s20 =	sadd.s32 $0xC798, s0;
	s29 =	sadd.s32 $0x30, s28  }
0x58a: {  	[hbm4b:s29+s3] =	stream.linear.scatter [tilespmem:s20], [sflag:$0x4], $0x80, $0x38;
	[tilespmem:$0xE800] =	vst v63  }
0x58b: {  	s30 =	sadd.s32 $0xC820, s0;
	s31 =	sadd.s32 $0x40, s28  }
0x58c: {  	[hbm4b:s31+s3] =	stream.linear.scatter [tilespmem:s30], [sflag:$0x4], $0x80, $0x38;
	[tilespmem:$0xE800] =	vst v63  }
0x58d: {  	s12 =	sadd.s32 $0xC8A8, s0;
	s13 =	sadd.s32 $0x50, s28  }
0x58e: {  	[hbm4b:s13+s3] =	stream.linear.scatter [tilespmem:s12], [sflag:$0x4], $0x80, $0x38;
	[tilespmem:$0xE800] =	vst v63  }
0x58f: {  	s20 =	sadd.s32 $0xC930, s0;
	s29 =	sadd.s32 $0x60, s28  }
0x590: {  	[hbm4b:s29+s3] =	stream.linear.scatter [tilespmem:s20], [sflag:$0x4], $0x80, $0x38;
	[tilespmem:$0xE800] =	vst v63  }
0x591: {  	s30 =	sadd.s32 $0xC9B8, s0;
	s31 =	sadd.s32 $0x70, s28  }
0x592: {  	[hbm4b:s31+s3] =	stream.linear.scatter [tilespmem:s30], [sflag:$0x4], $0x80, $0x38;
	[tilespmem:$0xE800] =	vst v63  }
0x593: {  	_ =	swait.ge [sflag:s24], $0x2000  }
0x594: {  	[sflag:s24] =	ssyncset.done $0x0  }
0x595: {  	s26 =	sadd.s32 $0x1, s26;
	[sflag:s24] =	ssyncadd.s32 $0xFFFFE000  }
0x596: {  	p0 =	sne.s32 s26, s11;
	_ =	swait.ge [sflag:s25], $0x2000  }
.Ltmp13:
0x597: {  	v4 =	vld [tilespmem:$0x1FF60];
	(pc) =	sbr.rel @p0 .LBB2_1-.Ltmp13, $4  }
0x598: {  	v12 =	vld [tilespmem:$0x1FF70]  }
0x599: {  	v15 =	vld [tilespmem:$0x1FF90]  }
0x59a: {  	[sflag:s25] =	ssyncset.done $0x0;
	v13 =	vld [tilespmem:$0x1FFA0]  }
0x59b: {  	v14 =	vmov v0;
	v11 =	vld [tilespmem:$0x1FFB0];
	[sflag:s25] =	ssyncadd.s32 $0xFFFFE000  }
0x59c: {  	_ =	sfence.sel $0x180000  }
0x59d: {  	[bflag:$0x0] =	sbarrier.arrive $0xFFFF  }
0x59e: {  	_ =	strace $0x90000047  }
0x59f: {  	s0 =	stileid.u32;
	[bflag:$0x2] =	sbarrier.arrive $0xFFFF  }
0x5a0: {  	p0 =	sne.s32 s0, $0x0;
	s0 =	rddreg [dreg:$0x2]  }
0x5a1: {  	s0 =	sadd.s32 @!p0 $0x100000, s0  }
0x5a2: {  	[sflag:s0] =	ssyncadd.tile.s32 @!p0 $0x1;
	_ =	shalt  }
.Lfunc_end2:
_tile_overlayer_lowered:
.L_overlay_start_2:
0x5a3: {  	(tag) =	ssettag $0x2  }
0x5a4: {  	s0 =	rddreg [dreg:$0x0];
	s2 =	stileid.u32  }
0x5a5: {  	s1 =	rddreg [dreg:$0x1];
	p0 =	sne.s32 s2, $0x0  }
0x5a6: {  	s3 =	rddreg [dreg:$0x2];
	[bflag:$0x3] =	sbarrier.arrive $0xFFFF;
	s2 =	simm.s32 @!p0 $0x1C05  }
0x5a7: {  	[timem:s3], [sflag:s2] =	dma.local @!p0 [hbm:s0], s1  }
0x5a8: {  	s0 =	simm.s32 @!p0 $0x5  }
0x5a9: {  	_ =	swait.ge @!p0 [sflag:s0], s1  }
0x5aa: {  	s1 =	ssub.s32 @!p0 $0x0, s1;
	[sflag:s0] =	ssyncset.done @!p0 $0x0  }
0x5ab: {  	[sflag:s0] =	ssyncadd.s32 @!p0 s1  }
0x5ac: {  	[bflag:$0x3] =	sbarrier.arrive $0xFFFF  }
0x5ad: {  	_ =	shalt  }

</sc_bundles>
